<compile_context>
chip_gen: v7x
topology: tpu7x:2x2x1
jax: 0.10.2.dev20260603
libtpu: 0.0.44.dev20260713+nightly
codegen_flags: <defaults>
</compile_context>

<pallas_src>
import functools

import jax
import jax.numpy as jnp
from jax import lax
from jax.experimental import pallas as pl
from jax.experimental.pallas import tpu as pltpu
from jax.experimental.pallas import tpu_sc as plsc

N = 16384
D = 16
K = 5
ROWS = 128
CHUNK = 8192
NEG = -2.0

NUM_WORKERS = 32
ROWS_SC = N // NUM_WORKERS
TERMS = ROWS_SC * K
GBLK = 128
NBLK = TERMS // GBLK


def _norm_body(x_ref, o_ref):
    x = x_ref[...]
    n = jnp.sqrt(jnp.sum(x * x, axis=1, keepdims=True))
    o_ref[...] = x / jnp.maximum(n, 1e-12)


def _topk_body(rows_ref, colsT_ref, w_ref, idx_ref):
    pid = pl.program_id(0)
    rows = rows_ref[...]
    rowid = pid * ROWS + lax.broadcasted_iota(jnp.int32, (ROWS, 1), 0)
    self_v = jnp.sum(rows * rows, axis=1, keepdims=True)
    lidx = lax.broadcasted_iota(jnp.int32, (ROWS, CHUNK), 1)
    dr = lax.broadcasted_iota(jnp.int32, (CHUNK, 3), 0)
    dc = lax.broadcasted_iota(jnp.int32, (CHUNK, 3), 1)
    digits = jnp.where(
        dc == 0, dr % 16, jnp.where(dc == 1, (dr // 16) % 16, dr // 256)
    ).astype(jnp.float32)
    KO = K - 1
    vs, ix = [], []
    for c in range(N // CHUNK):
        base = c * CHUNK
        cols = colsT_ref[:, pl.ds(base, CHUNK)]
        sim = jnp.dot(rows, cols, preferred_element_type=jnp.float32)
        vals = jnp.where(lidx == rowid - base, NEG, sim)
        s_prev = jnp.dot(vals, digits, preferred_element_type=jnp.float32)
        for r in range(KO):
            m = jnp.max(vals, axis=1, keepdims=True)
            eq = vals == m
            vals = jnp.where(eq, NEG, vals)
            s_new = jnp.dot(vals, digits, preferred_element_type=jnp.float32)
            d = (s_prev - s_new) / (m - NEG)
            di = jnp.floor(d + 0.5).astype(jnp.int32)
            mi = di[:, 2:3] * 256 + di[:, 1:2] * 16 + di[:, 0:1]
            s_prev = s_new
            vs.append(m)
            ix.append(mi + base)
    cand_v = jnp.concatenate(vs, axis=1)
    cand_i = jnp.concatenate(ix, axis=1)
    vs, ix = [], []
    for _ in range(KO):
        m = jnp.max(cand_v, axis=1, keepdims=True)
        eq = cand_v == m
        mi = jnp.min(jnp.where(eq, cand_i, N), axis=1, keepdims=True)
        cand_v = jnp.where(eq & (cand_i == mi), NEG, cand_v)
        vs.append(m)
        ix.append(mi)
    top_v = jnp.concatenate([self_v] + vs, axis=1)
    top_i = jnp.concatenate([rowid] + ix, axis=1)
    top_i = jnp.clip(top_i, 0, N - 1)
    w = top_v * top_v * jnp.float32(0.2)
    w_ref[...] = jnp.concatenate([w, jnp.zeros((ROWS, 8 - K), jnp.float32)], axis=1)
    idx_ref[...] = top_i


def _topk(norm_feat, norm_feat_T):
    return pl.pallas_call(
        _topk_body,
        grid=(N // ROWS,),
        in_specs=[
            pl.BlockSpec((ROWS, D), lambda i: (i, 0)),
            pl.BlockSpec((D, N), lambda i: (0, 0)),
        ],
        out_specs=[
            pl.BlockSpec((ROWS, 8), lambda i: (i, 0)),
            pl.BlockSpec((ROWS, K), lambda i: (i, 0)),
        ],
        out_shape=[
            jax.ShapeDtypeStruct((N, 8), jnp.float32),
            jax.ShapeDtypeStruct((N, K), jnp.int32),
        ],
    )(norm_feat, norm_feat_T)


def _combine_body(table_hbm, idx_hbm, w_hbm, out_hbm, idx_v, rows_v, w_v, out_v, sem):
    c = lax.axis_index("c")
    s = lax.axis_index("s")
    wid = s * 2 + c
    pltpu.sync_copy(idx_hbm.at[wid], idx_v)
    pltpu.sync_copy(w_hbm.at[wid], w_v)
    copies = []
    for b in range(NBLK):
        copies.append(
            pltpu.async_copy(
                table_hbm.at[idx_v.at[b]],
                rows_v.at[pl.ds(b * GBLK, GBLK)],
                sem,
            )
        )
    for cp in copies:
        cp.wait()

    def group_body(g, _):
        wvecs = [w_v[pl.ds(g * 128 + k * 16, 16)] for k in range(8)]
        for rr in range(16):
            acc = jnp.zeros((D,), jnp.float32)
            for j in range(K):
                t = g * (16 * K) + rr * K + j
                p = rr * 8 + j
                acc = acc + rows_v[t, :] * wvecs[p // 16][p % 16]
            out_v[g * 16 + rr, :] = acc
        return 0

    lax.fori_loop(0, ROWS_SC // 16, group_body, 0)
    pltpu.sync_copy(out_v, out_hbm.at[pl.ds(wid * ROWS_SC, ROWS_SC)])


@functools.lru_cache(maxsize=1)
def _combine_kernel():
    return pl.kernel(
        _combine_body,
        out_type=jax.ShapeDtypeStruct((N, D), jnp.float32),
        mesh=plsc.VectorSubcoreMesh(core_axis_name="c", subcore_axis_name="s"),
        scratch_types=[
            pltpu.VMEM((NBLK, GBLK), jnp.int32),
            pltpu.VMEM((TERMS, D), jnp.float32),
            pltpu.VMEM((ROWS_SC * 8,), jnp.float32),
            pltpu.VMEM((ROWS_SC, D), jnp.float32),
            pltpu.SemaphoreType.DMA,
        ],
        compiler_params=pltpu.CompilerParams(use_tc_tiling_on_sc=False),
    )


def kernel(all_feat):
    norm_feat = pl.pallas_call(
        _norm_body,
        out_shape=jax.ShapeDtypeStruct((N, D), jnp.float32),
    )(all_feat)
    w, idx = _topk(norm_feat, norm_feat.T)
    idx_r = idx.reshape(NUM_WORKERS, NBLK, GBLK)
    w_r = w.reshape(NUM_WORKERS, ROWS_SC * 8)
    return _combine_kernel()(all_feat, idx_r, w_r)

# --- scband reference (transcript-rebuilt; emitter-appended) ---
"""Pipeline reference for scband-my-model-61933428410185 (READ-ONLY COPY).

The authoritative reference and input builder live on the scoring server;
editing this copy changes nothing except your own understanding.
"""

import jax, jax.numpy as jnp
import numpy as np

N = 16384
D = 16

def setup_inputs(seed: int = 0) -> dict:
    key = jax.random.key(seed)
    all_feat = jax.random.normal(key, (N, D), dtype=jnp.float32)
    return {"all_feat": all_feat}

def reference(all_feat):
    # F.normalize(p=2, dim=1): x / max(||x||_2, eps)
    norms = jnp.linalg.norm(all_feat, ord=2, axis=1, keepdims=True)
    norm_feat = all_feat / jnp.maximum(norms, 1e-12)
    sim_matrix = norm_feat @ norm_feat.T  # [N, N]
    _, top5_indices = jax.lax.top_k(sim_matrix, 5)  # [N, 5]
    batch_indices = jnp.broadcast_to(jnp.arange(sim_matrix.shape[0])[:, None], top5_indices.shape)
    weights = sim_matrix[batch_indices, top5_indices]  # [N, 5]
    weights = weights ** 2
    selected_features = all_feat[top5_indices]  # [N, 5, D]
    weighted_features = selected_features * weights[..., None]
    ret = weighted_features.mean(axis=1)  # [N, D]
    return ret

if __name__ == "__main__":
    import jax
    _d = setup_inputs()
    print(jax.jit(kernel)(*tuple(_d.values())))

</pallas_src>

<mosaic_0001>
#map = affine_map<(d0, d1) -> (0, 0)>
#map1 = affine_map<(d0, d1) -> (0, 0, 0)>
module attributes {stable_mosaic.version = 14 : i64} {
  func.func @_combine_body(%arg0: i32, %arg1: i32, %arg2: memref<16384x16xf32, #tpu.memory_space<hbm>>, %arg3: memref<32x20x128xi32, #tpu.memory_space<hbm>>, %arg4: memref<32x4096xf32, #tpu.memory_space<hbm>>, %arg5: memref<16384x16xf32, #tpu.memory_space<hbm>>, %arg6: memref<20x128xi32, #tpu.memory_space<vmem>>, %arg7: memref<2560x16xf32, #tpu.memory_space<vmem>>, %arg8: memref<4096xf32, #tpu.memory_space<vmem>>, %arg9: memref<512x16xf32, #tpu.memory_space<vmem>>, %arg10: memref<!tpu.dma_semaphore, #tpu.memory_space<semaphore_mem>>) attributes {dimension_semantics = [#tpu.dimension_semantics<core_parallel>, #tpu.dimension_semantics<subcore_parallel>], iteration_bounds = array<i64: 2, 16>, scalar_prefetch = 0 : i64, scratch_operands = 5 : i64, tpu.core_type = #tpu.core_type<sc_vector_subcore>, window_params = [{transform_indices = #map}, {transform_indices = #map1}, {transform_indices = #map}, {transform_indices = #map}]} {
    %mul3A = arith.constant 2 : i32
    %mul3A_0 = arith.muli %arg1, %mul3A : i32
    %add3A = arith.addi %mul3A_0, %arg0 : i32
    "tpu.region"() ({
      %run_scoped3A = tpu.sem_alloc : memref<!tpu.dma_semaphore, #tpu.memory_space<semaphore_mem>>
      %dma_start3A_407 = arith.constant 0 : i32
      %dma_start3A_408 = arith.constant 0 : i32
      %dma_start3A_409 = tpu.memref_slice %arg3[%add3A, %dma_start3A_407, %dma_start3A_408] : memref<32x20x128xi32, #tpu.memory_space<hbm>> -> memref<1x20x128xi32, #tpu.memory_space<hbm>>
      %dma_start3A_410 = tpu.memref_squeeze %dma_start3A_409 : memref<1x20x128xi32, #tpu.memory_space<hbm>> -> memref<20x128xi32, #tpu.memory_space<hbm>>
      %dma_start3A_411 = arith.constant 0 : i32
      %dma_start3A_412 = arith.constant 0 : i32
      %dma_start3A_413 = tpu.memref_slice %arg3[%add3A, %dma_start3A_411, %dma_start3A_412] : memref<32x20x128xi32, #tpu.memory_space<hbm>> -> memref<1x20x128xi32, #tpu.memory_space<hbm>>
      %dma_start3A_414 = tpu.memref_squeeze %dma_start3A_413 : memref<1x20x128xi32, #tpu.memory_space<hbm>> -> memref<20x128xi32, #tpu.memory_space<hbm>>
      tpu.enqueue_dma source(%dma_start3A_414 : memref<20x128xi32, #tpu.memory_space<hbm>>) target(%arg6 : memref<20x128xi32, #tpu.memory_space<vmem>>) target_semaphore(%run_scoped3A : memref<!tpu.dma_semaphore, #tpu.memory_space<semaphore_mem>>)
      %dma_wait3A_415 = arith.constant 0 : i32
      %dma_wait3A_416 = arith.constant 0 : i32
      %dma_wait3A_417 = tpu.memref_slice %arg3[%add3A, %dma_wait3A_415, %dma_wait3A_416] : memref<32x20x128xi32, #tpu.memory_space<hbm>> -> memref<1x20x128xi32, #tpu.memory_space<hbm>>
      %dma_wait3A_418 = tpu.memref_squeeze %dma_wait3A_417 : memref<1x20x128xi32, #tpu.memory_space<hbm>> -> memref<20x128xi32, #tpu.memory_space<hbm>>
      %dma_wait3A_419 = arith.constant 0 : i32
      %dma_wait3A_420 = arith.constant 0 : i32
      %dma_wait3A_421 = tpu.memref_slice %arg3[%add3A, %dma_wait3A_419, %dma_wait3A_420] : memref<32x20x128xi32, #tpu.memory_space<hbm>> -> memref<1x20x128xi32, #tpu.memory_space<hbm>>
      %dma_wait3A_422 = tpu.memref_squeeze %dma_wait3A_421 : memref<1x20x128xi32, #tpu.memory_space<hbm>> -> memref<20x128xi32, #tpu.memory_space<hbm>>
      tpu.wait_dma2 semaphore(%run_scoped3A : memref<!tpu.dma_semaphore, #tpu.memory_space<semaphore_mem>>) src(%dma_wait3A_422 : memref<20x128xi32, #tpu.memory_space<hbm>>) dst(%arg6 : memref<20x128xi32, #tpu.memory_space<vmem>>)
      tpu.yield
    }) : () -> ()
    "tpu.region"() ({
      %run_scoped3A = tpu.sem_alloc : memref<!tpu.dma_semaphore, #tpu.memory_space<semaphore_mem>>
      %dma_start3A_407 = arith.constant 0 : i32
      %dma_start3A_408 = tpu.memref_slice %arg4[%add3A, %dma_start3A_407] : memref<32x4096xf32, #tpu.memory_space<hbm>> -> memref<1x4096xf32, #tpu.memory_space<hbm>>
      %dma_start3A_409 = tpu.memref_squeeze %dma_start3A_408 : memref<1x4096xf32, #tpu.memory_space<hbm>> -> memref<4096xf32, #tpu.memory_space<hbm>>
      %dma_start3A_410 = arith.constant 0 : i32
      %dma_start3A_411 = tpu.memref_slice %arg4[%add3A, %dma_start3A_410] : memref<32x4096xf32, #tpu.memory_space<hbm>> -> memref<1x4096xf32, #tpu.memory_space<hbm>>
      %dma_start3A_412 = tpu.memref_squeeze %dma_start3A_411 : memref<1x4096xf32, #tpu.memory_space<hbm>> -> memref<4096xf32, #tpu.memory_space<hbm>>
      tpu.enqueue_dma source(%dma_start3A_412 : memref<4096xf32, #tpu.memory_space<hbm>>) target(%arg8 : memref<4096xf32, #tpu.memory_space<vmem>>) target_semaphore(%run_scoped3A : memref<!tpu.dma_semaphore, #tpu.memory_space<semaphore_mem>>)
      %dma_wait3A_413 = arith.constant 0 : i32
      %dma_wait3A_414 = tpu.memref_slice %arg4[%add3A, %dma_wait3A_413] : memref<32x4096xf32, #tpu.memory_space<hbm>> -> memref<1x4096xf32, #tpu.memory_space<hbm>>
      %dma_wait3A_415 = tpu.memref_squeeze %dma_wait3A_414 : memref<1x4096xf32, #tpu.memory_space<hbm>> -> memref<4096xf32, #tpu.memory_space<hbm>>
      %dma_wait3A_416 = arith.constant 0 : i32
      %dma_wait3A_417 = tpu.memref_slice %arg4[%add3A, %dma_wait3A_416] : memref<32x4096xf32, #tpu.memory_space<hbm>> -> memref<1x4096xf32, #tpu.memory_space<hbm>>
      %dma_wait3A_418 = tpu.memref_squeeze %dma_wait3A_417 : memref<1x4096xf32, #tpu.memory_space<hbm>> -> memref<4096xf32, #tpu.memory_space<hbm>>
      tpu.wait_dma2 semaphore(%run_scoped3A : memref<!tpu.dma_semaphore, #tpu.memory_space<semaphore_mem>>) src(%dma_wait3A_418 : memref<4096xf32, #tpu.memory_space<hbm>>) dst(%arg8 : memref<4096xf32, #tpu.memory_space<vmem>>)
      tpu.yield
    }) : () -> ()
    %dma_start3A = arith.constant 0 : i32
    %dma_start3A_1 = arith.constant 0 : i32
    %dma_start3A_2 = arith.constant 0 : i32
    %dma_start3A_3 = tpu.memref_slice %arg7[%dma_start3A_1, %dma_start3A_2] : memref<2560x16xf32, #tpu.memory_space<vmem>> -> memref<128x16xf32, #tpu.memory_space<vmem>>
    %dma_start3A_4 = arith.constant 0 : i32
    %dma_start3A_5 = tpu.memref_slice %arg6[%dma_start3A, %dma_start3A_4] : memref<20x128xi32, #tpu.memory_space<vmem>> -> memref<1x128xi32, #tpu.memory_space<vmem>>
    %dma_start3A_6 = tpu.memref_squeeze %dma_start3A_5 : memref<1x128xi32, #tpu.memory_space<vmem>> -> memref<128xi32, #tpu.memory_space<vmem>>
    %dma_start3A_7 = arith.constant 0 : i32
    %dma_start3A_8 = arith.constant 0 : i32
    %dma_start3A_9 = tpu.memref_slice %arg2[%dma_start3A_7, %dma_start3A_8] : memref<16384x16xf32, #tpu.memory_space<hbm>> -> memref<16384x16xf32, #tpu.memory_space<hbm>>
    tpu.enqueue_indirect_dma source(%dma_start3A_9 : memref<16384x16xf32, #tpu.memory_space<hbm>>) target(%dma_start3A_3 : memref<128x16xf32, #tpu.memory_space<vmem>>) offsets(%dma_start3A_6 : memref<128xi32, #tpu.memory_space<vmem>>) semaphore(%arg10 : memref<!tpu.dma_semaphore, #tpu.memory_space<semaphore_mem>>)
    %dma_start3A_10 = arith.constant 1 : i32
    %dma_start3A_11 = arith.constant 128 : i32
    %dma_start3A_12 = arith.constant 0 : i32
    %dma_start3A_13 = tpu.memref_slice %arg7[%dma_start3A_11, %dma_start3A_12] : memref<2560x16xf32, #tpu.memory_space<vmem>> -> memref<128x16xf32, #tpu.memory_space<vmem>>
    %dma_start3A_14 = arith.constant 0 : i32
    %dma_start3A_15 = tpu.memref_slice %arg6[%dma_start3A_10, %dma_start3A_14] : memref<20x128xi32, #tpu.memory_space<vmem>> -> memref<1x128xi32, #tpu.memory_space<vmem>>
    %dma_start3A_16 = tpu.memref_squeeze %dma_start3A_15 : memref<1x128xi32, #tpu.memory_space<vmem>> -> memref<128xi32, #tpu.memory_space<vmem>>
    %dma_start3A_17 = arith.constant 0 : i32
    %dma_start3A_18 = arith.constant 0 : i32
    %dma_start3A_19 = tpu.memref_slice %arg2[%dma_start3A_17, %dma_start3A_18] : memref<16384x16xf32, #tpu.memory_space<hbm>> -> memref<16384x16xf32, #tpu.memory_space<hbm>>
    tpu.enqueue_indirect_dma source(%dma_start3A_19 : memref<16384x16xf32, #tpu.memory_space<hbm>>) target(%dma_start3A_13 : memref<128x16xf32, #tpu.memory_space<vmem>>) offsets(%dma_start3A_16 : memref<128xi32, #tpu.memory_space<vmem>>) semaphore(%arg10 : memref<!tpu.dma_semaphore, #tpu.memory_space<semaphore_mem>>)
    %dma_start3A_20 = arith.constant 2 : i32
    %dma_start3A_21 = arith.constant 256 : i32
    %dma_start3A_22 = arith.constant 0 : i32
    %dma_start3A_23 = tpu.memref_slice %arg7[%dma_start3A_21, %dma_start3A_22] : memref<2560x16xf32, #tpu.memory_space<vmem>> -> memref<128x16xf32, #tpu.memory_space<vmem>>
    %dma_start3A_24 = arith.constant 0 : i32
    %dma_start3A_25 = tpu.memref_slice %arg6[%dma_start3A_20, %dma_start3A_24] : memref<20x128xi32, #tpu.memory_space<vmem>> -> memref<1x128xi32, #tpu.memory_space<vmem>>
    %dma_start3A_26 = tpu.memref_squeeze %dma_start3A_25 : memref<1x128xi32, #tpu.memory_space<vmem>> -> memref<128xi32, #tpu.memory_space<vmem>>
    %dma_start3A_27 = arith.constant 0 : i32
    %dma_start3A_28 = arith.constant 0 : i32
    %dma_start3A_29 = tpu.memref_slice %arg2[%dma_start3A_27, %dma_start3A_28] : memref<16384x16xf32, #tpu.memory_space<hbm>> -> memref<16384x16xf32, #tpu.memory_space<hbm>>
    tpu.enqueue_indirect_dma source(%dma_start3A_29 : memref<16384x16xf32, #tpu.memory_space<hbm>>) target(%dma_start3A_23 : memref<128x16xf32, #tpu.memory_space<vmem>>) offsets(%dma_start3A_26 : memref<128xi32, #tpu.memory_space<vmem>>) semaphore(%arg10 : memref<!tpu.dma_semaphore, #tpu.memory_space<semaphore_mem>>)
    %dma_start3A_30 = arith.constant 3 : i32
    %dma_start3A_31 = arith.constant 384 : i32
    %dma_start3A_32 = arith.constant 0 : i32
    %dma_start3A_33 = tpu.memref_slice %arg7[%dma_start3A_31, %dma_start3A_32] : memref<2560x16xf32, #tpu.memory_space<vmem>> -> memref<128x16xf32, #tpu.memory_space<vmem>>
    %dma_start3A_34 = arith.constant 0 : i32
    %dma_start3A_35 = tpu.memref_slice %arg6[%dma_start3A_30, %dma_start3A_34] : memref<20x128xi32, #tpu.memory_space<vmem>> -> memref<1x128xi32, #tpu.memory_space<vmem>>
    %dma_start3A_36 = tpu.memref_squeeze %dma_start3A_35 : memref<1x128xi32, #tpu.memory_space<vmem>> -> memref<128xi32, #tpu.memory_space<vmem>>
    %dma_start3A_37 = arith.constant 0 : i32
    %dma_start3A_38 = arith.constant 0 : i32
    %dma_start3A_39 = tpu.memref_slice %arg2[%dma_start3A_37, %dma_start3A_38] : memref<16384x16xf32, #tpu.memory_space<hbm>> -> memref<16384x16xf32, #tpu.memory_space<hbm>>
    tpu.enqueue_indirect_dma source(%dma_start3A_39 : memref<16384x16xf32, #tpu.memory_space<hbm>>) target(%dma_start3A_33 : memref<128x16xf32, #tpu.memory_space<vmem>>) offsets(%dma_start3A_36 : memref<128xi32, #tpu.memory_space<vmem>>) semaphore(%arg10 : memref<!tpu.dma_semaphore, #tpu.memory_space<semaphore_mem>>)
    %dma_start3A_40 = arith.constant 4 : i32
    %dma_start3A_41 = arith.constant 512 : i32
    %dma_start3A_42 = arith.constant 0 : i32
    %dma_start3A_43 = tpu.memref_slice %arg7[%dma_start3A_41, %dma_start3A_42] : memref<2560x16xf32, #tpu.memory_space<vmem>> -> memref<128x16xf32, #tpu.memory_space<vmem>>
    %dma_start3A_44 = arith.constant 0 : i32
    %dma_start3A_45 = tpu.memref_slice %arg6[%dma_start3A_40, %dma_start3A_44] : memref<20x128xi32, #tpu.memory_space<vmem>> -> memref<1x128xi32, #tpu.memory_space<vmem>>
    %dma_start3A_46 = tpu.memref_squeeze %dma_start3A_45 : memref<1x128xi32, #tpu.memory_space<vmem>> -> memref<128xi32, #tpu.memory_space<vmem>>
    %dma_start3A_47 = arith.constant 0 : i32
    %dma_start3A_48 = arith.constant 0 : i32
    %dma_start3A_49 = tpu.memref_slice %arg2[%dma_start3A_47, %dma_start3A_48] : memref<16384x16xf32, #tpu.memory_space<hbm>> -> memref<16384x16xf32, #tpu.memory_space<hbm>>
    tpu.enqueue_indirect_dma source(%dma_start3A_49 : memref<16384x16xf32, #tpu.memory_space<hbm>>) target(%dma_start3A_43 : memref<128x16xf32, #tpu.memory_space<vmem>>) offsets(%dma_start3A_46 : memref<128xi32, #tpu.memory_space<vmem>>) semaphore(%arg10 : memref<!tpu.dma_semaphore, #tpu.memory_space<semaphore_mem>>)
    %dma_start3A_50 = arith.constant 5 : i32
    %dma_start3A_51 = arith.constant 640 : i32
    %dma_start3A_52 = arith.constant 0 : i32
    %dma_start3A_53 = tpu.memref_slice %arg7[%dma_start3A_51, %dma_start3A_52] : memref<2560x16xf32, #tpu.memory_space<vmem>> -> memref<128x16xf32, #tpu.memory_space<vmem>>
    %dma_start3A_54 = arith.constant 0 : i32
    %dma_start3A_55 = tpu.memref_slice %arg6[%dma_start3A_50, %dma_start3A_54] : memref<20x128xi32, #tpu.memory_space<vmem>> -> memref<1x128xi32, #tpu.memory_space<vmem>>
    %dma_start3A_56 = tpu.memref_squeeze %dma_start3A_55 : memref<1x128xi32, #tpu.memory_space<vmem>> -> memref<128xi32, #tpu.memory_space<vmem>>
    %dma_start3A_57 = arith.constant 0 : i32
    %dma_start3A_58 = arith.constant 0 : i32
    %dma_start3A_59 = tpu.memref_slice %arg2[%dma_start3A_57, %dma_start3A_58] : memref<16384x16xf32, #tpu.memory_space<hbm>> -> memref<16384x16xf32, #tpu.memory_space<hbm>>
    tpu.enqueue_indirect_dma source(%dma_start3A_59 : memref<16384x16xf32, #tpu.memory_space<hbm>>) target(%dma_start3A_53 : memref<128x16xf32, #tpu.memory_space<vmem>>) offsets(%dma_start3A_56 : memref<128xi32, #tpu.memory_space<vmem>>) semaphore(%arg10 : memref<!tpu.dma_semaphore, #tpu.memory_space<semaphore_mem>>)
    %dma_start3A_60 = arith.constant 6 : i32
    %dma_start3A_61 = arith.constant 768 : i32
    %dma_start3A_62 = arith.constant 0 : i32
    %dma_start3A_63 = tpu.memref_slice %arg7[%dma_start3A_61, %dma_start3A_62] : memref<2560x16xf32, #tpu.memory_space<vmem>> -> memref<128x16xf32, #tpu.memory_space<vmem>>
    %dma_start3A_64 = arith.constant 0 : i32
    %dma_start3A_65 = tpu.memref_slice %arg6[%dma_start3A_60, %dma_start3A_64] : memref<20x128xi32, #tpu.memory_space<vmem>> -> memref<1x128xi32, #tpu.memory_space<vmem>>
    %dma_start3A_66 = tpu.memref_squeeze %dma_start3A_65 : memref<1x128xi32, #tpu.memory_space<vmem>> -> memref<128xi32, #tpu.memory_space<vmem>>
    %dma_start3A_67 = arith.constant 0 : i32
    %dma_start3A_68 = arith.constant 0 : i32
    %dma_start3A_69 = tpu.memref_slice %arg2[%dma_start3A_67, %dma_start3A_68] : memref<16384x16xf32, #tpu.memory_space<hbm>> -> memref<16384x16xf32, #tpu.memory_space<hbm>>
    tpu.enqueue_indirect_dma source(%dma_start3A_69 : memref<16384x16xf32, #tpu.memory_space<hbm>>) target(%dma_start3A_63 : memref<128x16xf32, #tpu.memory_space<vmem>>) offsets(%dma_start3A_66 : memref<128xi32, #tpu.memory_space<vmem>>) semaphore(%arg10 : memref<!tpu.dma_semaphore, #tpu.memory_space<semaphore_mem>>)
    %dma_start3A_70 = arith.constant 7 : i32
    %dma_start3A_71 = arith.constant 896 : i32
    %dma_start3A_72 = arith.constant 0 : i32
    %dma_start3A_73 = tpu.memref_slice %arg7[%dma_start3A_71, %dma_start3A_72] : memref<2560x16xf32, #tpu.memory_space<vmem>> -> memref<128x16xf32, #tpu.memory_space<vmem>>
    %dma_start3A_74 = arith.constant 0 : i32
    %dma_start3A_75 = tpu.memref_slice %arg6[%dma_start3A_70, %dma_start3A_74] : memref<20x128xi32, #tpu.memory_space<vmem>> -> memref<1x128xi32, #tpu.memory_space<vmem>>
    %dma_start3A_76 = tpu.memref_squeeze %dma_start3A_75 : memref<1x128xi32, #tpu.memory_space<vmem>> -> memref<128xi32, #tpu.memory_space<vmem>>
    %dma_start3A_77 = arith.constant 0 : i32
    %dma_start3A_78 = arith.constant 0 : i32
    %dma_start3A_79 = tpu.memref_slice %arg2[%dma_start3A_77, %dma_start3A_78] : memref<16384x16xf32, #tpu.memory_space<hbm>> -> memref<16384x16xf32, #tpu.memory_space<hbm>>
    tpu.enqueue_indirect_dma source(%dma_start3A_79 : memref<16384x16xf32, #tpu.memory_space<hbm>>) target(%dma_start3A_73 : memref<128x16xf32, #tpu.memory_space<vmem>>) offsets(%dma_start3A_76 : memref<128xi32, #tpu.memory_space<vmem>>) semaphore(%arg10 : memref<!tpu.dma_semaphore, #tpu.memory_space<semaphore_mem>>)
    %dma_start3A_80 = arith.constant 8 : i32
    %dma_start3A_81 = arith.constant 1024 : i32
    %dma_start3A_82 = arith.constant 0 : i32
    %dma_start3A_83 = tpu.memref_slice %arg7[%dma_start3A_81, %dma_start3A_82] : memref<2560x16xf32, #tpu.memory_space<vmem>> -> memref<128x16xf32, #tpu.memory_space<vmem>>
    %dma_start3A_84 = arith.constant 0 : i32
    %dma_start3A_85 = tpu.memref_slice %arg6[%dma_start3A_80, %dma_start3A_84] : memref<20x128xi32, #tpu.memory_space<vmem>> -> memref<1x128xi32, #tpu.memory_space<vmem>>
    %dma_start3A_86 = tpu.memref_squeeze %dma_start3A_85 : memref<1x128xi32, #tpu.memory_space<vmem>> -> memref<128xi32, #tpu.memory_space<vmem>>
    %dma_start3A_87 = arith.constant 0 : i32
    %dma_start3A_88 = arith.constant 0 : i32
    %dma_start3A_89 = tpu.memref_slice %arg2[%dma_start3A_87, %dma_start3A_88] : memref<16384x16xf32, #tpu.memory_space<hbm>> -> memref<16384x16xf32, #tpu.memory_space<hbm>>
    tpu.enqueue_indirect_dma source(%dma_start3A_89 : memref<16384x16xf32, #tpu.memory_space<hbm>>) target(%dma_start3A_83 : memref<128x16xf32, #tpu.memory_space<vmem>>) offsets(%dma_start3A_86 : memref<128xi32, #tpu.memory_space<vmem>>) semaphore(%arg10 : memref<!tpu.dma_semaphore, #tpu.memory_space<semaphore_mem>>)
    %dma_start3A_90 = arith.constant 9 : i32
    %dma_start3A_91 = arith.constant 1152 : i32
    %dma_start3A_92 = arith.constant 0 : i32
    %dma_start3A_93 = tpu.memref_slice %arg7[%dma_start3A_91, %dma_start3A_92] : memref<2560x16xf32, #tpu.memory_space<vmem>> -> memref<128x16xf32, #tpu.memory_space<vmem>>
    %dma_start3A_94 = arith.constant 0 : i32
    %dma_start3A_95 = tpu.memref_slice %arg6[%dma_start3A_90, %dma_start3A_94] : memref<20x128xi32, #tpu.memory_space<vmem>> -> memref<1x128xi32, #tpu.memory_space<vmem>>
    %dma_start3A_96 = tpu.memref_squeeze %dma_start3A_95 : memref<1x128xi32, #tpu.memory_space<vmem>> -> memref<128xi32, #tpu.memory_space<vmem>>
    %dma_start3A_97 = arith.constant 0 : i32
    %dma_start3A_98 = arith.constant 0 : i32
    %dma_start3A_99 = tpu.memref_slice %arg2[%dma_start3A_97, %dma_start3A_98] : memref<16384x16xf32, #tpu.memory_space<hbm>> -> memref<16384x16xf32, #tpu.memory_space<hbm>>
    tpu.enqueue_indirect_dma source(%dma_start3A_99 : memref<16384x16xf32, #tpu.memory_space<hbm>>) target(%dma_start3A_93 : memref<128x16xf32, #tpu.memory_space<vmem>>) offsets(%dma_start3A_96 : memref<128xi32, #tpu.memory_space<vmem>>) semaphore(%arg10 : memref<!tpu.dma_semaphore, #tpu.memory_space<semaphore_mem>>)
    %dma_start3A_100 = arith.constant 10 : i32
    %dma_start3A_101 = arith.constant 1280 : i32
    %dma_start3A_102 = arith.constant 0 : i32
    %dma_start3A_103 = tpu.memref_slice %arg7[%dma_start3A_101, %dma_start3A_102] : memref<2560x16xf32, #tpu.memory_space<vmem>> -> memref<128x16xf32, #tpu.memory_space<vmem>>
    %dma_start3A_104 = arith.constant 0 : i32
    %dma_start3A_105 = tpu.memref_slice %arg6[%dma_start3A_100, %dma_start3A_104] : memref<20x128xi32, #tpu.memory_space<vmem>> -> memref<1x128xi32, #tpu.memory_space<vmem>>
    %dma_start3A_106 = tpu.memref_squeeze %dma_start3A_105 : memref<1x128xi32, #tpu.memory_space<vmem>> -> memref<128xi32, #tpu.memory_space<vmem>>
    %dma_start3A_107 = arith.constant 0 : i32
    %dma_start3A_108 = arith.constant 0 : i32
    %dma_start3A_109 = tpu.memref_slice %arg2[%dma_start3A_107, %dma_start3A_108] : memref<16384x16xf32, #tpu.memory_space<hbm>> -> memref<16384x16xf32, #tpu.memory_space<hbm>>
    tpu.enqueue_indirect_dma source(%dma_start3A_109 : memref<16384x16xf32, #tpu.memory_space<hbm>>) target(%dma_start3A_103 : memref<128x16xf32, #tpu.memory_space<vmem>>) offsets(%dma_start3A_106 : memref<128xi32, #tpu.memory_space<vmem>>) semaphore(%arg10 : memref<!tpu.dma_semaphore, #tpu.memory_space<semaphore_mem>>)
    %dma_start3A_110 = arith.constant 11 : i32
    %dma_start3A_111 = arith.constant 1408 : i32
    %dma_start3A_112 = arith.constant 0 : i32
    %dma_start3A_113 = tpu.memref_slice %arg7[%dma_start3A_111, %dma_start3A_112] : memref<2560x16xf32, #tpu.memory_space<vmem>> -> memref<128x16xf32, #tpu.memory_space<vmem>>
    %dma_start3A_114 = arith.constant 0 : i32
    %dma_start3A_115 = tpu.memref_slice %arg6[%dma_start3A_110, %dma_start3A_114] : memref<20x128xi32, #tpu.memory_space<vmem>> -> memref<1x128xi32, #tpu.memory_space<vmem>>
    %dma_start3A_116 = tpu.memref_squeeze %dma_start3A_115 : memref<1x128xi32, #tpu.memory_space<vmem>> -> memref<128xi32, #tpu.memory_space<vmem>>
    %dma_start3A_117 = arith.constant 0 : i32
    %dma_start3A_118 = arith.constant 0 : i32
    %dma_start3A_119 = tpu.memref_slice %arg2[%dma_start3A_117, %dma_start3A_118] : memref<16384x16xf32, #tpu.memory_space<hbm>> -> memref<16384x16xf32, #tpu.memory_space<hbm>>
    tpu.enqueue_indirect_dma source(%dma_start3A_119 : memref<16384x16xf32, #tpu.memory_space<hbm>>) target(%dma_start3A_113 : memref<128x16xf32, #tpu.memory_space<vmem>>) offsets(%dma_start3A_116 : memref<128xi32, #tpu.memory_space<vmem>>) semaphore(%arg10 : memref<!tpu.dma_semaphore, #tpu.memory_space<semaphore_mem>>)
    %dma_start3A_120 = arith.constant 12 : i32
    %dma_start3A_121 = arith.constant 1536 : i32
    %dma_start3A_122 = arith.constant 0 : i32
    %dma_start3A_123 = tpu.memref_slice %arg7[%dma_start3A_121, %dma_start3A_122] : memref<2560x16xf32, #tpu.memory_space<vmem>> -> memref<128x16xf32, #tpu.memory_space<vmem>>
    %dma_start3A_124 = arith.constant 0 : i32
    %dma_start3A_125 = tpu.memref_slice %arg6[%dma_start3A_120, %dma_start3A_124] : memref<20x128xi32, #tpu.memory_space<vmem>> -> memref<1x128xi32, #tpu.memory_space<vmem>>
    %dma_start3A_126 = tpu.memref_squeeze %dma_start3A_125 : memref<1x128xi32, #tpu.memory_space<vmem>> -> memref<128xi32, #tpu.memory_space<vmem>>
    %dma_start3A_127 = arith.constant 0 : i32
    %dma_start3A_128 = arith.constant 0 : i32
    %dma_start3A_129 = tpu.memref_slice %arg2[%dma_start3A_127, %dma_start3A_128] : memref<16384x16xf32, #tpu.memory_space<hbm>> -> memref<16384x16xf32, #tpu.memory_space<hbm>>
    tpu.enqueue_indirect_dma source(%dma_start3A_129 : memref<16384x16xf32, #tpu.memory_space<hbm>>) target(%dma_start3A_123 : memref<128x16xf32, #tpu.memory_space<vmem>>) offsets(%dma_start3A_126 : memref<128xi32, #tpu.memory_space<vmem>>) semaphore(%arg10 : memref<!tpu.dma_semaphore, #tpu.memory_space<semaphore_mem>>)
    %dma_start3A_130 = arith.constant 13 : i32
    %dma_start3A_131 = arith.constant 1664 : i32
    %dma_start3A_132 = arith.constant 0 : i32
    %dma_start3A_133 = tpu.memref_slice %arg7[%dma_start3A_131, %dma_start3A_132] : memref<2560x16xf32, #tpu.memory_space<vmem>> -> memref<128x16xf32, #tpu.memory_space<vmem>>
    %dma_start3A_134 = arith.constant 0 : i32
    %dma_start3A_135 = tpu.memref_slice %arg6[%dma_start3A_130, %dma_start3A_134] : memref<20x128xi32, #tpu.memory_space<vmem>> -> memref<1x128xi32, #tpu.memory_space<vmem>>
    %dma_start3A_136 = tpu.memref_squeeze %dma_start3A_135 : memref<1x128xi32, #tpu.memory_space<vmem>> -> memref<128xi32, #tpu.memory_space<vmem>>
    %dma_start3A_137 = arith.constant 0 : i32
    %dma_start3A_138 = arith.constant 0 : i32
    %dma_start3A_139 = tpu.memref_slice %arg2[%dma_start3A_137, %dma_start3A_138] : memref<16384x16xf32, #tpu.memory_space<hbm>> -> memref<16384x16xf32, #tpu.memory_space<hbm>>
    tpu.enqueue_indirect_dma source(%dma_start3A_139 : memref<16384x16xf32, #tpu.memory_space<hbm>>) target(%dma_start3A_133 : memref<128x16xf32, #tpu.memory_space<vmem>>) offsets(%dma_start3A_136 : memref<128xi32, #tpu.memory_space<vmem>>) semaphore(%arg10 : memref<!tpu.dma_semaphore, #tpu.memory_space<semaphore_mem>>)
    %dma_start3A_140 = arith.constant 14 : i32
    %dma_start3A_141 = arith.constant 1792 : i32
    %dma_start3A_142 = arith.constant 0 : i32
    %dma_start3A_143 = tpu.memref_slice %arg7[%dma_start3A_141, %dma_start3A_142] : memref<2560x16xf32, #tpu.memory_space<vmem>> -> memref<128x16xf32, #tpu.memory_space<vmem>>
    %dma_start3A_144 = arith.constant 0 : i32
    %dma_start3A_145 = tpu.memref_slice %arg6[%dma_start3A_140, %dma_start3A_144] : memref<20x128xi32, #tpu.memory_space<vmem>> -> memref<1x128xi32, #tpu.memory_space<vmem>>
    %dma_start3A_146 = tpu.memref_squeeze %dma_start3A_145 : memref<1x128xi32, #tpu.memory_space<vmem>> -> memref<128xi32, #tpu.memory_space<vmem>>
    %dma_start3A_147 = arith.constant 0 : i32
    %dma_start3A_148 = arith.constant 0 : i32
    %dma_start3A_149 = tpu.memref_slice %arg2[%dma_start3A_147, %dma_start3A_148] : memref<16384x16xf32, #tpu.memory_space<hbm>> -> memref<16384x16xf32, #tpu.memory_space<hbm>>
    tpu.enqueue_indirect_dma source(%dma_start3A_149 : memref<16384x16xf32, #tpu.memory_space<hbm>>) target(%dma_start3A_143 : memref<128x16xf32, #tpu.memory_space<vmem>>) offsets(%dma_start3A_146 : memref<128xi32, #tpu.memory_space<vmem>>) semaphore(%arg10 : memref<!tpu.dma_semaphore, #tpu.memory_space<semaphore_mem>>)
    %dma_start3A_150 = arith.constant 15 : i32
    %dma_start3A_151 = arith.constant 1920 : i32
    %dma_start3A_152 = arith.constant 0 : i32
    %dma_start3A_153 = tpu.memref_slice %arg7[%dma_start3A_151, %dma_start3A_152] : memref<2560x16xf32, #tpu.memory_space<vmem>> -> memref<128x16xf32, #tpu.memory_space<vmem>>
    %dma_start3A_154 = arith.constant 0 : i32
    %dma_start3A_155 = tpu.memref_slice %arg6[%dma_start3A_150, %dma_start3A_154] : memref<20x128xi32, #tpu.memory_space<vmem>> -> memref<1x128xi32, #tpu.memory_space<vmem>>
    %dma_start3A_156 = tpu.memref_squeeze %dma_start3A_155 : memref<1x128xi32, #tpu.memory_space<vmem>> -> memref<128xi32, #tpu.memory_space<vmem>>
    %dma_start3A_157 = arith.constant 0 : i32
    %dma_start3A_158 = arith.constant 0 : i32
    %dma_start3A_159 = tpu.memref_slice %arg2[%dma_start3A_157, %dma_start3A_158] : memref<16384x16xf32, #tpu.memory_space<hbm>> -> memref<16384x16xf32, #tpu.memory_space<hbm>>
    tpu.enqueue_indirect_dma source(%dma_start3A_159 : memref<16384x16xf32, #tpu.memory_space<hbm>>) target(%dma_start3A_153 : memref<128x16xf32, #tpu.memory_space<vmem>>) offsets(%dma_start3A_156 : memref<128xi32, #tpu.memory_space<vmem>>) semaphore(%arg10 : memref<!tpu.dma_semaphore, #tpu.memory_space<semaphore_mem>>)
    %dma_start3A_160 = arith.constant 16 : i32
    %dma_start3A_161 = arith.constant 2048 : i32
    %dma_start3A_162 = arith.constant 0 : i32
    %dma_start3A_163 = tpu.memref_slice %arg7[%dma_start3A_161, %dma_start3A_162] : memref<2560x16xf32, #tpu.memory_space<vmem>> -> memref<128x16xf32, #tpu.memory_space<vmem>>
    %dma_start3A_164 = arith.constant 0 : i32
    %dma_start3A_165 = tpu.memref_slice %arg6[%dma_start3A_160, %dma_start3A_164] : memref<20x128xi32, #tpu.memory_space<vmem>> -> memref<1x128xi32, #tpu.memory_space<vmem>>
    %dma_start3A_166 = tpu.memref_squeeze %dma_start3A_165 : memref<1x128xi32, #tpu.memory_space<vmem>> -> memref<128xi32, #tpu.memory_space<vmem>>
    %dma_start3A_167 = arith.constant 0 : i32
    %dma_start3A_168 = arith.constant 0 : i32
    %dma_start3A_169 = tpu.memref_slice %arg2[%dma_start3A_167, %dma_start3A_168] : memref<16384x16xf32, #tpu.memory_space<hbm>> -> memref<16384x16xf32, #tpu.memory_space<hbm>>
    tpu.enqueue_indirect_dma source(%dma_start3A_169 : memref<16384x16xf32, #tpu.memory_space<hbm>>) target(%dma_start3A_163 : memref<128x16xf32, #tpu.memory_space<vmem>>) offsets(%dma_start3A_166 : memref<128xi32, #tpu.memory_space<vmem>>) semaphore(%arg10 : memref<!tpu.dma_semaphore, #tpu.memory_space<semaphore_mem>>)
    %dma_start3A_170 = arith.constant 17 : i32
    %dma_start3A_171 = arith.constant 2176 : i32
    %dma_start3A_172 = arith.constant 0 : i32
    %dma_start3A_173 = tpu.memref_slice %arg7[%dma_start3A_171, %dma_start3A_172] : memref<2560x16xf32, #tpu.memory_space<vmem>> -> memref<128x16xf32, #tpu.memory_space<vmem>>
    %dma_start3A_174 = arith.constant 0 : i32
    %dma_start3A_175 = tpu.memref_slice %arg6[%dma_start3A_170, %dma_start3A_174] : memref<20x128xi32, #tpu.memory_space<vmem>> -> memref<1x128xi32, #tpu.memory_space<vmem>>
    %dma_start3A_176 = tpu.memref_squeeze %dma_start3A_175 : memref<1x128xi32, #tpu.memory_space<vmem>> -> memref<128xi32, #tpu.memory_space<vmem>>
    %dma_start3A_177 = arith.constant 0 : i32
    %dma_start3A_178 = arith.constant 0 : i32
    %dma_start3A_179 = tpu.memref_slice %arg2[%dma_start3A_177, %dma_start3A_178] : memref<16384x16xf32, #tpu.memory_space<hbm>> -> memref<16384x16xf32, #tpu.memory_space<hbm>>
    tpu.enqueue_indirect_dma source(%dma_start3A_179 : memref<16384x16xf32, #tpu.memory_space<hbm>>) target(%dma_start3A_173 : memref<128x16xf32, #tpu.memory_space<vmem>>) offsets(%dma_start3A_176 : memref<128xi32, #tpu.memory_space<vmem>>) semaphore(%arg10 : memref<!tpu.dma_semaphore, #tpu.memory_space<semaphore_mem>>)
    %dma_start3A_180 = arith.constant 18 : i32
    %dma_start3A_181 = arith.constant 2304 : i32
    %dma_start3A_182 = arith.constant 0 : i32
    %dma_start3A_183 = tpu.memref_slice %arg7[%dma_start3A_181, %dma_start3A_182] : memref<2560x16xf32, #tpu.memory_space<vmem>> -> memref<128x16xf32, #tpu.memory_space<vmem>>
    %dma_start3A_184 = arith.constant 0 : i32
    %dma_start3A_185 = tpu.memref_slice %arg6[%dma_start3A_180, %dma_start3A_184] : memref<20x128xi32, #tpu.memory_space<vmem>> -> memref<1x128xi32, #tpu.memory_space<vmem>>
    %dma_start3A_186 = tpu.memref_squeeze %dma_start3A_185 : memref<1x128xi32, #tpu.memory_space<vmem>> -> memref<128xi32, #tpu.memory_space<vmem>>
    %dma_start3A_187 = arith.constant 0 : i32
    %dma_start3A_188 = arith.constant 0 : i32
    %dma_start3A_189 = tpu.memref_slice %arg2[%dma_start3A_187, %dma_start3A_188] : memref<16384x16xf32, #tpu.memory_space<hbm>> -> memref<16384x16xf32, #tpu.memory_space<hbm>>
    tpu.enqueue_indirect_dma source(%dma_start3A_189 : memref<16384x16xf32, #tpu.memory_space<hbm>>) target(%dma_start3A_183 : memref<128x16xf32, #tpu.memory_space<vmem>>) offsets(%dma_start3A_186 : memref<128xi32, #tpu.memory_space<vmem>>) semaphore(%arg10 : memref<!tpu.dma_semaphore, #tpu.memory_space<semaphore_mem>>)
    %dma_start3A_190 = arith.constant 19 : i32
    %dma_start3A_191 = arith.constant 2432 : i32
    %dma_start3A_192 = arith.constant 0 : i32
    %dma_start3A_193 = tpu.memref_slice %arg7[%dma_start3A_191, %dma_start3A_192] : memref<2560x16xf32, #tpu.memory_space<vmem>> -> memref<128x16xf32, #tpu.memory_space<vmem>>
    %dma_start3A_194 = arith.constant 0 : i32
    %dma_start3A_195 = tpu.memref_slice %arg6[%dma_start3A_190, %dma_start3A_194] : memref<20x128xi32, #tpu.memory_space<vmem>> -> memref<1x128xi32, #tpu.memory_space<vmem>>
    %dma_start3A_196 = tpu.memref_squeeze %dma_start3A_195 : memref<1x128xi32, #tpu.memory_space<vmem>> -> memref<128xi32, #tpu.memory_space<vmem>>
    %dma_start3A_197 = arith.constant 0 : i32
    %dma_start3A_198 = arith.constant 0 : i32
    %dma_start3A_199 = tpu.memref_slice %arg2[%dma_start3A_197, %dma_start3A_198] : memref<16384x16xf32, #tpu.memory_space<hbm>> -> memref<16384x16xf32, #tpu.memory_space<hbm>>
    tpu.enqueue_indirect_dma source(%dma_start3A_199 : memref<16384x16xf32, #tpu.memory_space<hbm>>) target(%dma_start3A_193 : memref<128x16xf32, #tpu.memory_space<vmem>>) offsets(%dma_start3A_196 : memref<128xi32, #tpu.memory_space<vmem>>) semaphore(%arg10 : memref<!tpu.dma_semaphore, #tpu.memory_space<semaphore_mem>>)
    %dma_wait3A = arith.constant 0 : i32
    %dma_wait3A_200 = arith.constant 0 : i32
    %dma_wait3A_201 = arith.constant 0 : i32
    %dma_wait3A_202 = tpu.memref_slice %arg7[%dma_wait3A_200, %dma_wait3A_201] : memref<2560x16xf32, #tpu.memory_space<vmem>> -> memref<128x16xf32, #tpu.memory_space<vmem>>
    %dma_wait3A_203 = arith.constant 0 : i32
    %dma_wait3A_204 = tpu.memref_slice %arg6[%dma_wait3A, %dma_wait3A_203] : memref<20x128xi32, #tpu.memory_space<vmem>> -> memref<1x128xi32, #tpu.memory_space<vmem>>
    %dma_wait3A_205 = tpu.memref_squeeze %dma_wait3A_204 : memref<1x128xi32, #tpu.memory_space<vmem>> -> memref<128xi32, #tpu.memory_space<vmem>>
    %dma_wait3A_206 = arith.constant 0 : i32
    %dma_wait3A_207 = arith.constant 0 : i32
    %dma_wait3A_208 = tpu.memref_slice %arg2[%dma_wait3A_206, %dma_wait3A_207] : memref<16384x16xf32, #tpu.memory_space<hbm>> -> memref<16384x16xf32, #tpu.memory_space<hbm>>
    tpu.wait_indirect_dma semaphore(%arg10 : memref<!tpu.dma_semaphore, #tpu.memory_space<semaphore_mem>>) src(%dma_wait3A_208 : memref<16384x16xf32, #tpu.memory_space<hbm>>) dst(%dma_wait3A_202 : memref<128x16xf32, #tpu.memory_space<vmem>>)
    %dma_wait3A_209 = arith.constant 1 : i32
    %dma_wait3A_210 = arith.constant 128 : i32
    %dma_wait3A_211 = arith.constant 0 : i32
    %dma_wait3A_212 = tpu.memref_slice %arg7[%dma_wait3A_210, %dma_wait3A_211] : memref<2560x16xf32, #tpu.memory_space<vmem>> -> memref<128x16xf32, #tpu.memory_space<vmem>>
    %dma_wait3A_213 = arith.constant 0 : i32
    %dma_wait3A_214 = tpu.memref_slice %arg6[%dma_wait3A_209, %dma_wait3A_213] : memref<20x128xi32, #tpu.memory_space<vmem>> -> memref<1x128xi32, #tpu.memory_space<vmem>>
    %dma_wait3A_215 = tpu.memref_squeeze %dma_wait3A_214 : memref<1x128xi32, #tpu.memory_space<vmem>> -> memref<128xi32, #tpu.memory_space<vmem>>
    %dma_wait3A_216 = arith.constant 0 : i32
    %dma_wait3A_217 = arith.constant 0 : i32
    %dma_wait3A_218 = tpu.memref_slice %arg2[%dma_wait3A_216, %dma_wait3A_217] : memref<16384x16xf32, #tpu.memory_space<hbm>> -> memref<16384x16xf32, #tpu.memory_space<hbm>>
    tpu.wait_indirect_dma semaphore(%arg10 : memref<!tpu.dma_semaphore, #tpu.memory_space<semaphore_mem>>) src(%dma_wait3A_218 : memref<16384x16xf32, #tpu.memory_space<hbm>>) dst(%dma_wait3A_212 : memref<128x16xf32, #tpu.memory_space<vmem>>)
    %dma_wait3A_219 = arith.constant 2 : i32
    %dma_wait3A_220 = arith.constant 256 : i32
    %dma_wait3A_221 = arith.constant 0 : i32
    %dma_wait3A_222 = tpu.memref_slice %arg7[%dma_wait3A_220, %dma_wait3A_221] : memref<2560x16xf32, #tpu.memory_space<vmem>> -> memref<128x16xf32, #tpu.memory_space<vmem>>
    %dma_wait3A_223 = arith.constant 0 : i32
    %dma_wait3A_224 = tpu.memref_slice %arg6[%dma_wait3A_219, %dma_wait3A_223] : memref<20x128xi32, #tpu.memory_space<vmem>> -> memref<1x128xi32, #tpu.memory_space<vmem>>
    %dma_wait3A_225 = tpu.memref_squeeze %dma_wait3A_224 : memref<1x128xi32, #tpu.memory_space<vmem>> -> memref<128xi32, #tpu.memory_space<vmem>>
    %dma_wait3A_226 = arith.constant 0 : i32
    %dma_wait3A_227 = arith.constant 0 : i32
    %dma_wait3A_228 = tpu.memref_slice %arg2[%dma_wait3A_226, %dma_wait3A_227] : memref<16384x16xf32, #tpu.memory_space<hbm>> -> memref<16384x16xf32, #tpu.memory_space<hbm>>
    tpu.wait_indirect_dma semaphore(%arg10 : memref<!tpu.dma_semaphore, #tpu.memory_space<semaphore_mem>>) src(%dma_wait3A_228 : memref<16384x16xf32, #tpu.memory_space<hbm>>) dst(%dma_wait3A_222 : memref<128x16xf32, #tpu.memory_space<vmem>>)
    %dma_wait3A_229 = arith.constant 3 : i32
    %dma_wait3A_230 = arith.constant 384 : i32
    %dma_wait3A_231 = arith.constant 0 : i32
    %dma_wait3A_232 = tpu.memref_slice %arg7[%dma_wait3A_230, %dma_wait3A_231] : memref<2560x16xf32, #tpu.memory_space<vmem>> -> memref<128x16xf32, #tpu.memory_space<vmem>>
    %dma_wait3A_233 = arith.constant 0 : i32
    %dma_wait3A_234 = tpu.memref_slice %arg6[%dma_wait3A_229, %dma_wait3A_233] : memref<20x128xi32, #tpu.memory_space<vmem>> -> memref<1x128xi32, #tpu.memory_space<vmem>>
    %dma_wait3A_235 = tpu.memref_squeeze %dma_wait3A_234 : memref<1x128xi32, #tpu.memory_space<vmem>> -> memref<128xi32, #tpu.memory_space<vmem>>
    %dma_wait3A_236 = arith.constant 0 : i32
    %dma_wait3A_237 = arith.constant 0 : i32
    %dma_wait3A_238 = tpu.memref_slice %arg2[%dma_wait3A_236, %dma_wait3A_237] : memref<16384x16xf32, #tpu.memory_space<hbm>> -> memref<16384x16xf32, #tpu.memory_space<hbm>>
    tpu.wait_indirect_dma semaphore(%arg10 : memref<!tpu.dma_semaphore, #tpu.memory_space<semaphore_mem>>) src(%dma_wait3A_238 : memref<16384x16xf32, #tpu.memory_space<hbm>>) dst(%dma_wait3A_232 : memref<128x16xf32, #tpu.memory_space<vmem>>)
    %dma_wait3A_239 = arith.constant 4 : i32
    %dma_wait3A_240 = arith.constant 512 : i32
    %dma_wait3A_241 = arith.constant 0 : i32
    %dma_wait3A_242 = tpu.memref_slice %arg7[%dma_wait3A_240, %dma_wait3A_241] : memref<2560x16xf32, #tpu.memory_space<vmem>> -> memref<128x16xf32, #tpu.memory_space<vmem>>
    %dma_wait3A_243 = arith.constant 0 : i32
    %dma_wait3A_244 = tpu.memref_slice %arg6[%dma_wait3A_239, %dma_wait3A_243] : memref<20x128xi32, #tpu.memory_space<vmem>> -> memref<1x128xi32, #tpu.memory_space<vmem>>
    %dma_wait3A_245 = tpu.memref_squeeze %dma_wait3A_244 : memref<1x128xi32, #tpu.memory_space<vmem>> -> memref<128xi32, #tpu.memory_space<vmem>>
    %dma_wait3A_246 = arith.constant 0 : i32
    %dma_wait3A_247 = arith.constant 0 : i32
    %dma_wait3A_248 = tpu.memref_slice %arg2[%dma_wait3A_246, %dma_wait3A_247] : memref<16384x16xf32, #tpu.memory_space<hbm>> -> memref<16384x16xf32, #tpu.memory_space<hbm>>
    tpu.wait_indirect_dma semaphore(%arg10 : memref<!tpu.dma_semaphore, #tpu.memory_space<semaphore_mem>>) src(%dma_wait3A_248 : memref<16384x16xf32, #tpu.memory_space<hbm>>) dst(%dma_wait3A_242 : memref<128x16xf32, #tpu.memory_space<vmem>>)
    %dma_wait3A_249 = arith.constant 5 : i32
    %dma_wait3A_250 = arith.constant 640 : i32
    %dma_wait3A_251 = arith.constant 0 : i32
    %dma_wait3A_252 = tpu.memref_slice %arg7[%dma_wait3A_250, %dma_wait3A_251] : memref<2560x16xf32, #tpu.memory_space<vmem>> -> memref<128x16xf32, #tpu.memory_space<vmem>>
    %dma_wait3A_253 = arith.constant 0 : i32
    %dma_wait3A_254 = tpu.memref_slice %arg6[%dma_wait3A_249, %dma_wait3A_253] : memref<20x128xi32, #tpu.memory_space<vmem>> -> memref<1x128xi32, #tpu.memory_space<vmem>>
    %dma_wait3A_255 = tpu.memref_squeeze %dma_wait3A_254 : memref<1x128xi32, #tpu.memory_space<vmem>> -> memref<128xi32, #tpu.memory_space<vmem>>
    %dma_wait3A_256 = arith.constant 0 : i32
    %dma_wait3A_257 = arith.constant 0 : i32
    %dma_wait3A_258 = tpu.memref_slice %arg2[%dma_wait3A_256, %dma_wait3A_257] : memref<16384x16xf32, #tpu.memory_space<hbm>> -> memref<16384x16xf32, #tpu.memory_space<hbm>>
    tpu.wait_indirect_dma semaphore(%arg10 : memref<!tpu.dma_semaphore, #tpu.memory_space<semaphore_mem>>) src(%dma_wait3A_258 : memref<16384x16xf32, #tpu.memory_space<hbm>>) dst(%dma_wait3A_252 : memref<128x16xf32, #tpu.memory_space<vmem>>)
    %dma_wait3A_259 = arith.constant 6 : i32
    %dma_wait3A_260 = arith.constant 768 : i32
    %dma_wait3A_261 = arith.constant 0 : i32
    %dma_wait3A_262 = tpu.memref_slice %arg7[%dma_wait3A_260, %dma_wait3A_261] : memref<2560x16xf32, #tpu.memory_space<vmem>> -> memref<128x16xf32, #tpu.memory_space<vmem>>
    %dma_wait3A_263 = arith.constant 0 : i32
    %dma_wait3A_264 = tpu.memref_slice %arg6[%dma_wait3A_259, %dma_wait3A_263] : memref<20x128xi32, #tpu.memory_space<vmem>> -> memref<1x128xi32, #tpu.memory_space<vmem>>
    %dma_wait3A_265 = tpu.memref_squeeze %dma_wait3A_264 : memref<1x128xi32, #tpu.memory_space<vmem>> -> memref<128xi32, #tpu.memory_space<vmem>>
    %dma_wait3A_266 = arith.constant 0 : i32
    %dma_wait3A_267 = arith.constant 0 : i32
    %dma_wait3A_268 = tpu.memref_slice %arg2[%dma_wait3A_266, %dma_wait3A_267] : memref<16384x16xf32, #tpu.memory_space<hbm>> -> memref<16384x16xf32, #tpu.memory_space<hbm>>
    tpu.wait_indirect_dma semaphore(%arg10 : memref<!tpu.dma_semaphore, #tpu.memory_space<semaphore_mem>>) src(%dma_wait3A_268 : memref<16384x16xf32, #tpu.memory_space<hbm>>) dst(%dma_wait3A_262 : memref<128x16xf32, #tpu.memory_space<vmem>>)
    %dma_wait3A_269 = arith.constant 7 : i32
    %dma_wait3A_270 = arith.constant 896 : i32
    %dma_wait3A_271 = arith.constant 0 : i32
    %dma_wait3A_272 = tpu.memref_slice %arg7[%dma_wait3A_270, %dma_wait3A_271] : memref<2560x16xf32, #tpu.memory_space<vmem>> -> memref<128x16xf32, #tpu.memory_space<vmem>>
    %dma_wait3A_273 = arith.constant 0 : i32
    %dma_wait3A_274 = tpu.memref_slice %arg6[%dma_wait3A_269, %dma_wait3A_273] : memref<20x128xi32, #tpu.memory_space<vmem>> -> memref<1x128xi32, #tpu.memory_space<vmem>>
    %dma_wait3A_275 = tpu.memref_squeeze %dma_wait3A_274 : memref<1x128xi32, #tpu.memory_space<vmem>> -> memref<128xi32, #tpu.memory_space<vmem>>
    %dma_wait3A_276 = arith.constant 0 : i32
    %dma_wait3A_277 = arith.constant 0 : i32
    %dma_wait3A_278 = tpu.memref_slice %arg2[%dma_wait3A_276, %dma_wait3A_277] : memref<16384x16xf32, #tpu.memory_space<hbm>> -> memref<16384x16xf32, #tpu.memory_space<hbm>>
    tpu.wait_indirect_dma semaphore(%arg10 : memref<!tpu.dma_semaphore, #tpu.memory_space<semaphore_mem>>) src(%dma_wait3A_278 : memref<16384x16xf32, #tpu.memory_space<hbm>>) dst(%dma_wait3A_272 : memref<128x16xf32, #tpu.memory_space<vmem>>)
    %dma_wait3A_279 = arith.constant 8 : i32
    %dma_wait3A_280 = arith.constant 1024 : i32
    %dma_wait3A_281 = arith.constant 0 : i32
    %dma_wait3A_282 = tpu.memref_slice %arg7[%dma_wait3A_280, %dma_wait3A_281] : memref<2560x16xf32, #tpu.memory_space<vmem>> -> memref<128x16xf32, #tpu.memory_space<vmem>>
    %dma_wait3A_283 = arith.constant 0 : i32
    %dma_wait3A_284 = tpu.memref_slice %arg6[%dma_wait3A_279, %dma_wait3A_283] : memref<20x128xi32, #tpu.memory_space<vmem>> -> memref<1x128xi32, #tpu.memory_space<vmem>>
    %dma_wait3A_285 = tpu.memref_squeeze %dma_wait3A_284 : memref<1x128xi32, #tpu.memory_space<vmem>> -> memref<128xi32, #tpu.memory_space<vmem>>
    %dma_wait3A_286 = arith.constant 0 : i32
    %dma_wait3A_287 = arith.constant 0 : i32
    %dma_wait3A_288 = tpu.memref_slice %arg2[%dma_wait3A_286, %dma_wait3A_287] : memref<16384x16xf32, #tpu.memory_space<hbm>> -> memref<16384x16xf32, #tpu.memory_space<hbm>>
    tpu.wait_indirect_dma semaphore(%arg10 : memref<!tpu.dma_semaphore, #tpu.memory_space<semaphore_mem>>) src(%dma_wait3A_288 : memref<16384x16xf32, #tpu.memory_space<hbm>>) dst(%dma_wait3A_282 : memref<128x16xf32, #tpu.memory_space<vmem>>)
    %dma_wait3A_289 = arith.constant 9 : i32
    %dma_wait3A_290 = arith.constant 1152 : i32
    %dma_wait3A_291 = arith.constant 0 : i32
    %dma_wait3A_292 = tpu.memref_slice %arg7[%dma_wait3A_290, %dma_wait3A_291] : memref<2560x16xf32, #tpu.memory_space<vmem>> -> memref<128x16xf32, #tpu.memory_space<vmem>>
    %dma_wait3A_293 = arith.constant 0 : i32
    %dma_wait3A_294 = tpu.memref_slice %arg6[%dma_wait3A_289, %dma_wait3A_293] : memref<20x128xi32, #tpu.memory_space<vmem>> -> memref<1x128xi32, #tpu.memory_space<vmem>>
    %dma_wait3A_295 = tpu.memref_squeeze %dma_wait3A_294 : memref<1x128xi32, #tpu.memory_space<vmem>> -> memref<128xi32, #tpu.memory_space<vmem>>
    %dma_wait3A_296 = arith.constant 0 : i32
    %dma_wait3A_297 = arith.constant 0 : i32
    %dma_wait3A_298 = tpu.memref_slice %arg2[%dma_wait3A_296, %dma_wait3A_297] : memref<16384x16xf32, #tpu.memory_space<hbm>> -> memref<16384x16xf32, #tpu.memory_space<hbm>>
    tpu.wait_indirect_dma semaphore(%arg10 : memref<!tpu.dma_semaphore, #tpu.memory_space<semaphore_mem>>) src(%dma_wait3A_298 : memref<16384x16xf32, #tpu.memory_space<hbm>>) dst(%dma_wait3A_292 : memref<128x16xf32, #tpu.memory_space<vmem>>)
    %dma_wait3A_299 = arith.constant 10 : i32
    %dma_wait3A_300 = arith.constant 1280 : i32
    %dma_wait3A_301 = arith.constant 0 : i32
    %dma_wait3A_302 = tpu.memref_slice %arg7[%dma_wait3A_300, %dma_wait3A_301] : memref<2560x16xf32, #tpu.memory_space<vmem>> -> memref<128x16xf32, #tpu.memory_space<vmem>>
    %dma_wait3A_303 = arith.constant 0 : i32
    %dma_wait3A_304 = tpu.memref_slice %arg6[%dma_wait3A_299, %dma_wait3A_303] : memref<20x128xi32, #tpu.memory_space<vmem>> -> memref<1x128xi32, #tpu.memory_space<vmem>>
    %dma_wait3A_305 = tpu.memref_squeeze %dma_wait3A_304 : memref<1x128xi32, #tpu.memory_space<vmem>> -> memref<128xi32, #tpu.memory_space<vmem>>
    %dma_wait3A_306 = arith.constant 0 : i32
    %dma_wait3A_307 = arith.constant 0 : i32
    %dma_wait3A_308 = tpu.memref_slice %arg2[%dma_wait3A_306, %dma_wait3A_307] : memref<16384x16xf32, #tpu.memory_space<hbm>> -> memref<16384x16xf32, #tpu.memory_space<hbm>>
    tpu.wait_indirect_dma semaphore(%arg10 : memref<!tpu.dma_semaphore, #tpu.memory_space<semaphore_mem>>) src(%dma_wait3A_308 : memref<16384x16xf32, #tpu.memory_space<hbm>>) dst(%dma_wait3A_302 : memref<128x16xf32, #tpu.memory_space<vmem>>)
    %dma_wait3A_309 = arith.constant 11 : i32
    %dma_wait3A_310 = arith.constant 1408 : i32
    %dma_wait3A_311 = arith.constant 0 : i32
    %dma_wait3A_312 = tpu.memref_slice %arg7[%dma_wait3A_310, %dma_wait3A_311] : memref<2560x16xf32, #tpu.memory_space<vmem>> -> memref<128x16xf32, #tpu.memory_space<vmem>>
    %dma_wait3A_313 = arith.constant 0 : i32
    %dma_wait3A_314 = tpu.memref_slice %arg6[%dma_wait3A_309, %dma_wait3A_313] : memref<20x128xi32, #tpu.memory_space<vmem>> -> memref<1x128xi32, #tpu.memory_space<vmem>>
    %dma_wait3A_315 = tpu.memref_squeeze %dma_wait3A_314 : memref<1x128xi32, #tpu.memory_space<vmem>> -> memref<128xi32, #tpu.memory_space<vmem>>
    %dma_wait3A_316 = arith.constant 0 : i32
    %dma_wait3A_317 = arith.constant 0 : i32
    %dma_wait3A_318 = tpu.memref_slice %arg2[%dma_wait3A_316, %dma_wait3A_317] : memref<16384x16xf32, #tpu.memory_space<hbm>> -> memref<16384x16xf32, #tpu.memory_space<hbm>>
    tpu.wait_indirect_dma semaphore(%arg10 : memref<!tpu.dma_semaphore, #tpu.memory_space<semaphore_mem>>) src(%dma_wait3A_318 : memref<16384x16xf32, #tpu.memory_space<hbm>>) dst(%dma_wait3A_312 : memref<128x16xf32, #tpu.memory_space<vmem>>)
    %dma_wait3A_319 = arith.constant 12 : i32
    %dma_wait3A_320 = arith.constant 1536 : i32
    %dma_wait3A_321 = arith.constant 0 : i32
    %dma_wait3A_322 = tpu.memref_slice %arg7[%dma_wait3A_320, %dma_wait3A_321] : memref<2560x16xf32, #tpu.memory_space<vmem>> -> memref<128x16xf32, #tpu.memory_space<vmem>>
    %dma_wait3A_323 = arith.constant 0 : i32
    %dma_wait3A_324 = tpu.memref_slice %arg6[%dma_wait3A_319, %dma_wait3A_323] : memref<20x128xi32, #tpu.memory_space<vmem>> -> memref<1x128xi32, #tpu.memory_space<vmem>>
    %dma_wait3A_325 = tpu.memref_squeeze %dma_wait3A_324 : memref<1x128xi32, #tpu.memory_space<vmem>> -> memref<128xi32, #tpu.memory_space<vmem>>
    %dma_wait3A_326 = arith.constant 0 : i32
    %dma_wait3A_327 = arith.constant 0 : i32
    %dma_wait3A_328 = tpu.memref_slice %arg2[%dma_wait3A_326, %dma_wait3A_327] : memref<16384x16xf32, #tpu.memory_space<hbm>> -> memref<16384x16xf32, #tpu.memory_space<hbm>>
    tpu.wait_indirect_dma semaphore(%arg10 : memref<!tpu.dma_semaphore, #tpu.memory_space<semaphore_mem>>) src(%dma_wait3A_328 : memref<16384x16xf32, #tpu.memory_space<hbm>>) dst(%dma_wait3A_322 : memref<128x16xf32, #tpu.memory_space<vmem>>)
    %dma_wait3A_329 = arith.constant 13 : i32
    %dma_wait3A_330 = arith.constant 1664 : i32
    %dma_wait3A_331 = arith.constant 0 : i32
    %dma_wait3A_332 = tpu.memref_slice %arg7[%dma_wait3A_330, %dma_wait3A_331] : memref<2560x16xf32, #tpu.memory_space<vmem>> -> memref<128x16xf32, #tpu.memory_space<vmem>>
    %dma_wait3A_333 = arith.constant 0 : i32
    %dma_wait3A_334 = tpu.memref_slice %arg6[%dma_wait3A_329, %dma_wait3A_333] : memref<20x128xi32, #tpu.memory_space<vmem>> -> memref<1x128xi32, #tpu.memory_space<vmem>>
    %dma_wait3A_335 = tpu.memref_squeeze %dma_wait3A_334 : memref<1x128xi32, #tpu.memory_space<vmem>> -> memref<128xi32, #tpu.memory_space<vmem>>
    %dma_wait3A_336 = arith.constant 0 : i32
    %dma_wait3A_337 = arith.constant 0 : i32
    %dma_wait3A_338 = tpu.memref_slice %arg2[%dma_wait3A_336, %dma_wait3A_337] : memref<16384x16xf32, #tpu.memory_space<hbm>> -> memref<16384x16xf32, #tpu.memory_space<hbm>>
    tpu.wait_indirect_dma semaphore(%arg10 : memref<!tpu.dma_semaphore, #tpu.memory_space<semaphore_mem>>) src(%dma_wait3A_338 : memref<16384x16xf32, #tpu.memory_space<hbm>>) dst(%dma_wait3A_332 : memref<128x16xf32, #tpu.memory_space<vmem>>)
    %dma_wait3A_339 = arith.constant 14 : i32
    %dma_wait3A_340 = arith.constant 1792 : i32
    %dma_wait3A_341 = arith.constant 0 : i32
    %dma_wait3A_342 = tpu.memref_slice %arg7[%dma_wait3A_340, %dma_wait3A_341] : memref<2560x16xf32, #tpu.memory_space<vmem>> -> memref<128x16xf32, #tpu.memory_space<vmem>>
    %dma_wait3A_343 = arith.constant 0 : i32
    %dma_wait3A_344 = tpu.memref_slice %arg6[%dma_wait3A_339, %dma_wait3A_343] : memref<20x128xi32, #tpu.memory_space<vmem>> -> memref<1x128xi32, #tpu.memory_space<vmem>>
    %dma_wait3A_345 = tpu.memref_squeeze %dma_wait3A_344 : memref<1x128xi32, #tpu.memory_space<vmem>> -> memref<128xi32, #tpu.memory_space<vmem>>
    %dma_wait3A_346 = arith.constant 0 : i32
    %dma_wait3A_347 = arith.constant 0 : i32
    %dma_wait3A_348 = tpu.memref_slice %arg2[%dma_wait3A_346, %dma_wait3A_347] : memref<16384x16xf32, #tpu.memory_space<hbm>> -> memref<16384x16xf32, #tpu.memory_space<hbm>>
    tpu.wait_indirect_dma semaphore(%arg10 : memref<!tpu.dma_semaphore, #tpu.memory_space<semaphore_mem>>) src(%dma_wait3A_348 : memref<16384x16xf32, #tpu.memory_space<hbm>>) dst(%dma_wait3A_342 : memref<128x16xf32, #tpu.memory_space<vmem>>)
    %dma_wait3A_349 = arith.constant 15 : i32
    %dma_wait3A_350 = arith.constant 1920 : i32
    %dma_wait3A_351 = arith.constant 0 : i32
    %dma_wait3A_352 = tpu.memref_slice %arg7[%dma_wait3A_350, %dma_wait3A_351] : memref<2560x16xf32, #tpu.memory_space<vmem>> -> memref<128x16xf32, #tpu.memory_space<vmem>>
    %dma_wait3A_353 = arith.constant 0 : i32
    %dma_wait3A_354 = tpu.memref_slice %arg6[%dma_wait3A_349, %dma_wait3A_353] : memref<20x128xi32, #tpu.memory_space<vmem>> -> memref<1x128xi32, #tpu.memory_space<vmem>>
    %dma_wait3A_355 = tpu.memref_squeeze %dma_wait3A_354 : memref<1x128xi32, #tpu.memory_space<vmem>> -> memref<128xi32, #tpu.memory_space<vmem>>
    %dma_wait3A_356 = arith.constant 0 : i32
    %dma_wait3A_357 = arith.constant 0 : i32
    %dma_wait3A_358 = tpu.memref_slice %arg2[%dma_wait3A_356, %dma_wait3A_357] : memref<16384x16xf32, #tpu.memory_space<hbm>> -> memref<16384x16xf32, #tpu.memory_space<hbm>>
    tpu.wait_indirect_dma semaphore(%arg10 : memref<!tpu.dma_semaphore, #tpu.memory_space<semaphore_mem>>) src(%dma_wait3A_358 : memref<16384x16xf32, #tpu.memory_space<hbm>>) dst(%dma_wait3A_352 : memref<128x16xf32, #tpu.memory_space<vmem>>)
    %dma_wait3A_359 = arith.constant 16 : i32
    %dma_wait3A_360 = arith.constant 2048 : i32
    %dma_wait3A_361 = arith.constant 0 : i32
    %dma_wait3A_362 = tpu.memref_slice %arg7[%dma_wait3A_360, %dma_wait3A_361] : memref<2560x16xf32, #tpu.memory_space<vmem>> -> memref<128x16xf32, #tpu.memory_space<vmem>>
    %dma_wait3A_363 = arith.constant 0 : i32
    %dma_wait3A_364 = tpu.memref_slice %arg6[%dma_wait3A_359, %dma_wait3A_363] : memref<20x128xi32, #tpu.memory_space<vmem>> -> memref<1x128xi32, #tpu.memory_space<vmem>>
    %dma_wait3A_365 = tpu.memref_squeeze %dma_wait3A_364 : memref<1x128xi32, #tpu.memory_space<vmem>> -> memref<128xi32, #tpu.memory_space<vmem>>
    %dma_wait3A_366 = arith.constant 0 : i32
    %dma_wait3A_367 = arith.constant 0 : i32
    %dma_wait3A_368 = tpu.memref_slice %arg2[%dma_wait3A_366, %dma_wait3A_367] : memref<16384x16xf32, #tpu.memory_space<hbm>> -> memref<16384x16xf32, #tpu.memory_space<hbm>>
    tpu.wait_indirect_dma semaphore(%arg10 : memref<!tpu.dma_semaphore, #tpu.memory_space<semaphore_mem>>) src(%dma_wait3A_368 : memref<16384x16xf32, #tpu.memory_space<hbm>>) dst(%dma_wait3A_362 : memref<128x16xf32, #tpu.memory_space<vmem>>)
    %dma_wait3A_369 = arith.constant 17 : i32
    %dma_wait3A_370 = arith.constant 2176 : i32
    %dma_wait3A_371 = arith.constant 0 : i32
    %dma_wait3A_372 = tpu.memref_slice %arg7[%dma_wait3A_370, %dma_wait3A_371] : memref<2560x16xf32, #tpu.memory_space<vmem>> -> memref<128x16xf32, #tpu.memory_space<vmem>>
    %dma_wait3A_373 = arith.constant 0 : i32
    %dma_wait3A_374 = tpu.memref_slice %arg6[%dma_wait3A_369, %dma_wait3A_373] : memref<20x128xi32, #tpu.memory_space<vmem>> -> memref<1x128xi32, #tpu.memory_space<vmem>>
    %dma_wait3A_375 = tpu.memref_squeeze %dma_wait3A_374 : memref<1x128xi32, #tpu.memory_space<vmem>> -> memref<128xi32, #tpu.memory_space<vmem>>
    %dma_wait3A_376 = arith.constant 0 : i32
    %dma_wait3A_377 = arith.constant 0 : i32
    %dma_wait3A_378 = tpu.memref_slice %arg2[%dma_wait3A_376, %dma_wait3A_377] : memref<16384x16xf32, #tpu.memory_space<hbm>> -> memref<16384x16xf32, #tpu.memory_space<hbm>>
    tpu.wait_indirect_dma semaphore(%arg10 : memref<!tpu.dma_semaphore, #tpu.memory_space<semaphore_mem>>) src(%dma_wait3A_378 : memref<16384x16xf32, #tpu.memory_space<hbm>>) dst(%dma_wait3A_372 : memref<128x16xf32, #tpu.memory_space<vmem>>)
    %dma_wait3A_379 = arith.constant 18 : i32
    %dma_wait3A_380 = arith.constant 2304 : i32
    %dma_wait3A_381 = arith.constant 0 : i32
    %dma_wait3A_382 = tpu.memref_slice %arg7[%dma_wait3A_380, %dma_wait3A_381] : memref<2560x16xf32, #tpu.memory_space<vmem>> -> memref<128x16xf32, #tpu.memory_space<vmem>>
    %dma_wait3A_383 = arith.constant 0 : i32
    %dma_wait3A_384 = tpu.memref_slice %arg6[%dma_wait3A_379, %dma_wait3A_383] : memref<20x128xi32, #tpu.memory_space<vmem>> -> memref<1x128xi32, #tpu.memory_space<vmem>>
    %dma_wait3A_385 = tpu.memref_squeeze %dma_wait3A_384 : memref<1x128xi32, #tpu.memory_space<vmem>> -> memref<128xi32, #tpu.memory_space<vmem>>
    %dma_wait3A_386 = arith.constant 0 : i32
    %dma_wait3A_387 = arith.constant 0 : i32
    %dma_wait3A_388 = tpu.memref_slice %arg2[%dma_wait3A_386, %dma_wait3A_387] : memref<16384x16xf32, #tpu.memory_space<hbm>> -> memref<16384x16xf32, #tpu.memory_space<hbm>>
    tpu.wait_indirect_dma semaphore(%arg10 : memref<!tpu.dma_semaphore, #tpu.memory_space<semaphore_mem>>) src(%dma_wait3A_388 : memref<16384x16xf32, #tpu.memory_space<hbm>>) dst(%dma_wait3A_382 : memref<128x16xf32, #tpu.memory_space<vmem>>)
    %dma_wait3A_389 = arith.constant 19 : i32
    %dma_wait3A_390 = arith.constant 2432 : i32
    %dma_wait3A_391 = arith.constant 0 : i32
    %dma_wait3A_392 = tpu.memref_slice %arg7[%dma_wait3A_390, %dma_wait3A_391] : memref<2560x16xf32, #tpu.memory_space<vmem>> -> memref<128x16xf32, #tpu.memory_space<vmem>>
    %dma_wait3A_393 = arith.constant 0 : i32
    %dma_wait3A_394 = tpu.memref_slice %arg6[%dma_wait3A_389, %dma_wait3A_393] : memref<20x128xi32, #tpu.memory_space<vmem>> -> memref<1x128xi32, #tpu.memory_space<vmem>>
    %dma_wait3A_395 = tpu.memref_squeeze %dma_wait3A_394 : memref<1x128xi32, #tpu.memory_space<vmem>> -> memref<128xi32, #tpu.memory_space<vmem>>
    %dma_wait3A_396 = arith.constant 0 : i32
    %dma_wait3A_397 = arith.constant 0 : i32
    %dma_wait3A_398 = tpu.memref_slice %arg2[%dma_wait3A_396, %dma_wait3A_397] : memref<16384x16xf32, #tpu.memory_space<hbm>> -> memref<16384x16xf32, #tpu.memory_space<hbm>>
    tpu.wait_indirect_dma semaphore(%arg10 : memref<!tpu.dma_semaphore, #tpu.memory_space<semaphore_mem>>) src(%dma_wait3A_398 : memref<16384x16xf32, #tpu.memory_space<hbm>>) dst(%dma_wait3A_392 : memref<128x16xf32, #tpu.memory_space<vmem>>)
    %scan3A = arith.constant 0 : i32
    %scan3A_399 = arith.constant 0 : i32
    %scan3A_400 = arith.constant 32 : i32
    %scan3A_401 = arith.addi %scan3A_399, %scan3A_400 : i32
    %scan3A_402 = arith.constant 1 : i32
    %scan3A_403 = scf.for %scan3A_407 = %scan3A_399 to %scan3A_401 step %scan3A_402 iter_args(%scan3A_408 = %scan3A) -> (i32)  : i32 {
      %mul3A_409 = arith.constant 128 : i32
      %mul3A_410 = arith.muli %scan3A_407, %mul3A_409 : i32
      %add3A_411 = arith.constant 0 : i32
      %add3A_412 = arith.addi %mul3A_410, %add3A_411 : i32
      %get3A = arith.index_cast %add3A_412 : i32 to index
      %get3A_413 = tpu.vector_load %arg8[%get3A] {strides = array<i32>} : memref<4096xf32, #tpu.memory_space<vmem>>, vector<16xf32>,
      %get3A_414 = vector.shape_cast %get3A_413 : vector<16xf32> to vector<16xf32>
      %mul3A_415 = arith.constant 128 : i32
      %mul3A_416 = arith.muli %scan3A_407, %mul3A_415 : i32
      %add3A_417 = arith.constant 16 : i32
      %add3A_418 = arith.addi %mul3A_416, %add3A_417 : i32
      %get3A_419 = arith.index_cast %add3A_418 : i32 to index
      %get3A_420 = tpu.vector_load %arg8[%get3A_419] {strides = array<i32>} : memref<4096xf32, #tpu.memory_space<vmem>>, vector<16xf32>,
      %get3A_421 = vector.shape_cast %get3A_420 : vector<16xf32> to vector<16xf32>
      %mul3A_422 = arith.constant 128 : i32
      %mul3A_423 = arith.muli %scan3A_407, %mul3A_422 : i32
      %add3A_424 = arith.constant 32 : i32
      %add3A_425 = arith.addi %mul3A_423, %add3A_424 : i32
      %get3A_426 = arith.index_cast %add3A_425 : i32 to index
      %get3A_427 = tpu.vector_load %arg8[%get3A_426] {strides = array<i32>} : memref<4096xf32, #tpu.memory_space<vmem>>, vector<16xf32>,
      %get3A_428 = vector.shape_cast %get3A_427 : vector<16xf32> to vector<16xf32>
      %mul3A_429 = arith.constant 128 : i32
      %mul3A_430 = arith.muli %scan3A_407, %mul3A_429 : i32
      %add3A_431 = arith.constant 48 : i32
      %add3A_432 = arith.addi %mul3A_430, %add3A_431 : i32
      %get3A_433 = arith.index_cast %add3A_432 : i32 to index
      %get3A_434 = tpu.vector_load %arg8[%get3A_433] {strides = array<i32>} : memref<4096xf32, #tpu.memory_space<vmem>>, vector<16xf32>,
      %get3A_435 = vector.shape_cast %get3A_434 : vector<16xf32> to vector<16xf32>
      %mul3A_436 = arith.constant 128 : i32
      %mul3A_437 = arith.muli %scan3A_407, %mul3A_436 : i32
      %add3A_438 = arith.constant 64 : i32
      %add3A_439 = arith.addi %mul3A_437, %add3A_438 : i32
      %get3A_440 = arith.index_cast %add3A_439 : i32 to index
      %get3A_441 = tpu.vector_load %arg8[%get3A_440] {strides = array<i32>} : memref<4096xf32, #tpu.memory_space<vmem>>, vector<16xf32>,
      %get3A_442 = vector.shape_cast %get3A_441 : vector<16xf32> to vector<16xf32>
      %mul3A_443 = arith.constant 128 : i32
      %mul3A_444 = arith.muli %scan3A_407, %mul3A_443 : i32
      %add3A_445 = arith.constant 80 : i32
      %add3A_446 = arith.addi %mul3A_444, %add3A_445 : i32
      %get3A_447 = arith.index_cast %add3A_446 : i32 to index
      %get3A_448 = tpu.vector_load %arg8[%get3A_447] {strides = array<i32>} : memref<4096xf32, #tpu.memory_space<vmem>>, vector<16xf32>,
      %get3A_449 = vector.shape_cast %get3A_448 : vector<16xf32> to vector<16xf32>
      %mul3A_450 = arith.constant 128 : i32
      %mul3A_451 = arith.muli %scan3A_407, %mul3A_450 : i32
      %add3A_452 = arith.constant 96 : i32
      %add3A_453 = arith.addi %mul3A_451, %add3A_452 : i32
      %get3A_454 = arith.index_cast %add3A_453 : i32 to index
      %get3A_455 = tpu.vector_load %arg8[%get3A_454] {strides = array<i32>} : memref<4096xf32, #tpu.memory_space<vmem>>, vector<16xf32>,
      %get3A_456 = vector.shape_cast %get3A_455 : vector<16xf32> to vector<16xf32>
      %mul3A_457 = arith.constant 128 : i32
      %mul3A_458 = arith.muli %scan3A_407, %mul3A_457 : i32
      %add3A_459 = arith.constant 112 : i32
      %add3A_460 = arith.addi %mul3A_458, %add3A_459 : i32
      %get3A_461 = arith.index_cast %add3A_460 : i32 to index
      %get3A_462 = tpu.vector_load %arg8[%get3A_461] {strides = array<i32>} : memref<4096xf32, #tpu.memory_space<vmem>>, vector<16xf32>,
      %get3A_463 = vector.shape_cast %get3A_462 : vector<16xf32> to vector<16xf32>
      %broadcast_in_dim3A = arith.constant 0.000000e+00 : f32
      %broadcast_in_dim3A_464 = vector.broadcast %broadcast_in_dim3A : f32 to vector<16xf32>
      %mul3A_465 = arith.constant 80 : i32
      %mul3A_466 = arith.muli %scan3A_407, %mul3A_465 : i32
      %add3A_467 = arith.constant 0 : i32
      %add3A_468 = arith.addi %mul3A_466, %add3A_467 : i32
      %add3A_469 = arith.constant 0 : i32
      %add3A_470 = arith.addi %add3A_468, %add3A_469 : i32
      %get3A_471 = arith.index_cast %add3A_470 : i32 to index
      %get3A_472 = arith.constant 0 : index
      %get3A_473 = tpu.vector_load %arg7[%get3A_471, %get3A_472] {strides = array<i32>} : memref<2560x16xf32, #tpu.memory_space<vmem>>, vector<1x16xf32>,
      %get3A_474 = vector.shape_cast %get3A_473 : vector<1x16xf32> to vector<16xf32>
      %slice3A = vector.extract_strided_slice %get3A_414 {offsets = [0], sizes = [1], strides = [1]} : vector<16xf32> to vector<1xf32>
      %squeeze3A = vector.extract %slice3A[0] : f32 from vector<1xf32>
      %mul3A_475 = vector.broadcast %squeeze3A : f32 to vector<16xf32>
      %mul3A_476 = arith.mulf %get3A_474, %mul3A_475 : vector<16xf32>
      %add3A_477 = arith.addf %broadcast_in_dim3A_464, %mul3A_476 : vector<16xf32>
      %mul3A_478 = arith.constant 80 : i32
      %mul3A_479 = arith.muli %scan3A_407, %mul3A_478 : i32
      %add3A_480 = arith.constant 0 : i32
      %add3A_481 = arith.addi %mul3A_479, %add3A_480 : i32
      %add3A_482 = arith.constant 1 : i32
      %add3A_483 = arith.addi %add3A_481, %add3A_482 : i32
      %get3A_484 = arith.index_cast %add3A_483 : i32 to index
      %get3A_485 = arith.constant 0 : index
      %get3A_486 = tpu.vector_load %arg7[%get3A_484, %get3A_485] {strides = array<i32>} : memref<2560x16xf32, #tpu.memory_space<vmem>>, vector<1x16xf32>,
      %get3A_487 = vector.shape_cast %get3A_486 : vector<1x16xf32> to vector<16xf32>
      %slice3A_488 = vector.extract_strided_slice %get3A_414 {offsets = [1], sizes = [1], strides = [1]} : vector<16xf32> to vector<1xf32>
      %squeeze3A_489 = vector.extract %slice3A_488[0] : f32 from vector<1xf32>
      %mul3A_490 = vector.broadcast %squeeze3A_489 : f32 to vector<16xf32>
      %mul3A_491 = arith.mulf %get3A_487, %mul3A_490 : vector<16xf32>
      %add3A_492 = arith.addf %add3A_477, %mul3A_491 : vector<16xf32>
      %mul3A_493 = arith.constant 80 : i32
      %mul3A_494 = arith.muli %scan3A_407, %mul3A_493 : i32
      %add3A_495 = arith.constant 0 : i32
      %add3A_496 = arith.addi %mul3A_494, %add3A_495 : i32
      %add3A_497 = arith.constant 2 : i32
      %add3A_498 = arith.addi %add3A_496, %add3A_497 : i32
      %get3A_499 = arith.index_cast %add3A_498 : i32 to index
      %get3A_500 = arith.constant 0 : index
      %get3A_501 = tpu.vector_load %arg7[%get3A_499, %get3A_500] {strides = array<i32>} : memref<2560x16xf32, #tpu.memory_space<vmem>>, vector<1x16xf32>,
      %get3A_502 = vector.shape_cast %get3A_501 : vector<1x16xf32> to vector<16xf32>
      %slice3A_503 = vector.extract_strided_slice %get3A_414 {offsets = [2], sizes = [1], strides = [1]} : vector<16xf32> to vector<1xf32>
      %squeeze3A_504 = vector.extract %slice3A_503[0] : f32 from vector<1xf32>
      %mul3A_505 = vector.broadcast %squeeze3A_504 : f32 to vector<16xf32>
      %mul3A_506 = arith.mulf %get3A_502, %mul3A_505 : vector<16xf32>
      %add3A_507 = arith.addf %add3A_492, %mul3A_506 : vector<16xf32>
      %mul3A_508 = arith.constant 80 : i32
      %mul3A_509 = arith.muli %scan3A_407, %mul3A_508 : i32
      %add3A_510 = arith.constant 0 : i32
      %add3A_511 = arith.addi %mul3A_509, %add3A_510 : i32
      %add3A_512 = arith.constant 3 : i32
      %add3A_513 = arith.addi %add3A_511, %add3A_512 : i32
      %get3A_514 = arith.index_cast %add3A_513 : i32 to index
      %get3A_515 = arith.constant 0 : index
      %get3A_516 = tpu.vector_load %arg7[%get3A_514, %get3A_515] {strides = array<i32>} : memref<2560x16xf32, #tpu.memory_space<vmem>>, vector<1x16xf32>,
      %get3A_517 = vector.shape_cast %get3A_516 : vector<1x16xf32> to vector<16xf32>
      %slice3A_518 = vector.extract_strided_slice %get3A_414 {offsets = [3], sizes = [1], strides = [1]} : vector<16xf32> to vector<1xf32>
      %squeeze3A_519 = vector.extract %slice3A_518[0] : f32 from vector<1xf32>
      %mul3A_520 = vector.broadcast %squeeze3A_519 : f32 to vector<16xf32>
      %mul3A_521 = arith.mulf %get3A_517, %mul3A_520 : vector<16xf32>
      %add3A_522 = arith.addf %add3A_507, %mul3A_521 : vector<16xf32>
      %mul3A_523 = arith.constant 80 : i32
      %mul3A_524 = arith.muli %scan3A_407, %mul3A_523 : i32
      %add3A_525 = arith.constant 0 : i32
      %add3A_526 = arith.addi %mul3A_524, %add3A_525 : i32
      %add3A_527 = arith.constant 4 : i32
      %add3A_528 = arith.addi %add3A_526, %add3A_527 : i32
      %get3A_529 = arith.index_cast %add3A_528 : i32 to index
      %get3A_530 = arith.constant 0 : index
      %get3A_531 = tpu.vector_load %arg7[%get3A_529, %get3A_530] {strides = array<i32>} : memref<2560x16xf32, #tpu.memory_space<vmem>>, vector<1x16xf32>,
      %get3A_532 = vector.shape_cast %get3A_531 : vector<1x16xf32> to vector<16xf32>
      %slice3A_533 = vector.extract_strided_slice %get3A_414 {offsets = [4], sizes = [1], strides = [1]} : vector<16xf32> to vector<1xf32>
      %squeeze3A_534 = vector.extract %slice3A_533[0] : f32 from vector<1xf32>
      %mul3A_535 = vector.broadcast %squeeze3A_534 : f32 to vector<16xf32>
      %mul3A_536 = arith.mulf %get3A_532, %mul3A_535 : vector<16xf32>
      %add3A_537 = arith.addf %add3A_522, %mul3A_536 : vector<16xf32>
      %mul3A_538 = arith.constant 16 : i32
      %mul3A_539 = arith.muli %scan3A_407, %mul3A_538 : i32
      %add3A_540 = arith.constant 0 : i32
      %add3A_541 = arith.addi %mul3A_539, %add3A_540 : i32
      %swap3A = arith.index_cast %add3A_541 : i32 to index
      %swap3A_542 = arith.constant 0 : index
      %swap3A_543 = tpu.vector_load %arg9[%swap3A, %swap3A_542] {strides = array<i32>} : memref<512x16xf32, #tpu.memory_space<vmem>>, vector<1x16xf32>,
      %swap3A_544 = vector.shape_cast %swap3A_543 : vector<1x16xf32> to vector<16xf32>
      %swap3A_545 = vector.shape_cast %add3A_537 : vector<16xf32> to vector<1x16xf32>
      tpu.vector_store %arg9[%swap3A, %swap3A_542], %swap3A_545 {strides = array<i32>} : memref<512x16xf32, #tpu.memory_space<vmem>>, vector<1x16xf32>,
      %broadcast_in_dim3A_546 = arith.constant 0.000000e+00 : f32
      %broadcast_in_dim3A_547 = vector.broadcast %broadcast_in_dim3A_546 : f32 to vector<16xf32>
      %mul3A_548 = arith.constant 80 : i32
      %mul3A_549 = arith.muli %scan3A_407, %mul3A_548 : i32
      %add3A_550 = arith.constant 5 : i32
      %add3A_551 = arith.addi %mul3A_549, %add3A_550 : i32
      %add3A_552 = arith.constant 0 : i32
      %add3A_553 = arith.addi %add3A_551, %add3A_552 : i32
      %get3A_554 = arith.index_cast %add3A_553 : i32 to index
      %get3A_555 = arith.constant 0 : index
      %get3A_556 = tpu.vector_load %arg7[%get3A_554, %get3A_555] {strides = array<i32>} : memref<2560x16xf32, #tpu.memory_space<vmem>>, vector<1x16xf32>,
      %get3A_557 = vector.shape_cast %get3A_556 : vector<1x16xf32> to vector<16xf32>
      %slice3A_558 = vector.extract_strided_slice %get3A_414 {offsets = [8], sizes = [1], strides = [1]} : vector<16xf32> to vector<1xf32>
      %squeeze3A_559 = vector.extract %slice3A_558[0] : f32 from vector<1xf32>
      %mul3A_560 = vector.broadcast %squeeze3A_559 : f32 to vector<16xf32>
      %mul3A_561 = arith.mulf %get3A_557, %mul3A_560 : vector<16xf32>
      %add3A_562 = arith.addf %broadcast_in_dim3A_547, %mul3A_561 : vector<16xf32>
      %mul3A_563 = arith.constant 80 : i32
      %mul3A_564 = arith.muli %scan3A_407, %mul3A_563 : i32
      %add3A_565 = arith.constant 5 : i32
      %add3A_566 = arith.addi %mul3A_564, %add3A_565 : i32
      %add3A_567 = arith.constant 1 : i32
      %add3A_568 = arith.addi %add3A_566, %add3A_567 : i32
      %get3A_569 = arith.index_cast %add3A_568 : i32 to index
      %get3A_570 = arith.constant 0 : index
      %get3A_571 = tpu.vector_load %arg7[%get3A_569, %get3A_570] {strides = array<i32>} : memref<2560x16xf32, #tpu.memory_space<vmem>>, vector<1x16xf32>,
      %get3A_572 = vector.shape_cast %get3A_571 : vector<1x16xf32> to vector<16xf32>
      %slice3A_573 = vector.extract_strided_slice %get3A_414 {offsets = [9], sizes = [1], strides = [1]} : vector<16xf32> to vector<1xf32>
      %squeeze3A_574 = vector.extract %slice3A_573[0] : f32 from vector<1xf32>
      %mul3A_575 = vector.broadcast %squeeze3A_574 : f32 to vector<16xf32>
      %mul3A_576 = arith.mulf %get3A_572, %mul3A_575 : vector<16xf32>
      %add3A_577 = arith.addf %add3A_562, %mul3A_576 : vector<16xf32>
      %mul3A_578 = arith.constant 80 : i32
      %mul3A_579 = arith.muli %scan3A_407, %mul3A_578 : i32
      %add3A_580 = arith.constant 5 : i32
      %add3A_581 = arith.addi %mul3A_579, %add3A_580 : i32
      %add3A_582 = arith.constant 2 : i32
      %add3A_583 = arith.addi %add3A_581, %add3A_582 : i32
      %get3A_584 = arith.index_cast %add3A_583 : i32 to index
      %get3A_585 = arith.constant 0 : index
      %get3A_586 = tpu.vector_load %arg7[%get3A_584, %get3A_585] {strides = array<i32>} : memref<2560x16xf32, #tpu.memory_space<vmem>>, vector<1x16xf32>,
      %get3A_587 = vector.shape_cast %get3A_586 : vector<1x16xf32> to vector<16xf32>
      %slice3A_588 = vector.extract_strided_slice %get3A_414 {offsets = [10], sizes = [1], strides = [1]} : vector<16xf32> to vector<1xf32>
      %squeeze3A_589 = vector.extract %slice3A_588[0] : f32 from vector<1xf32>
      %mul3A_590 = vector.broadcast %squeeze3A_589 : f32 to vector<16xf32>
      %mul3A_591 = arith.mulf %get3A_587, %mul3A_590 : vector<16xf32>
      %add3A_592 = arith.addf %add3A_577, %mul3A_591 : vector<16xf32>
      %mul3A_593 = arith.constant 80 : i32
      %mul3A_594 = arith.muli %scan3A_407, %mul3A_593 : i32
      %add3A_595 = arith.constant 5 : i32
      %add3A_596 = arith.addi %mul3A_594, %add3A_595 : i32
      %add3A_597 = arith.constant 3 : i32
      %add3A_598 = arith.addi %add3A_596, %add3A_597 : i32
      %get3A_599 = arith.index_cast %add3A_598 : i32 to index
      %get3A_600 = arith.constant 0 : index
      %get3A_601 = tpu.vector_load %arg7[%get3A_599, %get3A_600] {strides = array<i32>} : memref<2560x16xf32, #tpu.memory_space<vmem>>, vector<1x16xf32>,
      %get3A_602 = vector.shape_cast %get3A_601 : vector<1x16xf32> to vector<16xf32>
      %slice3A_603 = vector.extract_strided_slice %get3A_414 {offsets = [11], sizes = [1], strides = [1]} : vector<16xf32> to vector<1xf32>
      %squeeze3A_604 = vector.extract %slice3A_603[0] : f32 from vector<1xf32>
      %mul3A_605 = vector.broadcast %squeeze3A_604 : f32 to vector<16xf32>
      %mul3A_606 = arith.mulf %get3A_602, %mul3A_605 : vector<16xf32>
      %add3A_607 = arith.addf %add3A_592, %mul3A_606 : vector<16xf32>
      %mul3A_608 = arith.constant 80 : i32
      %mul3A_609 = arith.muli %scan3A_407, %mul3A_608 : i32
      %add3A_610 = arith.constant 5 : i32
      %add3A_611 = arith.addi %mul3A_609, %add3A_610 : i32
      %add3A_612 = arith.constant 4 : i32
      %add3A_613 = arith.addi %add3A_611, %add3A_612 : i32
      %get3A_614 = arith.index_cast %add3A_613 : i32 to index
      %get3A_615 = arith.constant 0 : index
      %get3A_616 = tpu.vector_load %arg7[%get3A_614, %get3A_615] {strides = array<i32>} : memref<2560x16xf32, #tpu.memory_space<vmem>>, vector<1x16xf32>,
      %get3A_617 = vector.shape_cast %get3A_616 : vector<1x16xf32> to vector<16xf32>
      %slice3A_618 = vector.extract_strided_slice %get3A_414 {offsets = [12], sizes = [1], strides = [1]} : vector<16xf32> to vector<1xf32>
      %squeeze3A_619 = vector.extract %slice3A_618[0] : f32 from vector<1xf32>
      %mul3A_620 = vector.broadcast %squeeze3A_619 : f32 to vector<16xf32>
      %mul3A_621 = arith.mulf %get3A_617, %mul3A_620 : vector<16xf32>
      %add3A_622 = arith.addf %add3A_607, %mul3A_621 : vector<16xf32>
      %mul3A_623 = arith.constant 16 : i32
      %mul3A_624 = arith.muli %scan3A_407, %mul3A_623 : i32
      %add3A_625 = arith.constant 1 : i32
      %add3A_626 = arith.addi %mul3A_624, %add3A_625 : i32
      %swap3A_627 = arith.index_cast %add3A_626 : i32 to index
      %swap3A_628 = arith.constant 0 : index
      %swap3A_629 = tpu.vector_load %arg9[%swap3A_627, %swap3A_628] {strides = array<i32>} : memref<512x16xf32, #tpu.memory_space<vmem>>, vector<1x16xf32>,
      %swap3A_630 = vector.shape_cast %swap3A_629 : vector<1x16xf32> to vector<16xf32>
      %swap3A_631 = vector.shape_cast %add3A_622 : vector<16xf32> to vector<1x16xf32>
      tpu.vector_store %arg9[%swap3A_627, %swap3A_628], %swap3A_631 {strides = array<i32>} : memref<512x16xf32, #tpu.memory_space<vmem>>, vector<1x16xf32>,
      %broadcast_in_dim3A_632 = arith.constant 0.000000e+00 : f32
      %broadcast_in_dim3A_633 = vector.broadcast %broadcast_in_dim3A_632 : f32 to vector<16xf32>
      %mul3A_634 = arith.constant 80 : i32
      %mul3A_635 = arith.muli %scan3A_407, %mul3A_634 : i32
      %add3A_636 = arith.constant 10 : i32
      %add3A_637 = arith.addi %mul3A_635, %add3A_636 : i32
      %add3A_638 = arith.constant 0 : i32
      %add3A_639 = arith.addi %add3A_637, %add3A_638 : i32
      %get3A_640 = arith.index_cast %add3A_639 : i32 to index
      %get3A_641 = arith.constant 0 : index
      %get3A_642 = tpu.vector_load %arg7[%get3A_640, %get3A_641] {strides = array<i32>} : memref<2560x16xf32, #tpu.memory_space<vmem>>, vector<1x16xf32>,
      %get3A_643 = vector.shape_cast %get3A_642 : vector<1x16xf32> to vector<16xf32>
      %slice3A_644 = vector.extract_strided_slice %get3A_421 {offsets = [0], sizes = [1], strides = [1]} : vector<16xf32> to vector<1xf32>
      %squeeze3A_645 = vector.extract %slice3A_644[0] : f32 from vector<1xf32>
      %mul3A_646 = vector.broadcast %squeeze3A_645 : f32 to vector<16xf32>
      %mul3A_647 = arith.mulf %get3A_643, %mul3A_646 : vector<16xf32>
      %add3A_648 = arith.addf %broadcast_in_dim3A_633, %mul3A_647 : vector<16xf32>
      %mul3A_649 = arith.constant 80 : i32
      %mul3A_650 = arith.muli %scan3A_407, %mul3A_649 : i32
      %add3A_651 = arith.constant 10 : i32
      %add3A_652 = arith.addi %mul3A_650, %add3A_651 : i32
      %add3A_653 = arith.constant 1 : i32
      %add3A_654 = arith.addi %add3A_652, %add3A_653 : i32
      %get3A_655 = arith.index_cast %add3A_654 : i32 to index
      %get3A_656 = arith.constant 0 : index
      %get3A_657 = tpu.vector_load %arg7[%get3A_655, %get3A_656] {strides = array<i32>} : memref<2560x16xf32, #tpu.memory_space<vmem>>, vector<1x16xf32>,
      %get3A_658 = vector.shape_cast %get3A_657 : vector<1x16xf32> to vector<16xf32>
      %slice3A_659 = vector.extract_strided_slice %get3A_421 {offsets = [1], sizes = [1], strides = [1]} : vector<16xf32> to vector<1xf32>
      %squeeze3A_660 = vector.extract %slice3A_659[0] : f32 from vector<1xf32>
      %mul3A_661 = vector.broadcast %squeeze3A_660 : f32 to vector<16xf32>
      %mul3A_662 = arith.mulf %get3A_658, %mul3A_661 : vector<16xf32>
      %add3A_663 = arith.addf %add3A_648, %mul3A_662 : vector<16xf32>
      %mul3A_664 = arith.constant 80 : i32
      %mul3A_665 = arith.muli %scan3A_407, %mul3A_664 : i32
      %add3A_666 = arith.constant 10 : i32
      %add3A_667 = arith.addi %mul3A_665, %add3A_666 : i32
      %add3A_668 = arith.constant 2 : i32
      %add3A_669 = arith.addi %add3A_667, %add3A_668 : i32
      %get3A_670 = arith.index_cast %add3A_669 : i32 to index
      %get3A_671 = arith.constant 0 : index
      %get3A_672 = tpu.vector_load %arg7[%get3A_670, %get3A_671] {strides = array<i32>} : memref<2560x16xf32, #tpu.memory_space<vmem>>, vector<1x16xf32>,
      %get3A_673 = vector.shape_cast %get3A_672 : vector<1x16xf32> to vector<16xf32>
      %slice3A_674 = vector.extract_strided_slice %get3A_421 {offsets = [2], sizes = [1], strides = [1]} : vector<16xf32> to vector<1xf32>
      %squeeze3A_675 = vector.extract %slice3A_674[0] : f32 from vector<1xf32>
      %mul3A_676 = vector.broadcast %squeeze3A_675 : f32 to vector<16xf32>
      %mul3A_677 = arith.mulf %get3A_673, %mul3A_676 : vector<16xf32>
      %add3A_678 = arith.addf %add3A_663, %mul3A_677 : vector<16xf32>
      %mul3A_679 = arith.constant 80 : i32
      %mul3A_680 = arith.muli %scan3A_407, %mul3A_679 : i32
      %add3A_681 = arith.constant 10 : i32
      %add3A_682 = arith.addi %mul3A_680, %add3A_681 : i32
      %add3A_683 = arith.constant 3 : i32
      %add3A_684 = arith.addi %add3A_682, %add3A_683 : i32
      %get3A_685 = arith.index_cast %add3A_684 : i32 to index
      %get3A_686 = arith.constant 0 : index
      %get3A_687 = tpu.vector_load %arg7[%get3A_685, %get3A_686] {strides = array<i32>} : memref<2560x16xf32, #tpu.memory_space<vmem>>, vector<1x16xf32>,
      %get3A_688 = vector.shape_cast %get3A_687 : vector<1x16xf32> to vector<16xf32>
      %slice3A_689 = vector.extract_strided_slice %get3A_421 {offsets = [3], sizes = [1], strides = [1]} : vector<16xf32> to vector<1xf32>
      %squeeze3A_690 = vector.extract %slice3A_689[0] : f32 from vector<1xf32>
      %mul3A_691 = vector.broadcast %squeeze3A_690 : f32 to vector<16xf32>
      %mul3A_692 = arith.mulf %get3A_688, %mul3A_691 : vector<16xf32>
      %add3A_693 = arith.addf %add3A_678, %mul3A_692 : vector<16xf32>
      %mul3A_694 = arith.constant 80 : i32
      %mul3A_695 = arith.muli %scan3A_407, %mul3A_694 : i32
      %add3A_696 = arith.constant 10 : i32
      %add3A_697 = arith.addi %mul3A_695, %add3A_696 : i32
      %add3A_698 = arith.constant 4 : i32
      %add3A_699 = arith.addi %add3A_697, %add3A_698 : i32
      %get3A_700 = arith.index_cast %add3A_699 : i32 to index
      %get3A_701 = arith.constant 0 : index
      %get3A_702 = tpu.vector_load %arg7[%get3A_700, %get3A_701] {strides = array<i32>} : memref<2560x16xf32, #tpu.memory_space<vmem>>, vector<1x16xf32>,
      %get3A_703 = vector.shape_cast %get3A_702 : vector<1x16xf32> to vector<16xf32>
      %slice3A_704 = vector.extract_strided_slice %get3A_421 {offsets = [4], sizes = [1], strides = [1]} : vector<16xf32> to vector<1xf32>
      %squeeze3A_705 = vector.extract %slice3A_704[0] : f32 from vector<1xf32>
      %mul3A_706 = vector.broadcast %squeeze3A_705 : f32 to vector<16xf32>
      %mul3A_707 = arith.mulf %get3A_703, %mul3A_706 : vector<16xf32>
      %add3A_708 = arith.addf %add3A_693, %mul3A_707 : vector<16xf32>
      %mul3A_709 = arith.constant 16 : i32
      %mul3A_710 = arith.muli %scan3A_407, %mul3A_709 : i32
      %add3A_711 = arith.constant 2 : i32
      %add3A_712 = arith.addi %mul3A_710, %add3A_711 : i32
      %swap3A_713 = arith.index_cast %add3A_712 : i32 to index
      %swap3A_714 = arith.constant 0 : index
      %swap3A_715 = tpu.vector_load %arg9[%swap3A_713, %swap3A_714] {strides = array<i32>} : memref<512x16xf32, #tpu.memory_space<vmem>>, vector<1x16xf32>,
      %swap3A_716 = vector.shape_cast %swap3A_715 : vector<1x16xf32> to vector<16xf32>
      %swap3A_717 = vector.shape_cast %add3A_708 : vector<16xf32> to vector<1x16xf32>
      tpu.vector_store %arg9[%swap3A_713, %swap3A_714], %swap3A_717 {strides = array<i32>} : memref<512x16xf32, #tpu.memory_space<vmem>>, vector<1x16xf32>,
      %broadcast_in_dim3A_718 = arith.constant 0.000000e+00 : f32
      %broadcast_in_dim3A_719 = vector.broadcast %broadcast_in_dim3A_718 : f32 to vector<16xf32>
      %mul3A_720 = arith.constant 80 : i32
      %mul3A_721 = arith.muli %scan3A_407, %mul3A_720 : i32
      %add3A_722 = arith.constant 15 : i32
      %add3A_723 = arith.addi %mul3A_721, %add3A_722 : i32
      %add3A_724 = arith.constant 0 : i32
      %add3A_725 = arith.addi %add3A_723, %add3A_724 : i32
      %get3A_726 = arith.index_cast %add3A_725 : i32 to index
      %get3A_727 = arith.constant 0 : index
      %get3A_728 = tpu.vector_load %arg7[%get3A_726, %get3A_727] {strides = array<i32>} : memref<2560x16xf32, #tpu.memory_space<vmem>>, vector<1x16xf32>,
      %get3A_729 = vector.shape_cast %get3A_728 : vector<1x16xf32> to vector<16xf32>
      %slice3A_730 = vector.extract_strided_slice %get3A_421 {offsets = [8], sizes = [1], strides = [1]} : vector<16xf32> to vector<1xf32>
      %squeeze3A_731 = vector.extract %slice3A_730[0] : f32 from vector<1xf32>
      %mul3A_732 = vector.broadcast %squeeze3A_731 : f32 to vector<16xf32>
      %mul3A_733 = arith.mulf %get3A_729, %mul3A_732 : vector<16xf32>
      %add3A_734 = arith.addf %broadcast_in_dim3A_719, %mul3A_733 : vector<16xf32>
      %mul3A_735 = arith.constant 80 : i32
      %mul3A_736 = arith.muli %scan3A_407, %mul3A_735 : i32
      %add3A_737 = arith.constant 15 : i32
      %add3A_738 = arith.addi %mul3A_736, %add3A_737 : i32
      %add3A_739 = arith.constant 1 : i32
      %add3A_740 = arith.addi %add3A_738, %add3A_739 : i32
      %get3A_741 = arith.index_cast %add3A_740 : i32 to index
      %get3A_742 = arith.constant 0 : index
      %get3A_743 = tpu.vector_load %arg7[%get3A_741, %get3A_742] {strides = array<i32>} : memref<2560x16xf32, #tpu.memory_space<vmem>>, vector<1x16xf32>,
      %get3A_744 = vector.shape_cast %get3A_743 : vector<1x16xf32> to vector<16xf32>
      %slice3A_745 = vector.extract_strided_slice %get3A_421 {offsets = [9], sizes = [1], strides = [1]} : vector<16xf32> to vector<1xf32>
      %squeeze3A_746 = vector.extract %slice3A_745[0] : f32 from vector<1xf32>
      %mul3A_747 = vector.broadcast %squeeze3A_746 : f32 to vector<16xf32>
      %mul3A_748 = arith.mulf %get3A_744, %mul3A_747 : vector<16xf32>
      %add3A_749 = arith.addf %add3A_734, %mul3A_748 : vector<16xf32>
      %mul3A_750 = arith.constant 80 : i32
      %mul3A_751 = arith.muli %scan3A_407, %mul3A_750 : i32
      %add3A_752 = arith.constant 15 : i32
      %add3A_753 = arith.addi %mul3A_751, %add3A_752 : i32
      %add3A_754 = arith.constant 2 : i32
      %add3A_755 = arith.addi %add3A_753, %add3A_754 : i32
      %get3A_756 = arith.index_cast %add3A_755 : i32 to index
      %get3A_757 = arith.constant 0 : index
      %get3A_758 = tpu.vector_load %arg7[%get3A_756, %get3A_757] {strides = array<i32>} : memref<2560x16xf32, #tpu.memory_space<vmem>>, vector<1x16xf32>,
      %get3A_759 = vector.shape_cast %get3A_758 : vector<1x16xf32> to vector<16xf32>
      %slice3A_760 = vector.extract_strided_slice %get3A_421 {offsets = [10], sizes = [1], strides = [1]} : vector<16xf32> to vector<1xf32>
      %squeeze3A_761 = vector.extract %slice3A_760[0] : f32 from vector<1xf32>
      %mul3A_762 = vector.broadcast %squeeze3A_761 : f32 to vector<16xf32>
      %mul3A_763 = arith.mulf %get3A_759, %mul3A_762 : vector<16xf32>
      %add3A_764 = arith.addf %add3A_749, %mul3A_763 : vector<16xf32>
      %mul3A_765 = arith.constant 80 : i32
      %mul3A_766 = arith.muli %scan3A_407, %mul3A_765 : i32
      %add3A_767 = arith.constant 15 : i32
      %add3A_768 = arith.addi %mul3A_766, %add3A_767 : i32
      %add3A_769 = arith.constant 3 : i32
      %add3A_770 = arith.addi %add3A_768, %add3A_769 : i32
      %get3A_771 = arith.index_cast %add3A_770 : i32 to index
      %get3A_772 = arith.constant 0 : index
      %get3A_773 = tpu.vector_load %arg7[%get3A_771, %get3A_772] {strides = array<i32>} : memref<2560x16xf32, #tpu.memory_space<vmem>>, vector<1x16xf32>,
      %get3A_774 = vector.shape_cast %get3A_773 : vector<1x16xf32> to vector<16xf32>
      %slice3A_775 = vector.extract_strided_slice %get3A_421 {offsets = [11], sizes = [1], strides = [1]} : vector<16xf32> to vector<1xf32>
      %squeeze3A_776 = vector.extract %slice3A_775[0] : f32 from vector<1xf32>
      %mul3A_777 = vector.broadcast %squeeze3A_776 : f32 to vector<16xf32>
      %mul3A_778 = arith.mulf %get3A_774, %mul3A_777 : vector<16xf32>
      %add3A_779 = arith.addf %add3A_764, %mul3A_778 : vector<16xf32>
      %mul3A_780 = arith.constant 80 : i32
      %mul3A_781 = arith.muli %scan3A_407, %mul3A_780 : i32
      %add3A_782 = arith.constant 15 : i32
      %add3A_783 = arith.addi %mul3A_781, %add3A_782 : i32
      %add3A_784 = arith.constant 4 : i32
      %add3A_785 = arith.addi %add3A_783, %add3A_784 : i32
      %get3A_786 = arith.index_cast %add3A_785 : i32 to index
      %get3A_787 = arith.constant 0 : index
      %get3A_788 = tpu.vector_load %arg7[%get3A_786, %get3A_787] {strides = array<i32>} : memref<2560x16xf32, #tpu.memory_space<vmem>>, vector<1x16xf32>,
      %get3A_789 = vector.shape_cast %get3A_788 : vector<1x16xf32> to vector<16xf32>
      %slice3A_790 = vector.extract_strided_slice %get3A_421 {offsets = [12], sizes = [1], strides = [1]} : vector<16xf32> to vector<1xf32>
      %squeeze3A_791 = vector.extract %slice3A_790[0] : f32 from vector<1xf32>
      %mul3A_792 = vector.broadcast %squeeze3A_791 : f32 to vector<16xf32>
      %mul3A_793 = arith.mulf %get3A_789, %mul3A_792 : vector<16xf32>
      %add3A_794 = arith.addf %add3A_779, %mul3A_793 : vector<16xf32>
      %mul3A_795 = arith.constant 16 : i32
      %mul3A_796 = arith.muli %scan3A_407, %mul3A_795 : i32
      %add3A_797 = arith.constant 3 : i32
      %add3A_798 = arith.addi %mul3A_796, %add3A_797 : i32
      %swap3A_799 = arith.index_cast %add3A_798 : i32 to index
      %swap3A_800 = arith.constant 0 : index
      %swap3A_801 = tpu.vector_load %arg9[%swap3A_799, %swap3A_800] {strides = array<i32>} : memref<512x16xf32, #tpu.memory_space<vmem>>, vector<1x16xf32>,
      %swap3A_802 = vector.shape_cast %swap3A_801 : vector<1x16xf32> to vector<16xf32>
      %swap3A_803 = vector.shape_cast %add3A_794 : vector<16xf32> to vector<1x16xf32>
      tpu.vector_store %arg9[%swap3A_799, %swap3A_800], %swap3A_803 {strides = array<i32>} : memref<512x16xf32, #tpu.memory_space<vmem>>, vector<1x16xf32>,
      %broadcast_in_dim3A_804 = arith.constant 0.000000e+00 : f32
      %broadcast_in_dim3A_805 = vector.broadcast %broadcast_in_dim3A_804 : f32 to vector<16xf32>
      %mul3A_806 = arith.constant 80 : i32
      %mul3A_807 = arith.muli %scan3A_407, %mul3A_806 : i32
      %add3A_808 = arith.constant 20 : i32
      %add3A_809 = arith.addi %mul3A_807, %add3A_808 : i32
      %add3A_810 = arith.constant 0 : i32
      %add3A_811 = arith.addi %add3A_809, %add3A_810 : i32
      %get3A_812 = arith.index_cast %add3A_811 : i32 to index
      %get3A_813 = arith.constant 0 : index
      %get3A_814 = tpu.vector_load %arg7[%get3A_812, %get3A_813] {strides = array<i32>} : memref<2560x16xf32, #tpu.memory_space<vmem>>, vector<1x16xf32>,
      %get3A_815 = vector.shape_cast %get3A_814 : vector<1x16xf32> to vector<16xf32>
      %slice3A_816 = vector.extract_strided_slice %get3A_428 {offsets = [0], sizes = [1], strides = [1]} : vector<16xf32> to vector<1xf32>
      %squeeze3A_817 = vector.extract %slice3A_816[0] : f32 from vector<1xf32>
      %mul3A_818 = vector.broadcast %squeeze3A_817 : f32 to vector<16xf32>
      %mul3A_819 = arith.mulf %get3A_815, %mul3A_818 : vector<16xf32>
      %add3A_820 = arith.addf %broadcast_in_dim3A_805, %mul3A_819 : vector<16xf32>
      %mul3A_821 = arith.constant 80 : i32
      %mul3A_822 = arith.muli %scan3A_407, %mul3A_821 : i32
      %add3A_823 = arith.constant 20 : i32
      %add3A_824 = arith.addi %mul3A_822, %add3A_823 : i32
      %add3A_825 = arith.constant 1 : i32
      %add3A_826 = arith.addi %add3A_824, %add3A_825 : i32
      %get3A_827 = arith.index_cast %add3A_826 : i32 to index
      %get3A_828 = arith.constant 0 : index
      %get3A_829 = tpu.vector_load %arg7[%get3A_827, %get3A_828] {strides = array<i32>} : memref<2560x16xf32, #tpu.memory_space<vmem>>, vector<1x16xf32>,
      %get3A_830 = vector.shape_cast %get3A_829 : vector<1x16xf32> to vector<16xf32>
      %slice3A_831 = vector.extract_strided_slice %get3A_428 {offsets = [1], sizes = [1], strides = [1]} : vector<16xf32> to vector<1xf32>
      %squeeze3A_832 = vector.extract %slice3A_831[0] : f32 from vector<1xf32>
      %mul3A_833 = vector.broadcast %squeeze3A_832 : f32 to vector<16xf32>
      %mul3A_834 = arith.mulf %get3A_830, %mul3A_833 : vector<16xf32>
      %add3A_835 = arith.addf %add3A_820, %mul3A_834 : vector<16xf32>
      %mul3A_836 = arith.constant 80 : i32
      %mul3A_837 = arith.muli %scan3A_407, %mul3A_836 : i32
      %add3A_838 = arith.constant 20 : i32
      %add3A_839 = arith.addi %mul3A_837, %add3A_838 : i32
      %add3A_840 = arith.constant 2 : i32
      %add3A_841 = arith.addi %add3A_839, %add3A_840 : i32
      %get3A_842 = arith.index_cast %add3A_841 : i32 to index
      %get3A_843 = arith.constant 0 : index
      %get3A_844 = tpu.vector_load %arg7[%get3A_842, %get3A_843] {strides = array<i32>} : memref<2560x16xf32, #tpu.memory_space<vmem>>, vector<1x16xf32>,
      %get3A_845 = vector.shape_cast %get3A_844 : vector<1x16xf32> to vector<16xf32>
      %slice3A_846 = vector.extract_strided_slice %get3A_428 {offsets = [2], sizes = [1], strides = [1]} : vector<16xf32> to vector<1xf32>
      %squeeze3A_847 = vector.extract %slice3A_846[0] : f32 from vector<1xf32>
      %mul3A_848 = vector.broadcast %squeeze3A_847 : f32 to vector<16xf32>
      %mul3A_849 = arith.mulf %get3A_845, %mul3A_848 : vector<16xf32>
      %add3A_850 = arith.addf %add3A_835, %mul3A_849 : vector<16xf32>
      %mul3A_851 = arith.constant 80 : i32
      %mul3A_852 = arith.muli %scan3A_407, %mul3A_851 : i32
      %add3A_853 = arith.constant 20 : i32
      %add3A_854 = arith.addi %mul3A_852, %add3A_853 : i32
      %add3A_855 = arith.constant 3 : i32
      %add3A_856 = arith.addi %add3A_854, %add3A_855 : i32
      %get3A_857 = arith.index_cast %add3A_856 : i32 to index
      %get3A_858 = arith.constant 0 : index
      %get3A_859 = tpu.vector_load %arg7[%get3A_857, %get3A_858] {strides = array<i32>} : memref<2560x16xf32, #tpu.memory_space<vmem>>, vector<1x16xf32>,
      %get3A_860 = vector.shape_cast %get3A_859 : vector<1x16xf32> to vector<16xf32>
      %slice3A_861 = vector.extract_strided_slice %get3A_428 {offsets = [3], sizes = [1], strides = [1]} : vector<16xf32> to vector<1xf32>
      %squeeze3A_862 = vector.extract %slice3A_861[0] : f32 from vector<1xf32>
      %mul3A_863 = vector.broadcast %squeeze3A_862 : f32 to vector<16xf32>
      %mul3A_864 = arith.mulf %get3A_860, %mul3A_863 : vector<16xf32>
      %add3A_865 = arith.addf %add3A_850, %mul3A_864 : vector<16xf32>
      %mul3A_866 = arith.constant 80 : i32
      %mul3A_867 = arith.muli %scan3A_407, %mul3A_866 : i32
      %add3A_868 = arith.constant 20 : i32
      %add3A_869 = arith.addi %mul3A_867, %add3A_868 : i32
      %add3A_870 = arith.constant 4 : i32
      %add3A_871 = arith.addi %add3A_869, %add3A_870 : i32
      %get3A_872 = arith.index_cast %add3A_871 : i32 to index
      %get3A_873 = arith.constant 0 : index
      %get3A_874 = tpu.vector_load %arg7[%get3A_872, %get3A_873] {strides = array<i32>} : memref<2560x16xf32, #tpu.memory_space<vmem>>, vector<1x16xf32>,
      %get3A_875 = vector.shape_cast %get3A_874 : vector<1x16xf32> to vector<16xf32>
      %slice3A_876 = vector.extract_strided_slice %get3A_428 {offsets = [4], sizes = [1], strides = [1]} : vector<16xf32> to vector<1xf32>
      %squeeze3A_877 = vector.extract %slice3A_876[0] : f32 from vector<1xf32>
      %mul3A_878 = vector.broadcast %squeeze3A_877 : f32 to vector<16xf32>
      %mul3A_879 = arith.mulf %get3A_875, %mul3A_878 : vector<16xf32>
      %add3A_880 = arith.addf %add3A_865, %mul3A_879 : vector<16xf32>
      %mul3A_881 = arith.constant 16 : i32
      %mul3A_882 = arith.muli %scan3A_407, %mul3A_881 : i32
      %add3A_883 = arith.constant 4 : i32
      %add3A_884 = arith.addi %mul3A_882, %add3A_883 : i32
      %swap3A_885 = arith.index_cast %add3A_884 : i32 to index
      %swap3A_886 = arith.constant 0 : index
      %swap3A_887 = tpu.vector_load %arg9[%swap3A_885, %swap3A_886] {strides = array<i32>} : memref<512x16xf32, #tpu.memory_space<vmem>>, vector<1x16xf32>,
      %swap3A_888 = vector.shape_cast %swap3A_887 : vector<1x16xf32> to vector<16xf32>
      %swap3A_889 = vector.shape_cast %add3A_880 : vector<16xf32> to vector<1x16xf32>
      tpu.vector_store %arg9[%swap3A_885, %swap3A_886], %swap3A_889 {strides = array<i32>} : memref<512x16xf32, #tpu.memory_space<vmem>>, vector<1x16xf32>,
      %broadcast_in_dim3A_890 = arith.constant 0.000000e+00 : f32
      %broadcast_in_dim3A_891 = vector.broadcast %broadcast_in_dim3A_890 : f32 to vector<16xf32>
      %mul3A_892 = arith.constant 80 : i32
      %mul3A_893 = arith.muli %scan3A_407, %mul3A_892 : i32
      %add3A_894 = arith.constant 25 : i32
      %add3A_895 = arith.addi %mul3A_893, %add3A_894 : i32
      %add3A_896 = arith.constant 0 : i32
      %add3A_897 = arith.addi %add3A_895, %add3A_896 : i32
      %get3A_898 = arith.index_cast %add3A_897 : i32 to index
      %get3A_899 = arith.constant 0 : index
      %get3A_900 = tpu.vector_load %arg7[%get3A_898, %get3A_899] {strides = array<i32>} : memref<2560x16xf32, #tpu.memory_space<vmem>>, vector<1x16xf32>,
      %get3A_901 = vector.shape_cast %get3A_900 : vector<1x16xf32> to vector<16xf32>
      %slice3A_902 = vector.extract_strided_slice %get3A_428 {offsets = [8], sizes = [1], strides = [1]} : vector<16xf32> to vector<1xf32>
      %squeeze3A_903 = vector.extract %slice3A_902[0] : f32 from vector<1xf32>
      %mul3A_904 = vector.broadcast %squeeze3A_903 : f32 to vector<16xf32>
      %mul3A_905 = arith.mulf %get3A_901, %mul3A_904 : vector<16xf32>
      %add3A_906 = arith.addf %broadcast_in_dim3A_891, %mul3A_905 : vector<16xf32>
      %mul3A_907 = arith.constant 80 : i32
      %mul3A_908 = arith.muli %scan3A_407, %mul3A_907 : i32
      %add3A_909 = arith.constant 25 : i32
      %add3A_910 = arith.addi %mul3A_908, %add3A_909 : i32
      %add3A_911 = arith.constant 1 : i32
      %add3A_912 = arith.addi %add3A_910, %add3A_911 : i32
      %get3A_913 = arith.index_cast %add3A_912 : i32 to index
      %get3A_914 = arith.constant 0 : index
      %get3A_915 = tpu.vector_load %arg7[%get3A_913, %get3A_914] {strides = array<i32>} : memref<2560x16xf32, #tpu.memory_space<vmem>>, vector<1x16xf32>,
      %get3A_916 = vector.shape_cast %get3A_915 : vector<1x16xf32> to vector<16xf32>
      %slice3A_917 = vector.extract_strided_slice %get3A_428 {offsets = [9], sizes = [1], strides = [1]} : vector<16xf32> to vector<1xf32>
      %squeeze3A_918 = vector.extract %slice3A_917[0] : f32 from vector<1xf32>
      %mul3A_919 = vector.broadcast %squeeze3A_918 : f32 to vector<16xf32>
      %mul3A_920 = arith.mulf %get3A_916, %mul3A_919 : vector<16xf32>
      %add3A_921 = arith.addf %add3A_906, %mul3A_920 : vector<16xf32>
      %mul3A_922 = arith.constant 80 : i32
      %mul3A_923 = arith.muli %scan3A_407, %mul3A_922 : i32
      %add3A_924 = arith.constant 25 : i32
      %add3A_925 = arith.addi %mul3A_923, %add3A_924 : i32
      %add3A_926 = arith.constant 2 : i32
      %add3A_927 = arith.addi %add3A_925, %add3A_926 : i32
      %get3A_928 = arith.index_cast %add3A_927 : i32 to index
      %get3A_929 = arith.constant 0 : index
      %get3A_930 = tpu.vector_load %arg7[%get3A_928, %get3A_929] {strides = array<i32>} : memref<2560x16xf32, #tpu.memory_space<vmem>>, vector<1x16xf32>,
      %get3A_931 = vector.shape_cast %get3A_930 : vector<1x16xf32> to vector<16xf32>
      %slice3A_932 = vector.extract_strided_slice %get3A_428 {offsets = [10], sizes = [1], strides = [1]} : vector<16xf32> to vector<1xf32>
      %squeeze3A_933 = vector.extract %slice3A_932[0] : f32 from vector<1xf32>
      %mul3A_934 = vector.broadcast %squeeze3A_933 : f32 to vector<16xf32>
      %mul3A_935 = arith.mulf %get3A_931, %mul3A_934 : vector<16xf32>
      %add3A_936 = arith.addf %add3A_921, %mul3A_935 : vector<16xf32>
      %mul3A_937 = arith.constant 80 : i32
      %mul3A_938 = arith.muli %scan3A_407, %mul3A_937 : i32
      %add3A_939 = arith.constant 25 : i32
      %add3A_940 = arith.addi %mul3A_938, %add3A_939 : i32
      %add3A_941 = arith.constant 3 : i32
      %add3A_942 = arith.addi %add3A_940, %add3A_941 : i32
      %get3A_943 = arith.index_cast %add3A_942 : i32 to index
      %get3A_944 = arith.constant 0 : index
      %get3A_945 = tpu.vector_load %arg7[%get3A_943, %get3A_944] {strides = array<i32>} : memref<2560x16xf32, #tpu.memory_space<vmem>>, vector<1x16xf32>,
      %get3A_946 = vector.shape_cast %get3A_945 : vector<1x16xf32> to vector<16xf32>
      %slice3A_947 = vector.extract_strided_slice %get3A_428 {offsets = [11], sizes = [1], strides = [1]} : vector<16xf32> to vector<1xf32>
      %squeeze3A_948 = vector.extract %slice3A_947[0] : f32 from vector<1xf32>
      %mul3A_949 = vector.broadcast %squeeze3A_948 : f32 to vector<16xf32>
      %mul3A_950 = arith.mulf %get3A_946, %mul3A_949 : vector<16xf32>
      %add3A_951 = arith.addf %add3A_936, %mul3A_950 : vector<16xf32>
      %mul3A_952 = arith.constant 80 : i32
      %mul3A_953 = arith.muli %scan3A_407, %mul3A_952 : i32
      %add3A_954 = arith.constant 25 : i32
      %add3A_955 = arith.addi %mul3A_953, %add3A_954 : i32
      %add3A_956 = arith.constant 4 : i32
      %add3A_957 = arith.addi %add3A_955, %add3A_956 : i32
      %get3A_958 = arith.index_cast %add3A_957 : i32 to index
      %get3A_959 = arith.constant 0 : index
      %get3A_960 = tpu.vector_load %arg7[%get3A_958, %get3A_959] {strides = array<i32>} : memref<2560x16xf32, #tpu.memory_space<vmem>>, vector<1x16xf32>,
      %get3A_961 = vector.shape_cast %get3A_960 : vector<1x16xf32> to vector<16xf32>
      %slice3A_962 = vector.extract_strided_slice %get3A_428 {offsets = [12], sizes = [1], strides = [1]} : vector<16xf32> to vector<1xf32>
      %squeeze3A_963 = vector.extract %slice3A_962[0] : f32 from vector<1xf32>
      %mul3A_964 = vector.broadcast %squeeze3A_963 : f32 to vector<16xf32>
      %mul3A_965 = arith.mulf %get3A_961, %mul3A_964 : vector<16xf32>
      %add3A_966 = arith.addf %add3A_951, %mul3A_965 : vector<16xf32>
      %mul3A_967 = arith.constant 16 : i32
      %mul3A_968 = arith.muli %scan3A_407, %mul3A_967 : i32
      %add3A_969 = arith.constant 5 : i32
      %add3A_970 = arith.addi %mul3A_968, %add3A_969 : i32
      %swap3A_971 = arith.index_cast %add3A_970 : i32 to index
      %swap3A_972 = arith.constant 0 : index
      %swap3A_973 = tpu.vector_load %arg9[%swap3A_971, %swap3A_972] {strides = array<i32>} : memref<512x16xf32, #tpu.memory_space<vmem>>, vector<1x16xf32>,
      %swap3A_974 = vector.shape_cast %swap3A_973 : vector<1x16xf32> to vector<16xf32>
      %swap3A_975 = vector.shape_cast %add3A_966 : vector<16xf32> to vector<1x16xf32>
      tpu.vector_store %arg9[%swap3A_971, %swap3A_972], %swap3A_975 {strides = array<i32>} : memref<512x16xf32, #tpu.memory_space<vmem>>, vector<1x16xf32>,
      %broadcast_in_dim3A_976 = arith.constant 0.000000e+00 : f32
      %broadcast_in_dim3A_977 = vector.broadcast %broadcast_in_dim3A_976 : f32 to vector<16xf32>
      %mul3A_978 = arith.constant 80 : i32
      %mul3A_979 = arith.muli %scan3A_407, %mul3A_978 : i32
      %add3A_980 = arith.constant 30 : i32
      %add3A_981 = arith.addi %mul3A_979, %add3A_980 : i32
      %add3A_982 = arith.constant 0 : i32
      %add3A_983 = arith.addi %add3A_981, %add3A_982 : i32
      %get3A_984 = arith.index_cast %add3A_983 : i32 to index
      %get3A_985 = arith.constant 0 : index
      %get3A_986 = tpu.vector_load %arg7[%get3A_984, %get3A_985] {strides = array<i32>} : memref<2560x16xf32, #tpu.memory_space<vmem>>, vector<1x16xf32>,
      %get3A_987 = vector.shape_cast %get3A_986 : vector<1x16xf32> to vector<16xf32>
      %slice3A_988 = vector.extract_strided_slice %get3A_435 {offsets = [0], sizes = [1], strides = [1]} : vector<16xf32> to vector<1xf32>
      %squeeze3A_989 = vector.extract %slice3A_988[0] : f32 from vector<1xf32>
      %mul3A_990 = vector.broadcast %squeeze3A_989 : f32 to vector<16xf32>
      %mul3A_991 = arith.mulf %get3A_987, %mul3A_990 : vector<16xf32>
      %add3A_992 = arith.addf %broadcast_in_dim3A_977, %mul3A_991 : vector<16xf32>
      %mul3A_993 = arith.constant 80 : i32
      %mul3A_994 = arith.muli %scan3A_407, %mul3A_993 : i32
      %add3A_995 = arith.constant 30 : i32
      %add3A_996 = arith.addi %mul3A_994, %add3A_995 : i32
      %add3A_997 = arith.constant 1 : i32
      %add3A_998 = arith.addi %add3A_996, %add3A_997 : i32
      %get3A_999 = arith.index_cast %add3A_998 : i32 to index
      %get3A_1000 = arith.constant 0 : index
      %get3A_1001 = tpu.vector_load %arg7[%get3A_999, %get3A_1000] {strides = array<i32>} : memref<2560x16xf32, #tpu.memory_space<vmem>>, vector<1x16xf32>,
      %get3A_1002 = vector.shape_cast %get3A_1001 : vector<1x16xf32> to vector<16xf32>
      %slice3A_1003 = vector.extract_strided_slice %get3A_435 {offsets = [1], sizes = [1], strides = [1]} : vector<16xf32> to vector<1xf32>
      %squeeze3A_1004 = vector.extract %slice3A_1003[0] : f32 from vector<1xf32>
      %mul3A_1005 = vector.broadcast %squeeze3A_1004 : f32 to vector<16xf32>
      %mul3A_1006 = arith.mulf %get3A_1002, %mul3A_1005 : vector<16xf32>
      %add3A_1007 = arith.addf %add3A_992, %mul3A_1006 : vector<16xf32>
      %mul3A_1008 = arith.constant 80 : i32
      %mul3A_1009 = arith.muli %scan3A_407, %mul3A_1008 : i32
      %add3A_1010 = arith.constant 30 : i32
      %add3A_1011 = arith.addi %mul3A_1009, %add3A_1010 : i32
      %add3A_1012 = arith.constant 2 : i32
      %add3A_1013 = arith.addi %add3A_1011, %add3A_1012 : i32
      %get3A_1014 = arith.index_cast %add3A_1013 : i32 to index
      %get3A_1015 = arith.constant 0 : index
      %get3A_1016 = tpu.vector_load %arg7[%get3A_1014, %get3A_1015] {strides = array<i32>} : memref<2560x16xf32, #tpu.memory_space<vmem>>, vector<1x16xf32>,
      %get3A_1017 = vector.shape_cast %get3A_1016 : vector<1x16xf32> to vector<16xf32>
      %slice3A_1018 = vector.extract_strided_slice %get3A_435 {offsets = [2], sizes = [1], strides = [1]} : vector<16xf32> to vector<1xf32>
      %squeeze3A_1019 = vector.extract %slice3A_1018[0] : f32 from vector<1xf32>
      %mul3A_1020 = vector.broadcast %squeeze3A_1019 : f32 to vector<16xf32>
      %mul3A_1021 = arith.mulf %get3A_1017, %mul3A_1020 : vector<16xf32>
      %add3A_1022 = arith.addf %add3A_1007, %mul3A_1021 : vector<16xf32>
      %mul3A_1023 = arith.constant 80 : i32
      %mul3A_1024 = arith.muli %scan3A_407, %mul3A_1023 : i32
      %add3A_1025 = arith.constant 30 : i32
      %add3A_1026 = arith.addi %mul3A_1024, %add3A_1025 : i32
      %add3A_1027 = arith.constant 3 : i32
      %add3A_1028 = arith.addi %add3A_1026, %add3A_1027 : i32
      %get3A_1029 = arith.index_cast %add3A_1028 : i32 to index
      %get3A_1030 = arith.constant 0 : index
      %get3A_1031 = tpu.vector_load %arg7[%get3A_1029, %get3A_1030] {strides = array<i32>} : memref<2560x16xf32, #tpu.memory_space<vmem>>, vector<1x16xf32>,
      %get3A_1032 = vector.shape_cast %get3A_1031 : vector<1x16xf32> to vector<16xf32>
      %slice3A_1033 = vector.extract_strided_slice %get3A_435 {offsets = [3], sizes = [1], strides = [1]} : vector<16xf32> to vector<1xf32>
      %squeeze3A_1034 = vector.extract %slice3A_1033[0] : f32 from vector<1xf32>
      %mul3A_1035 = vector.broadcast %squeeze3A_1034 : f32 to vector<16xf32>
      %mul3A_1036 = arith.mulf %get3A_1032, %mul3A_1035 : vector<16xf32>
      %add3A_1037 = arith.addf %add3A_1022, %mul3A_1036 : vector<16xf32>
      %mul3A_1038 = arith.constant 80 : i32
      %mul3A_1039 = arith.muli %scan3A_407, %mul3A_1038 : i32
      %add3A_1040 = arith.constant 30 : i32
      %add3A_1041 = arith.addi %mul3A_1039, %add3A_1040 : i32
      %add3A_1042 = arith.constant 4 : i32
      %add3A_1043 = arith.addi %add3A_1041, %add3A_1042 : i32
      %get3A_1044 = arith.index_cast %add3A_1043 : i32 to index
      %get3A_1045 = arith.constant 0 : index
      %get3A_1046 = tpu.vector_load %arg7[%get3A_1044, %get3A_1045] {strides = array<i32>} : memref<2560x16xf32, #tpu.memory_space<vmem>>, vector<1x16xf32>,
      %get3A_1047 = vector.shape_cast %get3A_1046 : vector<1x16xf32> to vector<16xf32>
      %slice3A_1048 = vector.extract_strided_slice %get3A_435 {offsets = [4], sizes = [1], strides = [1]} : vector<16xf32> to vector<1xf32>
      %squeeze3A_1049 = vector.extract %slice3A_1048[0] : f32 from vector<1xf32>
      %mul3A_1050 = vector.broadcast %squeeze3A_1049 : f32 to vector<16xf32>
      %mul3A_1051 = arith.mulf %get3A_1047, %mul3A_1050 : vector<16xf32>
      %add3A_1052 = arith.addf %add3A_1037, %mul3A_1051 : vector<16xf32>
      %mul3A_1053 = arith.constant 16 : i32
      %mul3A_1054 = arith.muli %scan3A_407, %mul3A_1053 : i32
      %add3A_1055 = arith.constant 6 : i32
      %add3A_1056 = arith.addi %mul3A_1054, %add3A_1055 : i32
      %swap3A_1057 = arith.index_cast %add3A_1056 : i32 to index
      %swap3A_1058 = arith.constant 0 : index
      %swap3A_1059 = tpu.vector_load %arg9[%swap3A_1057, %swap3A_1058] {strides = array<i32>} : memref<512x16xf32, #tpu.memory_space<vmem>>, vector<1x16xf32>,
      %swap3A_1060 = vector.shape_cast %swap3A_1059 : vector<1x16xf32> to vector<16xf32>
      %swap3A_1061 = vector.shape_cast %add3A_1052 : vector<16xf32> to vector<1x16xf32>
      tpu.vector_store %arg9[%swap3A_1057, %swap3A_1058], %swap3A_1061 {strides = array<i32>} : memref<512x16xf32, #tpu.memory_space<vmem>>, vector<1x16xf32>,
      %broadcast_in_dim3A_1062 = arith.constant 0.000000e+00 : f32
      %broadcast_in_dim3A_1063 = vector.broadcast %broadcast_in_dim3A_1062 : f32 to vector<16xf32>
      %mul3A_1064 = arith.constant 80 : i32
      %mul3A_1065 = arith.muli %scan3A_407, %mul3A_1064 : i32
      %add3A_1066 = arith.constant 35 : i32
      %add3A_1067 = arith.addi %mul3A_1065, %add3A_1066 : i32
      %add3A_1068 = arith.constant 0 : i32
      %add3A_1069 = arith.addi %add3A_1067, %add3A_1068 : i32
      %get3A_1070 = arith.index_cast %add3A_1069 : i32 to index
      %get3A_1071 = arith.constant 0 : index
      %get3A_1072 = tpu.vector_load %arg7[%get3A_1070, %get3A_1071] {strides = array<i32>} : memref<2560x16xf32, #tpu.memory_space<vmem>>, vector<1x16xf32>,
      %get3A_1073 = vector.shape_cast %get3A_1072 : vector<1x16xf32> to vector<16xf32>
      %slice3A_1074 = vector.extract_strided_slice %get3A_435 {offsets = [8], sizes = [1], strides = [1]} : vector<16xf32> to vector<1xf32>
      %squeeze3A_1075 = vector.extract %slice3A_1074[0] : f32 from vector<1xf32>
      %mul3A_1076 = vector.broadcast %squeeze3A_1075 : f32 to vector<16xf32>
      %mul3A_1077 = arith.mulf %get3A_1073, %mul3A_1076 : vector<16xf32>
      %add3A_1078 = arith.addf %broadcast_in_dim3A_1063, %mul3A_1077 : vector<16xf32>
      %mul3A_1079 = arith.constant 80 : i32
      %mul3A_1080 = arith.muli %scan3A_407, %mul3A_1079 : i32
      %add3A_1081 = arith.constant 35 : i32
      %add3A_1082 = arith.addi %mul3A_1080, %add3A_1081 : i32
      %add3A_1083 = arith.constant 1 : i32
      %add3A_1084 = arith.addi %add3A_1082, %add3A_1083 : i32
      %get3A_1085 = arith.index_cast %add3A_1084 : i32 to index
      %get3A_1086 = arith.constant 0 : index
      %get3A_1087 = tpu.vector_load %arg7[%get3A_1085, %get3A_1086] {strides = array<i32>} : memref<2560x16xf32, #tpu.memory_space<vmem>>, vector<1x16xf32>,
      %get3A_1088 = vector.shape_cast %get3A_1087 : vector<1x16xf32> to vector<16xf32>
      %slice3A_1089 = vector.extract_strided_slice %get3A_435 {offsets = [9], sizes = [1], strides = [1]} : vector<16xf32> to vector<1xf32>
      %squeeze3A_1090 = vector.extract %slice3A_1089[0] : f32 from vector<1xf32>
      %mul3A_1091 = vector.broadcast %squeeze3A_1090 : f32 to vector<16xf32>
      %mul3A_1092 = arith.mulf %get3A_1088, %mul3A_1091 : vector<16xf32>
      %add3A_1093 = arith.addf %add3A_1078, %mul3A_1092 : vector<16xf32>
      %mul3A_1094 = arith.constant 80 : i32
      %mul3A_1095 = arith.muli %scan3A_407, %mul3A_1094 : i32
      %add3A_1096 = arith.constant 35 : i32
      %add3A_1097 = arith.addi %mul3A_1095, %add3A_1096 : i32
      %add3A_1098 = arith.constant 2 : i32
      %add3A_1099 = arith.addi %add3A_1097, %add3A_1098 : i32
      %get3A_1100 = arith.index_cast %add3A_1099 : i32 to index
      %get3A_1101 = arith.constant 0 : index
      %get3A_1102 = tpu.vector_load %arg7[%get3A_1100, %get3A_1101] {strides = array<i32>} : memref<2560x16xf32, #tpu.memory_space<vmem>>, vector<1x16xf32>,
      %get3A_1103 = vector.shape_cast %get3A_1102 : vector<1x16xf32> to vector<16xf32>
      %slice3A_1104 = vector.extract_strided_slice %get3A_435 {offsets = [10], sizes = [1], strides = [1]} : vector<16xf32> to vector<1xf32>
      %squeeze3A_1105 = vector.extract %slice3A_1104[0] : f32 from vector<1xf32>
      %mul3A_1106 = vector.broadcast %squeeze3A_1105 : f32 to vector<16xf32>
      %mul3A_1107 = arith.mulf %get3A_1103, %mul3A_1106 : vector<16xf32>
      %add3A_1108 = arith.addf %add3A_1093, %mul3A_1107 : vector<16xf32>
      %mul3A_1109 = arith.constant 80 : i32
      %mul3A_1110 = arith.muli %scan3A_407, %mul3A_1109 : i32
      %add3A_1111 = arith.constant 35 : i32
      %add3A_1112 = arith.addi %mul3A_1110, %add3A_1111 : i32
      %add3A_1113 = arith.constant 3 : i32
      %add3A_1114 = arith.addi %add3A_1112, %add3A_1113 : i32
      %get3A_1115 = arith.index_cast %add3A_1114 : i32 to index
      %get3A_1116 = arith.constant 0 : index
      %get3A_1117 = tpu.vector_load %arg7[%get3A_1115, %get3A_1116] {strides = array<i32>} : memref<2560x16xf32, #tpu.memory_space<vmem>>, vector<1x16xf32>,
      %get3A_1118 = vector.shape_cast %get3A_1117 : vector<1x16xf32> to vector<16xf32>
      %slice3A_1119 = vector.extract_strided_slice %get3A_435 {offsets = [11], sizes = [1], strides = [1]} : vector<16xf32> to vector<1xf32>
      %squeeze3A_1120 = vector.extract %slice3A_1119[0] : f32 from vector<1xf32>
      %mul3A_1121 = vector.broadcast %squeeze3A_1120 : f32 to vector<16xf32>
      %mul3A_1122 = arith.mulf %get3A_1118, %mul3A_1121 : vector<16xf32>
      %add3A_1123 = arith.addf %add3A_1108, %mul3A_1122 : vector<16xf32>
      %mul3A_1124 = arith.constant 80 : i32
      %mul3A_1125 = arith.muli %scan3A_407, %mul3A_1124 : i32
      %add3A_1126 = arith.constant 35 : i32
      %add3A_1127 = arith.addi %mul3A_1125, %add3A_1126 : i32
      %add3A_1128 = arith.constant 4 : i32
      %add3A_1129 = arith.addi %add3A_1127, %add3A_1128 : i32
      %get3A_1130 = arith.index_cast %add3A_1129 : i32 to index
      %get3A_1131 = arith.constant 0 : index
      %get3A_1132 = tpu.vector_load %arg7[%get3A_1130, %get3A_1131] {strides = array<i32>} : memref<2560x16xf32, #tpu.memory_space<vmem>>, vector<1x16xf32>,
      %get3A_1133 = vector.shape_cast %get3A_1132 : vector<1x16xf32> to vector<16xf32>
      %slice3A_1134 = vector.extract_strided_slice %get3A_435 {offsets = [12], sizes = [1], strides = [1]} : vector<16xf32> to vector<1xf32>
      %squeeze3A_1135 = vector.extract %slice3A_1134[0] : f32 from vector<1xf32>
      %mul3A_1136 = vector.broadcast %squeeze3A_1135 : f32 to vector<16xf32>
      %mul3A_1137 = arith.mulf %get3A_1133, %mul3A_1136 : vector<16xf32>
      %add3A_1138 = arith.addf %add3A_1123, %mul3A_1137 : vector<16xf32>
      %mul3A_1139 = arith.constant 16 : i32
      %mul3A_1140 = arith.muli %scan3A_407, %mul3A_1139 : i32
      %add3A_1141 = arith.constant 7 : i32
      %add3A_1142 = arith.addi %mul3A_1140, %add3A_1141 : i32
      %swap3A_1143 = arith.index_cast %add3A_1142 : i32 to index
      %swap3A_1144 = arith.constant 0 : index
      %swap3A_1145 = tpu.vector_load %arg9[%swap3A_1143, %swap3A_1144] {strides = array<i32>} : memref<512x16xf32, #tpu.memory_space<vmem>>, vector<1x16xf32>,
      %swap3A_1146 = vector.shape_cast %swap3A_1145 : vector<1x16xf32> to vector<16xf32>
      %swap3A_1147 = vector.shape_cast %add3A_1138 : vector<16xf32> to vector<1x16xf32>
      tpu.vector_store %arg9[%swap3A_1143, %swap3A_1144], %swap3A_1147 {strides = array<i32>} : memref<512x16xf32, #tpu.memory_space<vmem>>, vector<1x16xf32>,
      %broadcast_in_dim3A_1148 = arith.constant 0.000000e+00 : f32
      %broadcast_in_dim3A_1149 = vector.broadcast %broadcast_in_dim3A_1148 : f32 to vector<16xf32>
      %mul3A_1150 = arith.constant 80 : i32
      %mul3A_1151 = arith.muli %scan3A_407, %mul3A_1150 : i32
      %add3A_1152 = arith.constant 40 : i32
      %add3A_1153 = arith.addi %mul3A_1151, %add3A_1152 : i32
      %add3A_1154 = arith.constant 0 : i32
      %add3A_1155 = arith.addi %add3A_1153, %add3A_1154 : i32
      %get3A_1156 = arith.index_cast %add3A_1155 : i32 to index
      %get3A_1157 = arith.constant 0 : index
      %get3A_1158 = tpu.vector_load %arg7[%get3A_1156, %get3A_1157] {strides = array<i32>} : memref<2560x16xf32, #tpu.memory_space<vmem>>, vector<1x16xf32>,
      %get3A_1159 = vector.shape_cast %get3A_1158 : vector<1x16xf32> to vector<16xf32>
      %slice3A_1160 = vector.extract_strided_slice %get3A_442 {offsets = [0], sizes = [1], strides = [1]} : vector<16xf32> to vector<1xf32>
      %squeeze3A_1161 = vector.extract %slice3A_1160[0] : f32 from vector<1xf32>
      %mul3A_1162 = vector.broadcast %squeeze3A_1161 : f32 to vector<16xf32>
      %mul3A_1163 = arith.mulf %get3A_1159, %mul3A_1162 : vector<16xf32>
      %add3A_1164 = arith.addf %broadcast_in_dim3A_1149, %mul3A_1163 : vector<16xf32>
      %mul3A_1165 = arith.constant 80 : i32
      %mul3A_1166 = arith.muli %scan3A_407, %mul3A_1165 : i32
      %add3A_1167 = arith.constant 40 : i32
      %add3A_1168 = arith.addi %mul3A_1166, %add3A_1167 : i32
      %add3A_1169 = arith.constant 1 : i32
      %add3A_1170 = arith.addi %add3A_1168, %add3A_1169 : i32
      %get3A_1171 = arith.index_cast %add3A_1170 : i32 to index
      %get3A_1172 = arith.constant 0 : index
      %get3A_1173 = tpu.vector_load %arg7[%get3A_1171, %get3A_1172] {strides = array<i32>} : memref<2560x16xf32, #tpu.memory_space<vmem>>, vector<1x16xf32>,
      %get3A_1174 = vector.shape_cast %get3A_1173 : vector<1x16xf32> to vector<16xf32>
      %slice3A_1175 = vector.extract_strided_slice %get3A_442 {offsets = [1], sizes = [1], strides = [1]} : vector<16xf32> to vector<1xf32>
      %squeeze3A_1176 = vector.extract %slice3A_1175[0] : f32 from vector<1xf32>
      %mul3A_1177 = vector.broadcast %squeeze3A_1176 : f32 to vector<16xf32>
      %mul3A_1178 = arith.mulf %get3A_1174, %mul3A_1177 : vector<16xf32>
      %add3A_1179 = arith.addf %add3A_1164, %mul3A_1178 : vector<16xf32>
      %mul3A_1180 = arith.constant 80 : i32
      %mul3A_1181 = arith.muli %scan3A_407, %mul3A_1180 : i32
      %add3A_1182 = arith.constant 40 : i32
      %add3A_1183 = arith.addi %mul3A_1181, %add3A_1182 : i32
      %add3A_1184 = arith.constant 2 : i32
      %add3A_1185 = arith.addi %add3A_1183, %add3A_1184 : i32
      %get3A_1186 = arith.index_cast %add3A_1185 : i32 to index
      %get3A_1187 = arith.constant 0 : index
      %get3A_1188 = tpu.vector_load %arg7[%get3A_1186, %get3A_1187] {strides = array<i32>} : memref<2560x16xf32, #tpu.memory_space<vmem>>, vector<1x16xf32>,
      %get3A_1189 = vector.shape_cast %get3A_1188 : vector<1x16xf32> to vector<16xf32>
      %slice3A_1190 = vector.extract_strided_slice %get3A_442 {offsets = [2], sizes = [1], strides = [1]} : vector<16xf32> to vector<1xf32>
      %squeeze3A_1191 = vector.extract %slice3A_1190[0] : f32 from vector<1xf32>
      %mul3A_1192 = vector.broadcast %squeeze3A_1191 : f32 to vector<16xf32>
      %mul3A_1193 = arith.mulf %get3A_1189, %mul3A_1192 : vector<16xf32>
      %add3A_1194 = arith.addf %add3A_1179, %mul3A_1193 : vector<16xf32>
      %mul3A_1195 = arith.constant 80 : i32
      %mul3A_1196 = arith.muli %scan3A_407, %mul3A_1195 : i32
      %add3A_1197 = arith.constant 40 : i32
      %add3A_1198 = arith.addi %mul3A_1196, %add3A_1197 : i32
      %add3A_1199 = arith.constant 3 : i32
      %add3A_1200 = arith.addi %add3A_1198, %add3A_1199 : i32
      %get3A_1201 = arith.index_cast %add3A_1200 : i32 to index
      %get3A_1202 = arith.constant 0 : index
      %get3A_1203 = tpu.vector_load %arg7[%get3A_1201, %get3A_1202] {strides = array<i32>} : memref<2560x16xf32, #tpu.memory_space<vmem>>, vector<1x16xf32>,
      %get3A_1204 = vector.shape_cast %get3A_1203 : vector<1x16xf32> to vector<16xf32>
      %slice3A_1205 = vector.extract_strided_slice %get3A_442 {offsets = [3], sizes = [1], strides = [1]} : vector<16xf32> to vector<1xf32>
      %squeeze3A_1206 = vector.extract %slice3A_1205[0] : f32 from vector<1xf32>
      %mul3A_1207 = vector.broadcast %squeeze3A_1206 : f32 to vector<16xf32>
      %mul3A_1208 = arith.mulf %get3A_1204, %mul3A_1207 : vector<16xf32>
      %add3A_1209 = arith.addf %add3A_1194, %mul3A_1208 : vector<16xf32>
      %mul3A_1210 = arith.constant 80 : i32
      %mul3A_1211 = arith.muli %scan3A_407, %mul3A_1210 : i32
      %add3A_1212 = arith.constant 40 : i32
      %add3A_1213 = arith.addi %mul3A_1211, %add3A_1212 : i32
      %add3A_1214 = arith.constant 4 : i32
      %add3A_1215 = arith.addi %add3A_1213, %add3A_1214 : i32
      %get3A_1216 = arith.index_cast %add3A_1215 : i32 to index
      %get3A_1217 = arith.constant 0 : index
      %get3A_1218 = tpu.vector_load %arg7[%get3A_1216, %get3A_1217] {strides = array<i32>} : memref<2560x16xf32, #tpu.memory_space<vmem>>, vector<1x16xf32>,
      %get3A_1219 = vector.shape_cast %get3A_1218 : vector<1x16xf32> to vector<16xf32>
      %slice3A_1220 = vector.extract_strided_slice %get3A_442 {offsets = [4], sizes = [1], strides = [1]} : vector<16xf32> to vector<1xf32>
      %squeeze3A_1221 = vector.extract %slice3A_1220[0] : f32 from vector<1xf32>
      %mul3A_1222 = vector.broadcast %squeeze3A_1221 : f32 to vector<16xf32>
      %mul3A_1223 = arith.mulf %get3A_1219, %mul3A_1222 : vector<16xf32>
      %add3A_1224 = arith.addf %add3A_1209, %mul3A_1223 : vector<16xf32>
      %mul3A_1225 = arith.constant 16 : i32
      %mul3A_1226 = arith.muli %scan3A_407, %mul3A_1225 : i32
      %add3A_1227 = arith.constant 8 : i32
      %add3A_1228 = arith.addi %mul3A_1226, %add3A_1227 : i32
      %swap3A_1229 = arith.index_cast %add3A_1228 : i32 to index
      %swap3A_1230 = arith.constant 0 : index
      %swap3A_1231 = tpu.vector_load %arg9[%swap3A_1229, %swap3A_1230] {strides = array<i32>} : memref<512x16xf32, #tpu.memory_space<vmem>>, vector<1x16xf32>,
      %swap3A_1232 = vector.shape_cast %swap3A_1231 : vector<1x16xf32> to vector<16xf32>
      %swap3A_1233 = vector.shape_cast %add3A_1224 : vector<16xf32> to vector<1x16xf32>
      tpu.vector_store %arg9[%swap3A_1229, %swap3A_1230], %swap3A_1233 {strides = array<i32>} : memref<512x16xf32, #tpu.memory_space<vmem>>, vector<1x16xf32>,
      %broadcast_in_dim3A_1234 = arith.constant 0.000000e+00 : f32
      %broadcast_in_dim3A_1235 = vector.broadcast %broadcast_in_dim3A_1234 : f32 to vector<16xf32>
      %mul3A_1236 = arith.constant 80 : i32
      %mul3A_1237 = arith.muli %scan3A_407, %mul3A_1236 : i32
      %add3A_1238 = arith.constant 45 : i32
      %add3A_1239 = arith.addi %mul3A_1237, %add3A_1238 : i32
      %add3A_1240 = arith.constant 0 : i32
      %add3A_1241 = arith.addi %add3A_1239, %add3A_1240 : i32
      %get3A_1242 = arith.index_cast %add3A_1241 : i32 to index
      %get3A_1243 = arith.constant 0 : index
      %get3A_1244 = tpu.vector_load %arg7[%get3A_1242, %get3A_1243] {strides = array<i32>} : memref<2560x16xf32, #tpu.memory_space<vmem>>, vector<1x16xf32>,
      %get3A_1245 = vector.shape_cast %get3A_1244 : vector<1x16xf32> to vector<16xf32>
      %slice3A_1246 = vector.extract_strided_slice %get3A_442 {offsets = [8], sizes = [1], strides = [1]} : vector<16xf32> to vector<1xf32>
      %squeeze3A_1247 = vector.extract %slice3A_1246[0] : f32 from vector<1xf32>
      %mul3A_1248 = vector.broadcast %squeeze3A_1247 : f32 to vector<16xf32>
      %mul3A_1249 = arith.mulf %get3A_1245, %mul3A_1248 : vector<16xf32>
      %add3A_1250 = arith.addf %broadcast_in_dim3A_1235, %mul3A_1249 : vector<16xf32>
      %mul3A_1251 = arith.constant 80 : i32
      %mul3A_1252 = arith.muli %scan3A_407, %mul3A_1251 : i32
      %add3A_1253 = arith.constant 45 : i32
      %add3A_1254 = arith.addi %mul3A_1252, %add3A_1253 : i32
      %add3A_1255 = arith.constant 1 : i32
      %add3A_1256 = arith.addi %add3A_1254, %add3A_1255 : i32
      %get3A_1257 = arith.index_cast %add3A_1256 : i32 to index
      %get3A_1258 = arith.constant 0 : index
      %get3A_1259 = tpu.vector_load %arg7[%get3A_1257, %get3A_1258] {strides = array<i32>} : memref<2560x16xf32, #tpu.memory_space<vmem>>, vector<1x16xf32>,
      %get3A_1260 = vector.shape_cast %get3A_1259 : vector<1x16xf32> to vector<16xf32>
      %slice3A_1261 = vector.extract_strided_slice %get3A_442 {offsets = [9], sizes = [1], strides = [1]} : vector<16xf32> to vector<1xf32>
      %squeeze3A_1262 = vector.extract %slice3A_1261[0] : f32 from vector<1xf32>
      %mul3A_1263 = vector.broadcast %squeeze3A_1262 : f32 to vector<16xf32>
      %mul3A_1264 = arith.mulf %get3A_1260, %mul3A_1263 : vector<16xf32>
      %add3A_1265 = arith.addf %add3A_1250, %mul3A_1264 : vector<16xf32>
      %mul3A_1266 = arith.constant 80 : i32
      %mul3A_1267 = arith.muli %scan3A_407, %mul3A_1266 : i32
      %add3A_1268 = arith.constant 45 : i32
      %add3A_1269 = arith.addi %mul3A_1267, %add3A_1268 : i32
      %add3A_1270 = arith.constant 2 : i32
      %add3A_1271 = arith.addi %add3A_1269, %add3A_1270 : i32
      %get3A_1272 = arith.index_cast %add3A_1271 : i32 to index
      %get3A_1273 = arith.constant 0 : index
      %get3A_1274 = tpu.vector_load %arg7[%get3A_1272, %get3A_1273] {strides = array<i32>} : memref<2560x16xf32, #tpu.memory_space<vmem>>, vector<1x16xf32>,
      %get3A_1275 = vector.shape_cast %get3A_1274 : vector<1x16xf32> to vector<16xf32>
      %slice3A_1276 = vector.extract_strided_slice %get3A_442 {offsets = [10], sizes = [1], strides = [1]} : vector<16xf32> to vector<1xf32>
      %squeeze3A_1277 = vector.extract %slice3A_1276[0] : f32 from vector<1xf32>
      %mul3A_1278 = vector.broadcast %squeeze3A_1277 : f32 to vector<16xf32>
      %mul3A_1279 = arith.mulf %get3A_1275, %mul3A_1278 : vector<16xf32>
      %add3A_1280 = arith.addf %add3A_1265, %mul3A_1279 : vector<16xf32>
      %mul3A_1281 = arith.constant 80 : i32
      %mul3A_1282 = arith.muli %scan3A_407, %mul3A_1281 : i32
      %add3A_1283 = arith.constant 45 : i32
      %add3A_1284 = arith.addi %mul3A_1282, %add3A_1283 : i32
      %add3A_1285 = arith.constant 3 : i32
      %add3A_1286 = arith.addi %add3A_1284, %add3A_1285 : i32
      %get3A_1287 = arith.index_cast %add3A_1286 : i32 to index
      %get3A_1288 = arith.constant 0 : index
      %get3A_1289 = tpu.vector_load %arg7[%get3A_1287, %get3A_1288] {strides = array<i32>} : memref<2560x16xf32, #tpu.memory_space<vmem>>, vector<1x16xf32>,
      %get3A_1290 = vector.shape_cast %get3A_1289 : vector<1x16xf32> to vector<16xf32>
      %slice3A_1291 = vector.extract_strided_slice %get3A_442 {offsets = [11], sizes = [1], strides = [1]} : vector<16xf32> to vector<1xf32>
      %squeeze3A_1292 = vector.extract %slice3A_1291[0] : f32 from vector<1xf32>
      %mul3A_1293 = vector.broadcast %squeeze3A_1292 : f32 to vector<16xf32>
      %mul3A_1294 = arith.mulf %get3A_1290, %mul3A_1293 : vector<16xf32>
      %add3A_1295 = arith.addf %add3A_1280, %mul3A_1294 : vector<16xf32>
      %mul3A_1296 = arith.constant 80 : i32
      %mul3A_1297 = arith.muli %scan3A_407, %mul3A_1296 : i32
      %add3A_1298 = arith.constant 45 : i32
      %add3A_1299 = arith.addi %mul3A_1297, %add3A_1298 : i32
      %add3A_1300 = arith.constant 4 : i32
      %add3A_1301 = arith.addi %add3A_1299, %add3A_1300 : i32
      %get3A_1302 = arith.index_cast %add3A_1301 : i32 to index
      %get3A_1303 = arith.constant 0 : index
      %get3A_1304 = tpu.vector_load %arg7[%get3A_1302, %get3A_1303] {strides = array<i32>} : memref<2560x16xf32, #tpu.memory_space<vmem>>, vector<1x16xf32>,
      %get3A_1305 = vector.shape_cast %get3A_1304 : vector<1x16xf32> to vector<16xf32>
      %slice3A_1306 = vector.extract_strided_slice %get3A_442 {offsets = [12], sizes = [1], strides = [1]} : vector<16xf32> to vector<1xf32>
      %squeeze3A_1307 = vector.extract %slice3A_1306[0] : f32 from vector<1xf32>
      %mul3A_1308 = vector.broadcast %squeeze3A_1307 : f32 to vector<16xf32>
      %mul3A_1309 = arith.mulf %get3A_1305, %mul3A_1308 : vector<16xf32>
      %add3A_1310 = arith.addf %add3A_1295, %mul3A_1309 : vector<16xf32>
      %mul3A_1311 = arith.constant 16 : i32
      %mul3A_1312 = arith.muli %scan3A_407, %mul3A_1311 : i32
      %add3A_1313 = arith.constant 9 : i32
      %add3A_1314 = arith.addi %mul3A_1312, %add3A_1313 : i32
      %swap3A_1315 = arith.index_cast %add3A_1314 : i32 to index
      %swap3A_1316 = arith.constant 0 : index
      %swap3A_1317 = tpu.vector_load %arg9[%swap3A_1315, %swap3A_1316] {strides = array<i32>} : memref<512x16xf32, #tpu.memory_space<vmem>>, vector<1x16xf32>,
      %swap3A_1318 = vector.shape_cast %swap3A_1317 : vector<1x16xf32> to vector<16xf32>
      %swap3A_1319 = vector.shape_cast %add3A_1310 : vector<16xf32> to vector<1x16xf32>
      tpu.vector_store %arg9[%swap3A_1315, %swap3A_1316], %swap3A_1319 {strides = array<i32>} : memref<512x16xf32, #tpu.memory_space<vmem>>, vector<1x16xf32>,
      %broadcast_in_dim3A_1320 = arith.constant 0.000000e+00 : f32
      %broadcast_in_dim3A_1321 = vector.broadcast %broadcast_in_dim3A_1320 : f32 to vector<16xf32>
      %mul3A_1322 = arith.constant 80 : i32
      %mul3A_1323 = arith.muli %scan3A_407, %mul3A_1322 : i32
      %add3A_1324 = arith.constant 50 : i32
      %add3A_1325 = arith.addi %mul3A_1323, %add3A_1324 : i32
      %add3A_1326 = arith.constant 0 : i32
      %add3A_1327 = arith.addi %add3A_1325, %add3A_1326 : i32
      %get3A_1328 = arith.index_cast %add3A_1327 : i32 to index
      %get3A_1329 = arith.constant 0 : index
      %get3A_1330 = tpu.vector_load %arg7[%get3A_1328, %get3A_1329] {strides = array<i32>} : memref<2560x16xf32, #tpu.memory_space<vmem>>, vector<1x16xf32>,
      %get3A_1331 = vector.shape_cast %get3A_1330 : vector<1x16xf32> to vector<16xf32>
      %slice3A_1332 = vector.extract_strided_slice %get3A_449 {offsets = [0], sizes = [1], strides = [1]} : vector<16xf32> to vector<1xf32>
      %squeeze3A_1333 = vector.extract %slice3A_1332[0] : f32 from vector<1xf32>
      %mul3A_1334 = vector.broadcast %squeeze3A_1333 : f32 to vector<16xf32>
      %mul3A_1335 = arith.mulf %get3A_1331, %mul3A_1334 : vector<16xf32>
      %add3A_1336 = arith.addf %broadcast_in_dim3A_1321, %mul3A_1335 : vector<16xf32>
      %mul3A_1337 = arith.constant 80 : i32
      %mul3A_1338 = arith.muli %scan3A_407, %mul3A_1337 : i32
      %add3A_1339 = arith.constant 50 : i32
      %add3A_1340 = arith.addi %mul3A_1338, %add3A_1339 : i32
      %add3A_1341 = arith.constant 1 : i32
      %add3A_1342 = arith.addi %add3A_1340, %add3A_1341 : i32
      %get3A_1343 = arith.index_cast %add3A_1342 : i32 to index
      %get3A_1344 = arith.constant 0 : index
      %get3A_1345 = tpu.vector_load %arg7[%get3A_1343, %get3A_1344] {strides = array<i32>} : memref<2560x16xf32, #tpu.memory_space<vmem>>, vector<1x16xf32>,
      %get3A_1346 = vector.shape_cast %get3A_1345 : vector<1x16xf32> to vector<16xf32>
      %slice3A_1347 = vector.extract_strided_slice %get3A_449 {offsets = [1], sizes = [1], strides = [1]} : vector<16xf32> to vector<1xf32>
      %squeeze3A_1348 = vector.extract %slice3A_1347[0] : f32 from vector<1xf32>
      %mul3A_1349 = vector.broadcast %squeeze3A_1348 : f32 to vector<16xf32>
      %mul3A_1350 = arith.mulf %get3A_1346, %mul3A_1349 : vector<16xf32>
      %add3A_1351 = arith.addf %add3A_1336, %mul3A_1350 : vector<16xf32>
      %mul3A_1352 = arith.constant 80 : i32
      %mul3A_1353 = arith.muli %scan3A_407, %mul3A_1352 : i32
      %add3A_1354 = arith.constant 50 : i32
      %add3A_1355 = arith.addi %mul3A_1353, %add3A_1354 : i32
      %add3A_1356 = arith.constant 2 : i32
      %add3A_1357 = arith.addi %add3A_1355, %add3A_1356 : i32
      %get3A_1358 = arith.index_cast %add3A_1357 : i32 to index
      %get3A_1359 = arith.constant 0 : index
      %get3A_1360 = tpu.vector_load %arg7[%get3A_1358, %get3A_1359] {strides = array<i32>} : memref<2560x16xf32, #tpu.memory_space<vmem>>, vector<1x16xf32>,
      %get3A_1361 = vector.shape_cast %get3A_1360 : vector<1x16xf32> to vector<16xf32>
      %slice3A_1362 = vector.extract_strided_slice %get3A_449 {offsets = [2], sizes = [1], strides = [1]} : vector<16xf32> to vector<1xf32>
      %squeeze3A_1363 = vector.extract %slice3A_1362[0] : f32 from vector<1xf32>
      %mul3A_1364 = vector.broadcast %squeeze3A_1363 : f32 to vector<16xf32>
      %mul3A_1365 = arith.mulf %get3A_1361, %mul3A_1364 : vector<16xf32>
      %add3A_1366 = arith.addf %add3A_1351, %mul3A_1365 : vector<16xf32>
      %mul3A_1367 = arith.constant 80 : i32
      %mul3A_1368 = arith.muli %scan3A_407, %mul3A_1367 : i32
      %add3A_1369 = arith.constant 50 : i32
      %add3A_1370 = arith.addi %mul3A_1368, %add3A_1369 : i32
      %add3A_1371 = arith.constant 3 : i32
      %add3A_1372 = arith.addi %add3A_1370, %add3A_1371 : i32
      %get3A_1373 = arith.index_cast %add3A_1372 : i32 to index
      %get3A_1374 = arith.constant 0 : index
      %get3A_1375 = tpu.vector_load %arg7[%get3A_1373, %get3A_1374] {strides = array<i32>} : memref<2560x16xf32, #tpu.memory_space<vmem>>, vector<1x16xf32>,
      %get3A_1376 = vector.shape_cast %get3A_1375 : vector<1x16xf32> to vector<16xf32>
      %slice3A_1377 = vector.extract_strided_slice %get3A_449 {offsets = [3], sizes = [1], strides = [1]} : vector<16xf32> to vector<1xf32>
      %squeeze3A_1378 = vector.extract %slice3A_1377[0] : f32 from vector<1xf32>
      %mul3A_1379 = vector.broadcast %squeeze3A_1378 : f32 to vector<16xf32>
      %mul3A_1380 = arith.mulf %get3A_1376, %mul3A_1379 : vector<16xf32>
      %add3A_1381 = arith.addf %add3A_1366, %mul3A_1380 : vector<16xf32>
      %mul3A_1382 = arith.constant 80 : i32
      %mul3A_1383 = arith.muli %scan3A_407, %mul3A_1382 : i32
      %add3A_1384 = arith.constant 50 : i32
      %add3A_1385 = arith.addi %mul3A_1383, %add3A_1384 : i32
      %add3A_1386 = arith.constant 4 : i32
      %add3A_1387 = arith.addi %add3A_1385, %add3A_1386 : i32
      %get3A_1388 = arith.index_cast %add3A_1387 : i32 to index
      %get3A_1389 = arith.constant 0 : index
      %get3A_1390 = tpu.vector_load %arg7[%get3A_1388, %get3A_1389] {strides = array<i32>} : memref<2560x16xf32, #tpu.memory_space<vmem>>, vector<1x16xf32>,
      %get3A_1391 = vector.shape_cast %get3A_1390 : vector<1x16xf32> to vector<16xf32>
      %slice3A_1392 = vector.extract_strided_slice %get3A_449 {offsets = [4], sizes = [1], strides = [1]} : vector<16xf32> to vector<1xf32>
      %squeeze3A_1393 = vector.extract %slice3A_1392[0] : f32 from vector<1xf32>
      %mul3A_1394 = vector.broadcast %squeeze3A_1393 : f32 to vector<16xf32>
      %mul3A_1395 = arith.mulf %get3A_1391, %mul3A_1394 : vector<16xf32>
      %add3A_1396 = arith.addf %add3A_1381, %mul3A_1395 : vector<16xf32>
      %mul3A_1397 = arith.constant 16 : i32
      %mul3A_1398 = arith.muli %scan3A_407, %mul3A_1397 : i32
      %add3A_1399 = arith.constant 10 : i32
      %add3A_1400 = arith.addi %mul3A_1398, %add3A_1399 : i32
      %swap3A_1401 = arith.index_cast %add3A_1400 : i32 to index
      %swap3A_1402 = arith.constant 0 : index
      %swap3A_1403 = tpu.vector_load %arg9[%swap3A_1401, %swap3A_1402] {strides = array<i32>} : memref<512x16xf32, #tpu.memory_space<vmem>>, vector<1x16xf32>,
      %swap3A_1404 = vector.shape_cast %swap3A_1403 : vector<1x16xf32> to vector<16xf32>
      %swap3A_1405 = vector.shape_cast %add3A_1396 : vector<16xf32> to vector<1x16xf32>
      tpu.vector_store %arg9[%swap3A_1401, %swap3A_1402], %swap3A_1405 {strides = array<i32>} : memref<512x16xf32, #tpu.memory_space<vmem>>, vector<1x16xf32>,
      %broadcast_in_dim3A_1406 = arith.constant 0.000000e+00 : f32
      %broadcast_in_dim3A_1407 = vector.broadcast %broadcast_in_dim3A_1406 : f32 to vector<16xf32>
      %mul3A_1408 = arith.constant 80 : i32
      %mul3A_1409 = arith.muli %scan3A_407, %mul3A_1408 : i32
      %add3A_1410 = arith.constant 55 : i32
      %add3A_1411 = arith.addi %mul3A_1409, %add3A_1410 : i32
      %add3A_1412 = arith.constant 0 : i32
      %add3A_1413 = arith.addi %add3A_1411, %add3A_1412 : i32
      %get3A_1414 = arith.index_cast %add3A_1413 : i32 to index
      %get3A_1415 = arith.constant 0 : index
      %get3A_1416 = tpu.vector_load %arg7[%get3A_1414, %get3A_1415] {strides = array<i32>} : memref<2560x16xf32, #tpu.memory_space<vmem>>, vector<1x16xf32>,
      %get3A_1417 = vector.shape_cast %get3A_1416 : vector<1x16xf32> to vector<16xf32>
      %slice3A_1418 = vector.extract_strided_slice %get3A_449 {offsets = [8], sizes = [1], strides = [1]} : vector<16xf32> to vector<1xf32>
      %squeeze3A_1419 = vector.extract %slice3A_1418[0] : f32 from vector<1xf32>
      %mul3A_1420 = vector.broadcast %squeeze3A_1419 : f32 to vector<16xf32>
      %mul3A_1421 = arith.mulf %get3A_1417, %mul3A_1420 : vector<16xf32>
      %add3A_1422 = arith.addf %broadcast_in_dim3A_1407, %mul3A_1421 : vector<16xf32>
      %mul3A_1423 = arith.constant 80 : i32
      %mul3A_1424 = arith.muli %scan3A_407, %mul3A_1423 : i32
      %add3A_1425 = arith.constant 55 : i32
      %add3A_1426 = arith.addi %mul3A_1424, %add3A_1425 : i32
      %add3A_1427 = arith.constant 1 : i32
      %add3A_1428 = arith.addi %add3A_1426, %add3A_1427 : i32
      %get3A_1429 = arith.index_cast %add3A_1428 : i32 to index
      %get3A_1430 = arith.constant 0 : index
      %get3A_1431 = tpu.vector_load %arg7[%get3A_1429, %get3A_1430] {strides = array<i32>} : memref<2560x16xf32, #tpu.memory_space<vmem>>, vector<1x16xf32>,
      %get3A_1432 = vector.shape_cast %get3A_1431 : vector<1x16xf32> to vector<16xf32>
      %slice3A_1433 = vector.extract_strided_slice %get3A_449 {offsets = [9], sizes = [1], strides = [1]} : vector<16xf32> to vector<1xf32>
      %squeeze3A_1434 = vector.extract %slice3A_1433[0] : f32 from vector<1xf32>
      %mul3A_1435 = vector.broadcast %squeeze3A_1434 : f32 to vector<16xf32>
      %mul3A_1436 = arith.mulf %get3A_1432, %mul3A_1435 : vector<16xf32>
      %add3A_1437 = arith.addf %add3A_1422, %mul3A_1436 : vector<16xf32>
      %mul3A_1438 = arith.constant 80 : i32
      %mul3A_1439 = arith.muli %scan3A_407, %mul3A_1438 : i32
      %add3A_1440 = arith.constant 55 : i32
      %add3A_1441 = arith.addi %mul3A_1439, %add3A_1440 : i32
      %add3A_1442 = arith.constant 2 : i32
      %add3A_1443 = arith.addi %add3A_1441, %add3A_1442 : i32
      %get3A_1444 = arith.index_cast %add3A_1443 : i32 to index
      %get3A_1445 = arith.constant 0 : index
      %get3A_1446 = tpu.vector_load %arg7[%get3A_1444, %get3A_1445] {strides = array<i32>} : memref<2560x16xf32, #tpu.memory_space<vmem>>, vector<1x16xf32>,
      %get3A_1447 = vector.shape_cast %get3A_1446 : vector<1x16xf32> to vector<16xf32>
      %slice3A_1448 = vector.extract_strided_slice %get3A_449 {offsets = [10], sizes = [1], strides = [1]} : vector<16xf32> to vector<1xf32>
      %squeeze3A_1449 = vector.extract %slice3A_1448[0] : f32 from vector<1xf32>
      %mul3A_1450 = vector.broadcast %squeeze3A_1449 : f32 to vector<16xf32>
      %mul3A_1451 = arith.mulf %get3A_1447, %mul3A_1450 : vector<16xf32>
      %add3A_1452 = arith.addf %add3A_1437, %mul3A_1451 : vector<16xf32>
      %mul3A_1453 = arith.constant 80 : i32
      %mul3A_1454 = arith.muli %scan3A_407, %mul3A_1453 : i32
      %add3A_1455 = arith.constant 55 : i32
      %add3A_1456 = arith.addi %mul3A_1454, %add3A_1455 : i32
      %add3A_1457 = arith.constant 3 : i32
      %add3A_1458 = arith.addi %add3A_1456, %add3A_1457 : i32
      %get3A_1459 = arith.index_cast %add3A_1458 : i32 to index
      %get3A_1460 = arith.constant 0 : index
      %get3A_1461 = tpu.vector_load %arg7[%get3A_1459, %get3A_1460] {strides = array<i32>} : memref<2560x16xf32, #tpu.memory_space<vmem>>, vector<1x16xf32>,
      %get3A_1462 = vector.shape_cast %get3A_1461 : vector<1x16xf32> to vector<16xf32>
      %slice3A_1463 = vector.extract_strided_slice %get3A_449 {offsets = [11], sizes = [1], strides = [1]} : vector<16xf32> to vector<1xf32>
      %squeeze3A_1464 = vector.extract %slice3A_1463[0] : f32 from vector<1xf32>
      %mul3A_1465 = vector.broadcast %squeeze3A_1464 : f32 to vector<16xf32>
      %mul3A_1466 = arith.mulf %get3A_1462, %mul3A_1465 : vector<16xf32>
      %add3A_1467 = arith.addf %add3A_1452, %mul3A_1466 : vector<16xf32>
      %mul3A_1468 = arith.constant 80 : i32
      %mul3A_1469 = arith.muli %scan3A_407, %mul3A_1468 : i32
      %add3A_1470 = arith.constant 55 : i32
      %add3A_1471 = arith.addi %mul3A_1469, %add3A_1470 : i32
      %add3A_1472 = arith.constant 4 : i32
      %add3A_1473 = arith.addi %add3A_1471, %add3A_1472 : i32
      %get3A_1474 = arith.index_cast %add3A_1473 : i32 to index
      %get3A_1475 = arith.constant 0 : index
      %get3A_1476 = tpu.vector_load %arg7[%get3A_1474, %get3A_1475] {strides = array<i32>} : memref<2560x16xf32, #tpu.memory_space<vmem>>, vector<1x16xf32>,
      %get3A_1477 = vector.shape_cast %get3A_1476 : vector<1x16xf32> to vector<16xf32>
      %slice3A_1478 = vector.extract_strided_slice %get3A_449 {offsets = [12], sizes = [1], strides = [1]} : vector<16xf32> to vector<1xf32>
      %squeeze3A_1479 = vector.extract %slice3A_1478[0] : f32 from vector<1xf32>
      %mul3A_1480 = vector.broadcast %squeeze3A_1479 : f32 to vector<16xf32>
      %mul3A_1481 = arith.mulf %get3A_1477, %mul3A_1480 : vector<16xf32>
      %add3A_1482 = arith.addf %add3A_1467, %mul3A_1481 : vector<16xf32>
      %mul3A_1483 = arith.constant 16 : i32
      %mul3A_1484 = arith.muli %scan3A_407, %mul3A_1483 : i32
      %add3A_1485 = arith.constant 11 : i32
      %add3A_1486 = arith.addi %mul3A_1484, %add3A_1485 : i32
      %swap3A_1487 = arith.index_cast %add3A_1486 : i32 to index
      %swap3A_1488 = arith.constant 0 : index
      %swap3A_1489 = tpu.vector_load %arg9[%swap3A_1487, %swap3A_1488] {strides = array<i32>} : memref<512x16xf32, #tpu.memory_space<vmem>>, vector<1x16xf32>,
      %swap3A_1490 = vector.shape_cast %swap3A_1489 : vector<1x16xf32> to vector<16xf32>
      %swap3A_1491 = vector.shape_cast %add3A_1482 : vector<16xf32> to vector<1x16xf32>
      tpu.vector_store %arg9[%swap3A_1487, %swap3A_1488], %swap3A_1491 {strides = array<i32>} : memref<512x16xf32, #tpu.memory_space<vmem>>, vector<1x16xf32>,
      %broadcast_in_dim3A_1492 = arith.constant 0.000000e+00 : f32
      %broadcast_in_dim3A_1493 = vector.broadcast %broadcast_in_dim3A_1492 : f32 to vector<16xf32>
      %mul3A_1494 = arith.constant 80 : i32
      %mul3A_1495 = arith.muli %scan3A_407, %mul3A_1494 : i32
      %add3A_1496 = arith.constant 60 : i32
      %add3A_1497 = arith.addi %mul3A_1495, %add3A_1496 : i32
      %add3A_1498 = arith.constant 0 : i32
      %add3A_1499 = arith.addi %add3A_1497, %add3A_1498 : i32
      %get3A_1500 = arith.index_cast %add3A_1499 : i32 to index
      %get3A_1501 = arith.constant 0 : index
      %get3A_1502 = tpu.vector_load %arg7[%get3A_1500, %get3A_1501] {strides = array<i32>} : memref<2560x16xf32, #tpu.memory_space<vmem>>, vector<1x16xf32>,
      %get3A_1503 = vector.shape_cast %get3A_1502 : vector<1x16xf32> to vector<16xf32>
      %slice3A_1504 = vector.extract_strided_slice %get3A_456 {offsets = [0], sizes = [1], strides = [1]} : vector<16xf32> to vector<1xf32>
      %squeeze3A_1505 = vector.extract %slice3A_1504[0] : f32 from vector<1xf32>
      %mul3A_1506 = vector.broadcast %squeeze3A_1505 : f32 to vector<16xf32>
      %mul3A_1507 = arith.mulf %get3A_1503, %mul3A_1506 : vector<16xf32>
      %add3A_1508 = arith.addf %broadcast_in_dim3A_1493, %mul3A_1507 : vector<16xf32>
      %mul3A_1509 = arith.constant 80 : i32
      %mul3A_1510 = arith.muli %scan3A_407, %mul3A_1509 : i32
      %add3A_1511 = arith.constant 60 : i32
      %add3A_1512 = arith.addi %mul3A_1510, %add3A_1511 : i32
      %add3A_1513 = arith.constant 1 : i32
      %add3A_1514 = arith.addi %add3A_1512, %add3A_1513 : i32
      %get3A_1515 = arith.index_cast %add3A_1514 : i32 to index
      %get3A_1516 = arith.constant 0 : index
      %get3A_1517 = tpu.vector_load %arg7[%get3A_1515, %get3A_1516] {strides = array<i32>} : memref<2560x16xf32, #tpu.memory_space<vmem>>, vector<1x16xf32>,
      %get3A_1518 = vector.shape_cast %get3A_1517 : vector<1x16xf32> to vector<16xf32>
      %slice3A_1519 = vector.extract_strided_slice %get3A_456 {offsets = [1], sizes = [1], strides = [1]} : vector<16xf32> to vector<1xf32>
      %squeeze3A_1520 = vector.extract %slice3A_1519[0] : f32 from vector<1xf32>
      %mul3A_1521 = vector.broadcast %squeeze3A_1520 : f32 to vector<16xf32>
      %mul3A_1522 = arith.mulf %get3A_1518, %mul3A_1521 : vector<16xf32>
      %add3A_1523 = arith.addf %add3A_1508, %mul3A_1522 : vector<16xf32>
      %mul3A_1524 = arith.constant 80 : i32
      %mul3A_1525 = arith.muli %scan3A_407, %mul3A_1524 : i32
      %add3A_1526 = arith.constant 60 : i32
      %add3A_1527 = arith.addi %mul3A_1525, %add3A_1526 : i32
      %add3A_1528 = arith.constant 2 : i32
      %add3A_1529 = arith.addi %add3A_1527, %add3A_1528 : i32
      %get3A_1530 = arith.index_cast %add3A_1529 : i32 to index
      %get3A_1531 = arith.constant 0 : index
      %get3A_1532 = tpu.vector_load %arg7[%get3A_1530, %get3A_1531] {strides = array<i32>} : memref<2560x16xf32, #tpu.memory_space<vmem>>, vector<1x16xf32>,
      %get3A_1533 = vector.shape_cast %get3A_1532 : vector<1x16xf32> to vector<16xf32>
      %slice3A_1534 = vector.extract_strided_slice %get3A_456 {offsets = [2], sizes = [1], strides = [1]} : vector<16xf32> to vector<1xf32>
      %squeeze3A_1535 = vector.extract %slice3A_1534[0] : f32 from vector<1xf32>
      %mul3A_1536 = vector.broadcast %squeeze3A_1535 : f32 to vector<16xf32>
      %mul3A_1537 = arith.mulf %get3A_1533, %mul3A_1536 : vector<16xf32>
      %add3A_1538 = arith.addf %add3A_1523, %mul3A_1537 : vector<16xf32>
      %mul3A_1539 = arith.constant 80 : i32
      %mul3A_1540 = arith.muli %scan3A_407, %mul3A_1539 : i32
      %add3A_1541 = arith.constant 60 : i32
      %add3A_1542 = arith.addi %mul3A_1540, %add3A_1541 : i32
      %add3A_1543 = arith.constant 3 : i32
      %add3A_1544 = arith.addi %add3A_1542, %add3A_1543 : i32
      %get3A_1545 = arith.index_cast %add3A_1544 : i32 to index
      %get3A_1546 = arith.constant 0 : index
      %get3A_1547 = tpu.vector_load %arg7[%get3A_1545, %get3A_1546] {strides = array<i32>} : memref<2560x16xf32, #tpu.memory_space<vmem>>, vector<1x16xf32>,
      %get3A_1548 = vector.shape_cast %get3A_1547 : vector<1x16xf32> to vector<16xf32>
      %slice3A_1549 = vector.extract_strided_slice %get3A_456 {offsets = [3], sizes = [1], strides = [1]} : vector<16xf32> to vector<1xf32>
      %squeeze3A_1550 = vector.extract %slice3A_1549[0] : f32 from vector<1xf32>
      %mul3A_1551 = vector.broadcast %squeeze3A_1550 : f32 to vector<16xf32>
      %mul3A_1552 = arith.mulf %get3A_1548, %mul3A_1551 : vector<16xf32>
      %add3A_1553 = arith.addf %add3A_1538, %mul3A_1552 : vector<16xf32>
      %mul3A_1554 = arith.constant 80 : i32
      %mul3A_1555 = arith.muli %scan3A_407, %mul3A_1554 : i32
      %add3A_1556 = arith.constant 60 : i32
      %add3A_1557 = arith.addi %mul3A_1555, %add3A_1556 : i32
      %add3A_1558 = arith.constant 4 : i32
      %add3A_1559 = arith.addi %add3A_1557, %add3A_1558 : i32
      %get3A_1560 = arith.index_cast %add3A_1559 : i32 to index
      %get3A_1561 = arith.constant 0 : index
      %get3A_1562 = tpu.vector_load %arg7[%get3A_1560, %get3A_1561] {strides = array<i32>} : memref<2560x16xf32, #tpu.memory_space<vmem>>, vector<1x16xf32>,
      %get3A_1563 = vector.shape_cast %get3A_1562 : vector<1x16xf32> to vector<16xf32>
      %slice3A_1564 = vector.extract_strided_slice %get3A_456 {offsets = [4], sizes = [1], strides = [1]} : vector<16xf32> to vector<1xf32>
      %squeeze3A_1565 = vector.extract %slice3A_1564[0] : f32 from vector<1xf32>
      %mul3A_1566 = vector.broadcast %squeeze3A_1565 : f32 to vector<16xf32>
      %mul3A_1567 = arith.mulf %get3A_1563, %mul3A_1566 : vector<16xf32>
      %add3A_1568 = arith.addf %add3A_1553, %mul3A_1567 : vector<16xf32>
      %mul3A_1569 = arith.constant 16 : i32
      %mul3A_1570 = arith.muli %scan3A_407, %mul3A_1569 : i32
      %add3A_1571 = arith.constant 12 : i32
      %add3A_1572 = arith.addi %mul3A_1570, %add3A_1571 : i32
      %swap3A_1573 = arith.index_cast %add3A_1572 : i32 to index
      %swap3A_1574 = arith.constant 0 : index
      %swap3A_1575 = tpu.vector_load %arg9[%swap3A_1573, %swap3A_1574] {strides = array<i32>} : memref<512x16xf32, #tpu.memory_space<vmem>>, vector<1x16xf32>,
      %swap3A_1576 = vector.shape_cast %swap3A_1575 : vector<1x16xf32> to vector<16xf32>
      %swap3A_1577 = vector.shape_cast %add3A_1568 : vector<16xf32> to vector<1x16xf32>
      tpu.vector_store %arg9[%swap3A_1573, %swap3A_1574], %swap3A_1577 {strides = array<i32>} : memref<512x16xf32, #tpu.memory_space<vmem>>, vector<1x16xf32>,
      %broadcast_in_dim3A_1578 = arith.constant 0.000000e+00 : f32
      %broadcast_in_dim3A_1579 = vector.broadcast %broadcast_in_dim3A_1578 : f32 to vector<16xf32>
      %mul3A_1580 = arith.constant 80 : i32
      %mul3A_1581 = arith.muli %scan3A_407, %mul3A_1580 : i32
      %add3A_1582 = arith.constant 65 : i32
      %add3A_1583 = arith.addi %mul3A_1581, %add3A_1582 : i32
      %add3A_1584 = arith.constant 0 : i32
      %add3A_1585 = arith.addi %add3A_1583, %add3A_1584 : i32
      %get3A_1586 = arith.index_cast %add3A_1585 : i32 to index
      %get3A_1587 = arith.constant 0 : index
      %get3A_1588 = tpu.vector_load %arg7[%get3A_1586, %get3A_1587] {strides = array<i32>} : memref<2560x16xf32, #tpu.memory_space<vmem>>, vector<1x16xf32>,
      %get3A_1589 = vector.shape_cast %get3A_1588 : vector<1x16xf32> to vector<16xf32>
      %slice3A_1590 = vector.extract_strided_slice %get3A_456 {offsets = [8], sizes = [1], strides = [1]} : vector<16xf32> to vector<1xf32>
      %squeeze3A_1591 = vector.extract %slice3A_1590[0] : f32 from vector<1xf32>
      %mul3A_1592 = vector.broadcast %squeeze3A_1591 : f32 to vector<16xf32>
      %mul3A_1593 = arith.mulf %get3A_1589, %mul3A_1592 : vector<16xf32>
      %add3A_1594 = arith.addf %broadcast_in_dim3A_1579, %mul3A_1593 : vector<16xf32>
      %mul3A_1595 = arith.constant 80 : i32
      %mul3A_1596 = arith.muli %scan3A_407, %mul3A_1595 : i32
      %add3A_1597 = arith.constant 65 : i32
      %add3A_1598 = arith.addi %mul3A_1596, %add3A_1597 : i32
      %add3A_1599 = arith.constant 1 : i32
      %add3A_1600 = arith.addi %add3A_1598, %add3A_1599 : i32
      %get3A_1601 = arith.index_cast %add3A_1600 : i32 to index
      %get3A_1602 = arith.constant 0 : index
      %get3A_1603 = tpu.vector_load %arg7[%get3A_1601, %get3A_1602] {strides = array<i32>} : memref<2560x16xf32, #tpu.memory_space<vmem>>, vector<1x16xf32>,
      %get3A_1604 = vector.shape_cast %get3A_1603 : vector<1x16xf32> to vector<16xf32>
      %slice3A_1605 = vector.extract_strided_slice %get3A_456 {offsets = [9], sizes = [1], strides = [1]} : vector<16xf32> to vector<1xf32>
      %squeeze3A_1606 = vector.extract %slice3A_1605[0] : f32 from vector<1xf32>
      %mul3A_1607 = vector.broadcast %squeeze3A_1606 : f32 to vector<16xf32>
      %mul3A_1608 = arith.mulf %get3A_1604, %mul3A_1607 : vector<16xf32>
      %add3A_1609 = arith.addf %add3A_1594, %mul3A_1608 : vector<16xf32>
      %mul3A_1610 = arith.constant 80 : i32
      %mul3A_1611 = arith.muli %scan3A_407, %mul3A_1610 : i32
      %add3A_1612 = arith.constant 65 : i32
      %add3A_1613 = arith.addi %mul3A_1611, %add3A_1612 : i32
      %add3A_1614 = arith.constant 2 : i32
      %add3A_1615 = arith.addi %add3A_1613, %add3A_1614 : i32
      %get3A_1616 = arith.index_cast %add3A_1615 : i32 to index
      %get3A_1617 = arith.constant 0 : index
      %get3A_1618 = tpu.vector_load %arg7[%get3A_1616, %get3A_1617] {strides = array<i32>} : memref<2560x16xf32, #tpu.memory_space<vmem>>, vector<1x16xf32>,
      %get3A_1619 = vector.shape_cast %get3A_1618 : vector<1x16xf32> to vector<16xf32>
      %slice3A_1620 = vector.extract_strided_slice %get3A_456 {offsets = [10], sizes = [1], strides = [1]} : vector<16xf32> to vector<1xf32>
      %squeeze3A_1621 = vector.extract %slice3A_1620[0] : f32 from vector<1xf32>
      %mul3A_1622 = vector.broadcast %squeeze3A_1621 : f32 to vector<16xf32>
      %mul3A_1623 = arith.mulf %get3A_1619, %mul3A_1622 : vector<16xf32>
      %add3A_1624 = arith.addf %add3A_1609, %mul3A_1623 : vector<16xf32>
      %mul3A_1625 = arith.constant 80 : i32
      %mul3A_1626 = arith.muli %scan3A_407, %mul3A_1625 : i32
      %add3A_1627 = arith.constant 65 : i32
      %add3A_1628 = arith.addi %mul3A_1626, %add3A_1627 : i32
      %add3A_1629 = arith.constant 3 : i32
      %add3A_1630 = arith.addi %add3A_1628, %add3A_1629 : i32
      %get3A_1631 = arith.index_cast %add3A_1630 : i32 to index
      %get3A_1632 = arith.constant 0 : index
      %get3A_1633 = tpu.vector_load %arg7[%get3A_1631, %get3A_1632] {strides = array<i32>} : memref<2560x16xf32, #tpu.memory_space<vmem>>, vector<1x16xf32>,
      %get3A_1634 = vector.shape_cast %get3A_1633 : vector<1x16xf32> to vector<16xf32>
      %slice3A_1635 = vector.extract_strided_slice %get3A_456 {offsets = [11], sizes = [1], strides = [1]} : vector<16xf32> to vector<1xf32>
      %squeeze3A_1636 = vector.extract %slice3A_1635[0] : f32 from vector<1xf32>
      %mul3A_1637 = vector.broadcast %squeeze3A_1636 : f32 to vector<16xf32>
      %mul3A_1638 = arith.mulf %get3A_1634, %mul3A_1637 : vector<16xf32>
      %add3A_1639 = arith.addf %add3A_1624, %mul3A_1638 : vector<16xf32>
      %mul3A_1640 = arith.constant 80 : i32
      %mul3A_1641 = arith.muli %scan3A_407, %mul3A_1640 : i32
      %add3A_1642 = arith.constant 65 : i32
      %add3A_1643 = arith.addi %mul3A_1641, %add3A_1642 : i32
      %add3A_1644 = arith.constant 4 : i32
      %add3A_1645 = arith.addi %add3A_1643, %add3A_1644 : i32
      %get3A_1646 = arith.index_cast %add3A_1645 : i32 to index
      %get3A_1647 = arith.constant 0 : index
      %get3A_1648 = tpu.vector_load %arg7[%get3A_1646, %get3A_1647] {strides = array<i32>} : memref<2560x16xf32, #tpu.memory_space<vmem>>, vector<1x16xf32>,
      %get3A_1649 = vector.shape_cast %get3A_1648 : vector<1x16xf32> to vector<16xf32>
      %slice3A_1650 = vector.extract_strided_slice %get3A_456 {offsets = [12], sizes = [1], strides = [1]} : vector<16xf32> to vector<1xf32>
      %squeeze3A_1651 = vector.extract %slice3A_1650[0] : f32 from vector<1xf32>
      %mul3A_1652 = vector.broadcast %squeeze3A_1651 : f32 to vector<16xf32>
      %mul3A_1653 = arith.mulf %get3A_1649, %mul3A_1652 : vector<16xf32>
      %add3A_1654 = arith.addf %add3A_1639, %mul3A_1653 : vector<16xf32>
      %mul3A_1655 = arith.constant 16 : i32
      %mul3A_1656 = arith.muli %scan3A_407, %mul3A_1655 : i32
      %add3A_1657 = arith.constant 13 : i32
      %add3A_1658 = arith.addi %mul3A_1656, %add3A_1657 : i32
      %swap3A_1659 = arith.index_cast %add3A_1658 : i32 to index
      %swap3A_1660 = arith.constant 0 : index
      %swap3A_1661 = tpu.vector_load %arg9[%swap3A_1659, %swap3A_1660] {strides = array<i32>} : memref<512x16xf32, #tpu.memory_space<vmem>>, vector<1x16xf32>,
      %swap3A_1662 = vector.shape_cast %swap3A_1661 : vector<1x16xf32> to vector<16xf32>
      %swap3A_1663 = vector.shape_cast %add3A_1654 : vector<16xf32> to vector<1x16xf32>
      tpu.vector_store %arg9[%swap3A_1659, %swap3A_1660], %swap3A_1663 {strides = array<i32>} : memref<512x16xf32, #tpu.memory_space<vmem>>, vector<1x16xf32>,
      %broadcast_in_dim3A_1664 = arith.constant 0.000000e+00 : f32
      %broadcast_in_dim3A_1665 = vector.broadcast %broadcast_in_dim3A_1664 : f32 to vector<16xf32>
      %mul3A_1666 = arith.constant 80 : i32
      %mul3A_1667 = arith.muli %scan3A_407, %mul3A_1666 : i32
      %add3A_1668 = arith.constant 70 : i32
      %add3A_1669 = arith.addi %mul3A_1667, %add3A_1668 : i32
      %add3A_1670 = arith.constant 0 : i32
      %add3A_1671 = arith.addi %add3A_1669, %add3A_1670 : i32
      %get3A_1672 = arith.index_cast %add3A_1671 : i32 to index
      %get3A_1673 = arith.constant 0 : index
      %get3A_1674 = tpu.vector_load %arg7[%get3A_1672, %get3A_1673] {strides = array<i32>} : memref<2560x16xf32, #tpu.memory_space<vmem>>, vector<1x16xf32>,
      %get3A_1675 = vector.shape_cast %get3A_1674 : vector<1x16xf32> to vector<16xf32>
      %slice3A_1676 = vector.extract_strided_slice %get3A_463 {offsets = [0], sizes = [1], strides = [1]} : vector<16xf32> to vector<1xf32>
      %squeeze3A_1677 = vector.extract %slice3A_1676[0] : f32 from vector<1xf32>
      %mul3A_1678 = vector.broadcast %squeeze3A_1677 : f32 to vector<16xf32>
      %mul3A_1679 = arith.mulf %get3A_1675, %mul3A_1678 : vector<16xf32>
      %add3A_1680 = arith.addf %broadcast_in_dim3A_1665, %mul3A_1679 : vector<16xf32>
      %mul3A_1681 = arith.constant 80 : i32
      %mul3A_1682 = arith.muli %scan3A_407, %mul3A_1681 : i32
      %add3A_1683 = arith.constant 70 : i32
      %add3A_1684 = arith.addi %mul3A_1682, %add3A_1683 : i32
      %add3A_1685 = arith.constant 1 : i32
      %add3A_1686 = arith.addi %add3A_1684, %add3A_1685 : i32
      %get3A_1687 = arith.index_cast %add3A_1686 : i32 to index
      %get3A_1688 = arith.constant 0 : index
      %get3A_1689 = tpu.vector_load %arg7[%get3A_1687, %get3A_1688] {strides = array<i32>} : memref<2560x16xf32, #tpu.memory_space<vmem>>, vector<1x16xf32>,
      %get3A_1690 = vector.shape_cast %get3A_1689 : vector<1x16xf32> to vector<16xf32>
      %slice3A_1691 = vector.extract_strided_slice %get3A_463 {offsets = [1], sizes = [1], strides = [1]} : vector<16xf32> to vector<1xf32>
      %squeeze3A_1692 = vector.extract %slice3A_1691[0] : f32 from vector<1xf32>
      %mul3A_1693 = vector.broadcast %squeeze3A_1692 : f32 to vector<16xf32>
      %mul3A_1694 = arith.mulf %get3A_1690, %mul3A_1693 : vector<16xf32>
      %add3A_1695 = arith.addf %add3A_1680, %mul3A_1694 : vector<16xf32>
      %mul3A_1696 = arith.constant 80 : i32
      %mul3A_1697 = arith.muli %scan3A_407, %mul3A_1696 : i32
      %add3A_1698 = arith.constant 70 : i32
      %add3A_1699 = arith.addi %mul3A_1697, %add3A_1698 : i32
      %add3A_1700 = arith.constant 2 : i32
      %add3A_1701 = arith.addi %add3A_1699, %add3A_1700 : i32
      %get3A_1702 = arith.index_cast %add3A_1701 : i32 to index
      %get3A_1703 = arith.constant 0 : index
      %get3A_1704 = tpu.vector_load %arg7[%get3A_1702, %get3A_1703] {strides = array<i32>} : memref<2560x16xf32, #tpu.memory_space<vmem>>, vector<1x16xf32>,
      %get3A_1705 = vector.shape_cast %get3A_1704 : vector<1x16xf32> to vector<16xf32>
      %slice3A_1706 = vector.extract_strided_slice %get3A_463 {offsets = [2], sizes = [1], strides = [1]} : vector<16xf32> to vector<1xf32>
      %squeeze3A_1707 = vector.extract %slice3A_1706[0] : f32 from vector<1xf32>
      %mul3A_1708 = vector.broadcast %squeeze3A_1707 : f32 to vector<16xf32>
      %mul3A_1709 = arith.mulf %get3A_1705, %mul3A_1708 : vector<16xf32>
      %add3A_1710 = arith.addf %add3A_1695, %mul3A_1709 : vector<16xf32>
      %mul3A_1711 = arith.constant 80 : i32
      %mul3A_1712 = arith.muli %scan3A_407, %mul3A_1711 : i32
      %add3A_1713 = arith.constant 70 : i32
      %add3A_1714 = arith.addi %mul3A_1712, %add3A_1713 : i32
      %add3A_1715 = arith.constant 3 : i32
      %add3A_1716 = arith.addi %add3A_1714, %add3A_1715 : i32
      %get3A_1717 = arith.index_cast %add3A_1716 : i32 to index
      %get3A_1718 = arith.constant 0 : index
      %get3A_1719 = tpu.vector_load %arg7[%get3A_1717, %get3A_1718] {strides = array<i32>} : memref<2560x16xf32, #tpu.memory_space<vmem>>, vector<1x16xf32>,
      %get3A_1720 = vector.shape_cast %get3A_1719 : vector<1x16xf32> to vector<16xf32>
      %slice3A_1721 = vector.extract_strided_slice %get3A_463 {offsets = [3], sizes = [1], strides = [1]} : vector<16xf32> to vector<1xf32>
      %squeeze3A_1722 = vector.extract %slice3A_1721[0] : f32 from vector<1xf32>
      %mul3A_1723 = vector.broadcast %squeeze3A_1722 : f32 to vector<16xf32>
      %mul3A_1724 = arith.mulf %get3A_1720, %mul3A_1723 : vector<16xf32>
      %add3A_1725 = arith.addf %add3A_1710, %mul3A_1724 : vector<16xf32>
      %mul3A_1726 = arith.constant 80 : i32
      %mul3A_1727 = arith.muli %scan3A_407, %mul3A_1726 : i32
      %add3A_1728 = arith.constant 70 : i32
      %add3A_1729 = arith.addi %mul3A_1727, %add3A_1728 : i32
      %add3A_1730 = arith.constant 4 : i32
      %add3A_1731 = arith.addi %add3A_1729, %add3A_1730 : i32
      %get3A_1732 = arith.index_cast %add3A_1731 : i32 to index
      %get3A_1733 = arith.constant 0 : index
      %get3A_1734 = tpu.vector_load %arg7[%get3A_1732, %get3A_1733] {strides = array<i32>} : memref<2560x16xf32, #tpu.memory_space<vmem>>, vector<1x16xf32>,
      %get3A_1735 = vector.shape_cast %get3A_1734 : vector<1x16xf32> to vector<16xf32>
      %slice3A_1736 = vector.extract_strided_slice %get3A_463 {offsets = [4], sizes = [1], strides = [1]} : vector<16xf32> to vector<1xf32>
      %squeeze3A_1737 = vector.extract %slice3A_1736[0] : f32 from vector<1xf32>
      %mul3A_1738 = vector.broadcast %squeeze3A_1737 : f32 to vector<16xf32>
      %mul3A_1739 = arith.mulf %get3A_1735, %mul3A_1738 : vector<16xf32>
      %add3A_1740 = arith.addf %add3A_1725, %mul3A_1739 : vector<16xf32>
      %mul3A_1741 = arith.constant 16 : i32
      %mul3A_1742 = arith.muli %scan3A_407, %mul3A_1741 : i32
      %add3A_1743 = arith.constant 14 : i32
      %add3A_1744 = arith.addi %mul3A_1742, %add3A_1743 : i32
      %swap3A_1745 = arith.index_cast %add3A_1744 : i32 to index
      %swap3A_1746 = arith.constant 0 : index
      %swap3A_1747 = tpu.vector_load %arg9[%swap3A_1745, %swap3A_1746] {strides = array<i32>} : memref<512x16xf32, #tpu.memory_space<vmem>>, vector<1x16xf32>,
      %swap3A_1748 = vector.shape_cast %swap3A_1747 : vector<1x16xf32> to vector<16xf32>
      %swap3A_1749 = vector.shape_cast %add3A_1740 : vector<16xf32> to vector<1x16xf32>
      tpu.vector_store %arg9[%swap3A_1745, %swap3A_1746], %swap3A_1749 {strides = array<i32>} : memref<512x16xf32, #tpu.memory_space<vmem>>, vector<1x16xf32>,
      %broadcast_in_dim3A_1750 = arith.constant 0.000000e+00 : f32
      %broadcast_in_dim3A_1751 = vector.broadcast %broadcast_in_dim3A_1750 : f32 to vector<16xf32>
      %mul3A_1752 = arith.constant 80 : i32
      %mul3A_1753 = arith.muli %scan3A_407, %mul3A_1752 : i32
      %add3A_1754 = arith.constant 75 : i32
      %add3A_1755 = arith.addi %mul3A_1753, %add3A_1754 : i32
      %add3A_1756 = arith.constant 0 : i32
      %add3A_1757 = arith.addi %add3A_1755, %add3A_1756 : i32
      %get3A_1758 = arith.index_cast %add3A_1757 : i32 to index
      %get3A_1759 = arith.constant 0 : index
      %get3A_1760 = tpu.vector_load %arg7[%get3A_1758, %get3A_1759] {strides = array<i32>} : memref<2560x16xf32, #tpu.memory_space<vmem>>, vector<1x16xf32>,
      %get3A_1761 = vector.shape_cast %get3A_1760 : vector<1x16xf32> to vector<16xf32>
      %slice3A_1762 = vector.extract_strided_slice %get3A_463 {offsets = [8], sizes = [1], strides = [1]} : vector<16xf32> to vector<1xf32>
      %squeeze3A_1763 = vector.extract %slice3A_1762[0] : f32 from vector<1xf32>
      %mul3A_1764 = vector.broadcast %squeeze3A_1763 : f32 to vector<16xf32>
      %mul3A_1765 = arith.mulf %get3A_1761, %mul3A_1764 : vector<16xf32>
      %add3A_1766 = arith.addf %broadcast_in_dim3A_1751, %mul3A_1765 : vector<16xf32>
      %mul3A_1767 = arith.constant 80 : i32
      %mul3A_1768 = arith.muli %scan3A_407, %mul3A_1767 : i32
      %add3A_1769 = arith.constant 75 : i32
      %add3A_1770 = arith.addi %mul3A_1768, %add3A_1769 : i32
      %add3A_1771 = arith.constant 1 : i32
      %add3A_1772 = arith.addi %add3A_1770, %add3A_1771 : i32
      %get3A_1773 = arith.index_cast %add3A_1772 : i32 to index
      %get3A_1774 = arith.constant 0 : index
      %get3A_1775 = tpu.vector_load %arg7[%get3A_1773, %get3A_1774] {strides = array<i32>} : memref<2560x16xf32, #tpu.memory_space<vmem>>, vector<1x16xf32>,
      %get3A_1776 = vector.shape_cast %get3A_1775 : vector<1x16xf32> to vector<16xf32>
      %slice3A_1777 = vector.extract_strided_slice %get3A_463 {offsets = [9], sizes = [1], strides = [1]} : vector<16xf32> to vector<1xf32>
      %squeeze3A_1778 = vector.extract %slice3A_1777[0] : f32 from vector<1xf32>
      %mul3A_1779 = vector.broadcast %squeeze3A_1778 : f32 to vector<16xf32>
      %mul3A_1780 = arith.mulf %get3A_1776, %mul3A_1779 : vector<16xf32>
      %add3A_1781 = arith.addf %add3A_1766, %mul3A_1780 : vector<16xf32>
      %mul3A_1782 = arith.constant 80 : i32
      %mul3A_1783 = arith.muli %scan3A_407, %mul3A_1782 : i32
      %add3A_1784 = arith.constant 75 : i32
      %add3A_1785 = arith.addi %mul3A_1783, %add3A_1784 : i32
      %add3A_1786 = arith.constant 2 : i32
      %add3A_1787 = arith.addi %add3A_1785, %add3A_1786 : i32
      %get3A_1788 = arith.index_cast %add3A_1787 : i32 to index
      %get3A_1789 = arith.constant 0 : index
      %get3A_1790 = tpu.vector_load %arg7[%get3A_1788, %get3A_1789] {strides = array<i32>} : memref<2560x16xf32, #tpu.memory_space<vmem>>, vector<1x16xf32>,
      %get3A_1791 = vector.shape_cast %get3A_1790 : vector<1x16xf32> to vector<16xf32>
      %slice3A_1792 = vector.extract_strided_slice %get3A_463 {offsets = [10], sizes = [1], strides = [1]} : vector<16xf32> to vector<1xf32>
      %squeeze3A_1793 = vector.extract %slice3A_1792[0] : f32 from vector<1xf32>
      %mul3A_1794 = vector.broadcast %squeeze3A_1793 : f32 to vector<16xf32>
      %mul3A_1795 = arith.mulf %get3A_1791, %mul3A_1794 : vector<16xf32>
      %add3A_1796 = arith.addf %add3A_1781, %mul3A_1795 : vector<16xf32>
      %mul3A_1797 = arith.constant 80 : i32
      %mul3A_1798 = arith.muli %scan3A_407, %mul3A_1797 : i32
      %add3A_1799 = arith.constant 75 : i32
      %add3A_1800 = arith.addi %mul3A_1798, %add3A_1799 : i32
      %add3A_1801 = arith.constant 3 : i32
      %add3A_1802 = arith.addi %add3A_1800, %add3A_1801 : i32
      %get3A_1803 = arith.index_cast %add3A_1802 : i32 to index
      %get3A_1804 = arith.constant 0 : index
      %get3A_1805 = tpu.vector_load %arg7[%get3A_1803, %get3A_1804] {strides = array<i32>} : memref<2560x16xf32, #tpu.memory_space<vmem>>, vector<1x16xf32>,
      %get3A_1806 = vector.shape_cast %get3A_1805 : vector<1x16xf32> to vector<16xf32>
      %slice3A_1807 = vector.extract_strided_slice %get3A_463 {offsets = [11], sizes = [1], strides = [1]} : vector<16xf32> to vector<1xf32>
      %squeeze3A_1808 = vector.extract %slice3A_1807[0] : f32 from vector<1xf32>
      %mul3A_1809 = vector.broadcast %squeeze3A_1808 : f32 to vector<16xf32>
      %mul3A_1810 = arith.mulf %get3A_1806, %mul3A_1809 : vector<16xf32>
      %add3A_1811 = arith.addf %add3A_1796, %mul3A_1810 : vector<16xf32>
      %mul3A_1812 = arith.constant 80 : i32
      %mul3A_1813 = arith.muli %scan3A_407, %mul3A_1812 : i32
      %add3A_1814 = arith.constant 75 : i32
      %add3A_1815 = arith.addi %mul3A_1813, %add3A_1814 : i32
      %add3A_1816 = arith.constant 4 : i32
      %add3A_1817 = arith.addi %add3A_1815, %add3A_1816 : i32
      %get3A_1818 = arith.index_cast %add3A_1817 : i32 to index
      %get3A_1819 = arith.constant 0 : index
      %get3A_1820 = tpu.vector_load %arg7[%get3A_1818, %get3A_1819] {strides = array<i32>} : memref<2560x16xf32, #tpu.memory_space<vmem>>, vector<1x16xf32>,
      %get3A_1821 = vector.shape_cast %get3A_1820 : vector<1x16xf32> to vector<16xf32>
      %slice3A_1822 = vector.extract_strided_slice %get3A_463 {offsets = [12], sizes = [1], strides = [1]} : vector<16xf32> to vector<1xf32>
      %squeeze3A_1823 = vector.extract %slice3A_1822[0] : f32 from vector<1xf32>
      %mul3A_1824 = vector.broadcast %squeeze3A_1823 : f32 to vector<16xf32>
      %mul3A_1825 = arith.mulf %get3A_1821, %mul3A_1824 : vector<16xf32>
      %add3A_1826 = arith.addf %add3A_1811, %mul3A_1825 : vector<16xf32>
      %mul3A_1827 = arith.constant 16 : i32
      %mul3A_1828 = arith.muli %scan3A_407, %mul3A_1827 : i32
      %add3A_1829 = arith.constant 15 : i32
      %add3A_1830 = arith.addi %mul3A_1828, %add3A_1829 : i32
      %swap3A_1831 = arith.index_cast %add3A_1830 : i32 to index
      %swap3A_1832 = arith.constant 0 : index
      %swap3A_1833 = tpu.vector_load %arg9[%swap3A_1831, %swap3A_1832] {strides = array<i32>} : memref<512x16xf32, #tpu.memory_space<vmem>>, vector<1x16xf32>,
      %swap3A_1834 = vector.shape_cast %swap3A_1833 : vector<1x16xf32> to vector<16xf32>
      %swap3A_1835 = vector.shape_cast %add3A_1826 : vector<16xf32> to vector<1x16xf32>
      tpu.vector_store %arg9[%swap3A_1831, %swap3A_1832], %swap3A_1835 {strides = array<i32>} : memref<512x16xf32, #tpu.memory_space<vmem>>, vector<1x16xf32>,
      %scan3A_1836 = arith.constant 0 : i32
      scf.yield %scan3A_1836 : i32
    }
    %scan3A_404 = arith.constant 32 : i32
    %mul3A_405 = arith.constant 512 : i32
    %mul3A_406 = arith.muli %add3A, %mul3A_405 : i32
    "tpu.region"() ({
      %run_scoped3A = tpu.sem_alloc : memref<!tpu.dma_semaphore, #tpu.memory_space<semaphore_mem>>
      %dma_start3A_407 = arith.constant 0 : i32
      %dma_start3A_408 = tpu.memref_slice %arg5[%mul3A_406, %dma_start3A_407] : memref<16384x16xf32, #tpu.memory_space<hbm>> -> memref<512x16xf32, #tpu.memory_space<hbm>>
      %dma_start3A_409 = arith.constant 0 : i32
      %dma_start3A_410 = tpu.memref_slice %arg5[%mul3A_406, %dma_start3A_409] : memref<16384x16xf32, #tpu.memory_space<hbm>> -> memref<512x16xf32, #tpu.memory_space<hbm>>
      tpu.enqueue_dma source(%arg9 : memref<512x16xf32, #tpu.memory_space<vmem>>) target(%dma_start3A_410 : memref<512x16xf32, #tpu.memory_space<hbm>>) target_semaphore(%run_scoped3A : memref<!tpu.dma_semaphore, #tpu.memory_space<semaphore_mem>>)
      %dma_wait3A_411 = arith.constant 0 : i32
      %dma_wait3A_412 = tpu.memref_slice %arg5[%mul3A_406, %dma_wait3A_411] : memref<16384x16xf32, #tpu.memory_space<hbm>> -> memref<512x16xf32, #tpu.memory_space<hbm>>
      %dma_wait3A_413 = arith.constant 0 : i32
      %dma_wait3A_414 = tpu.memref_slice %arg5[%mul3A_406, %dma_wait3A_413] : memref<16384x16xf32, #tpu.memory_space<hbm>> -> memref<512x16xf32, #tpu.memory_space<hbm>>
      tpu.wait_dma2 semaphore(%run_scoped3A : memref<!tpu.dma_semaphore, #tpu.memory_space<semaphore_mem>>) src(%arg9 : memref<512x16xf32, #tpu.memory_space<vmem>>) dst(%dma_wait3A_414 : memref<512x16xf32, #tpu.memory_space<hbm>>)
      tpu.yield
    }) : () -> ()
    return
  }
}

module attributes {stable_mosaic.version = 14 : i64} {
  func.func @_norm_body(%arg0: memref<16384x16xf32, #tpu.memory_space<vmem>>, %arg1: memref<16384x16xf32, #tpu.memory_space<vmem>>) attributes {dimension_semantics = [], scalar_prefetch = 0 : i64, scratch_operands = 0 : i64, tpu.core_type = #tpu.core_type<tc>} {
    %get3A = arith.constant 0 : index
    %get3A_0 = arith.constant 0 : index
    %get3A_1 = vector.load %arg0[%get3A, %get3A_0] : memref<16384x16xf32, #tpu.memory_space<vmem>>, vector<16384x16xf32>
    %mul3A = arith.mulf %get3A_1, %get3A_1 : vector<16384x16xf32>
    %reduce_sum3A = arith.constant dense<0.000000e+00> : vector<16384xf32>
    %reduce_sum3A_2 = vector.multi_reduction <add>, %mul3A, %reduce_sum3A [1] : vector<16384x16xf32> to vector<16384xf32>
    %broadcast_in_dim3A = vector.shape_cast %reduce_sum3A_2 : vector<16384xf32> to vector<16384x1xf32>
    %sqrt3A = math.sqrt %broadcast_in_dim3A : vector<16384x1xf32>
    %max3A = arith.constant 9.99999996E-13 : f32
    %max3A_3 = vector.broadcast %max3A : f32 to vector<16384x1xf32>
    %max3A_4 = arith.maximumf %sqrt3A, %max3A_3 : vector<16384x1xf32>
    %div3A = vector.broadcast %max3A_4 : vector<16384x1xf32> to vector<16384x16xf32>
    %div3A_5 = arith.divf %get3A_1, %div3A : vector<16384x16xf32>
    %swap3A = arith.constant 0 : index
    %swap3A_6 = arith.constant 0 : index
    %swap3A_7 = vector.load %arg1[%swap3A, %swap3A_6] : memref<16384x16xf32, #tpu.memory_space<vmem>>, vector<16384x16xf32>
    tpu.vector_store %arg1[%swap3A, %swap3A_6], %div3A_5 {strides = array<i32>} : memref<16384x16xf32, #tpu.memory_space<vmem>>, vector<16384x16xf32>,
    return
  }
}

module attributes {stable_mosaic.version = 14 : i64} {
  func.func @_topk_body(%arg0: i32, %arg1: memref<128x16xf32, #tpu.memory_space<vmem>>, %arg2: memref<16x16384xf32, #tpu.memory_space<vmem>>, %arg3: memref<128x8xf32, #tpu.memory_space<vmem>>, %arg4: memref<128x5xi32, #tpu.memory_space<vmem>>) attributes {dimension_semantics = [#tpu.dimension_semantics<arbitrary>], iteration_bounds = array<i64: 128>, scalar_prefetch = 0 : i64, scratch_operands = 0 : i64, tpu.core_type = #tpu.core_type<tc>, window_params = [{transform_indices = @transform_0, window_bounds = array<i64: 128, 16>}, {pipeline_mode = #tpu.pipeline_mode<synchronous>, transform_indices = @transform_1, window_bounds = array<i64: 16, 16384>}, {transform_indices = @transform_2, window_bounds = array<i64: 128, 8>}, {transform_indices = @transform_3, window_bounds = array<i64: 128, 5>}]} {
    %get3A = arith.constant 0 : index
    %get3A_0 = arith.constant 0 : index
    %get3A_1 = vector.load %arg1[%get3A, %get3A_0] : memref<128x16xf32, #tpu.memory_space<vmem>>, vector<128x16xf32>
    %mul3A = arith.constant 128 : i32
    %mul3A_2 = arith.muli %arg0, %mul3A : i32
    %iota3A = tpu.iota {dimensions = array<i32: 0>} : vector<128x1xi32>
    %add3A = vector.broadcast %mul3A_2 : i32 to vector<128x1xi32>
    %add3A_3 = arith.addi %add3A, %iota3A : vector<128x1xi32>
    %mul3A_4 = arith.mulf %get3A_1, %get3A_1 : vector<128x16xf32>
    %reduce_sum3A = arith.constant dense<0.000000e+00> : vector<128xf32>
    %reduce_sum3A_5 = vector.multi_reduction <add>, %mul3A_4, %reduce_sum3A [1] : vector<128x16xf32> to vector<128xf32>
    %broadcast_in_dim3A = vector.shape_cast %reduce_sum3A_5 : vector<128xf32> to vector<128x1xf32>
    %iota3A_6 = tpu.iota {dimensions = array<i32: 1>} : vector<128x8192xi32>
    %iota3A_7 = tpu.iota {dimensions = array<i32: 0>} : vector<8192x3xi32>
    %iota3A_8 = tpu.iota {dimensions = array<i32: 1>} : vector<8192x3xi32>
    %eq3A = arith.constant 0 : i32
    %eq3A_9 = vector.broadcast %eq3A : i32 to vector<8192x3xi32>
    %eq3A_10 = arith.cmpi eq, %iota3A_8, %eq3A_9 : vector<8192x3xi32>
    %jit3A = arith.constant 16 : i32
    %eq3A_11 = arith.constant 0 : i32
    %eq3A_12 = arith.cmpi eq, %jit3A, %eq3A_11 : i32
    %jit3A_13 = arith.constant 1 : i32
    %select_n3A = arith.select %eq3A_12, %jit3A_13, %jit3A : i32
    %rem3A = vector.broadcast %select_n3A : i32 to vector<8192x3xi32>
    %rem3A_14 = arith.remsi %iota3A_7, %rem3A : vector<8192x3xi32>
    %ne3A = arith.constant 0 : i32
    %ne3A_15 = vector.broadcast %ne3A : i32 to vector<8192x3xi32>
    %ne3A_16 = arith.cmpi ne, %rem3A_14, %ne3A_15 : vector<8192x3xi32>
    %lt3A = arith.constant 0 : i32
    %lt3A_17 = vector.broadcast %lt3A : i32 to vector<8192x3xi32>
    %lt3A_18 = arith.cmpi slt, %rem3A_14, %lt3A_17 : vector<8192x3xi32>
    %lt3A_19 = arith.constant 0 : i32
    %lt3A_20 = arith.cmpi slt, %select_n3A, %lt3A_19 : i32
    %ne3A_21 = vector.broadcast %lt3A_20 : i1 to vector<8192x3xi1>
    %ne3A_22 = vector.broadcast %ne3A_21 : vector<8192x3xi1> to vector<8192x3xi1>
    %ne3A_23 = arith.xori %lt3A_18, %ne3A_22 : vector<8192x3xi1>
    %and3A = arith.andi %ne3A_23, %ne3A_16 : vector<8192x3xi1>
    %add3A_24 = vector.broadcast %select_n3A : i32 to vector<8192x3xi32>
    %add3A_25 = arith.addi %rem3A_14, %add3A_24 : vector<8192x3xi32>
    %select_n3A_26 = arith.select %and3A, %add3A_25, %rem3A_14 : vector<8192x3xi1>, vector<8192x3xi32>
    %eq3A_27 = arith.constant 1 : i32
    %eq3A_28 = vector.broadcast %eq3A_27 : i32 to vector<8192x3xi32>
    %eq3A_29 = arith.cmpi eq, %iota3A_8, %eq3A_28 : vector<8192x3xi32>
    %jit3A_30 = arith.constant 16 : i32
    %div3A = vector.broadcast %jit3A_30 : i32 to vector<8192x3xi32>
    %div3A_31 = arith.divsi %iota3A_7, %div3A : vector<8192x3xi32>
    %sign3A = arith.constant 0 : i32
    %sign3A_32 = vector.broadcast %sign3A : i32 to vector<8192x3xi32>
    %sign3A_33 = arith.cmpi sgt, %iota3A_7, %sign3A_32 : vector<8192x3xi32>
    %sign3A_34 = arith.extui %sign3A_33 : vector<8192x3xi1> to vector<8192x3xi32>
    %sign3A_35 = arith.constant 0 : i32
    %sign3A_36 = vector.broadcast %sign3A_35 : i32 to vector<8192x3xi32>
    %sign3A_37 = arith.cmpi slt, %iota3A_7, %sign3A_36 : vector<8192x3xi32>
    %sign3A_38 = arith.extui %sign3A_37 : vector<8192x3xi1> to vector<8192x3xi32>
    %sign3A_39 = arith.subi %sign3A_34, %sign3A_38 : vector<8192x3xi32>
    %sign3A_40 = arith.constant 0 : i32
    %sign3A_41 = arith.cmpi sgt, %jit3A_30, %sign3A_40 : i32
    %sign3A_42 = arith.extui %sign3A_41 : i1 to i32
    %sign3A_43 = arith.constant 0 : i32
    %sign3A_44 = arith.cmpi slt, %jit3A_30, %sign3A_43 : i32
    %sign3A_45 = arith.extui %sign3A_44 : i1 to i32
    %sign3A_46 = arith.subi %sign3A_42, %sign3A_45 : i32
    %ne3A_47 = vector.broadcast %sign3A_46 : i32 to vector<8192x3xi32>
    %ne3A_48 = arith.cmpi ne, %sign3A_39, %ne3A_47 : vector<8192x3xi32>
    %rem3A_49 = vector.broadcast %jit3A_30 : i32 to vector<8192x3xi32>
    %rem3A_50 = arith.remsi %iota3A_7, %rem3A_49 : vector<8192x3xi32>
    %ne3A_51 = arith.constant 0 : i32
    %ne3A_52 = vector.broadcast %ne3A_51 : i32 to vector<8192x3xi32>
    %ne3A_53 = arith.cmpi ne, %rem3A_50, %ne3A_52 : vector<8192x3xi32>
    %and3A_54 = arith.andi %ne3A_48, %ne3A_53 : vector<8192x3xi1>
    %sub3A = arith.constant 1 : i32
    %sub3A_55 = vector.broadcast %sub3A : i32 to vector<8192x3xi32>
    %sub3A_56 = arith.subi %div3A_31, %sub3A_55 : vector<8192x3xi32>
    %select_n3A_57 = arith.select %and3A_54, %sub3A_56, %div3A_31 : vector<8192x3xi1>, vector<8192x3xi32>
    %jit3A_58 = arith.constant 16 : i32
    %eq3A_59 = arith.constant 0 : i32
    %eq3A_60 = arith.cmpi eq, %jit3A_58, %eq3A_59 : i32
    %jit3A_61 = arith.constant 1 : i32
    %select_n3A_62 = arith.select %eq3A_60, %jit3A_61, %jit3A_58 : i32
    %rem3A_63 = vector.broadcast %select_n3A_62 : i32 to vector<8192x3xi32>
    %rem3A_64 = arith.remsi %select_n3A_57, %rem3A_63 : vector<8192x3xi32>
    %ne3A_65 = arith.constant 0 : i32
    %ne3A_66 = vector.broadcast %ne3A_65 : i32 to vector<8192x3xi32>
    %ne3A_67 = arith.cmpi ne, %rem3A_64, %ne3A_66 : vector<8192x3xi32>
    %lt3A_68 = arith.constant 0 : i32
    %lt3A_69 = vector.broadcast %lt3A_68 : i32 to vector<8192x3xi32>
    %lt3A_70 = arith.cmpi slt, %rem3A_64, %lt3A_69 : vector<8192x3xi32>
    %lt3A_71 = arith.constant 0 : i32
    %lt3A_72 = arith.cmpi slt, %select_n3A_62, %lt3A_71 : i32
    %ne3A_73 = vector.broadcast %lt3A_72 : i1 to vector<8192x3xi1>
    %ne3A_74 = vector.broadcast %ne3A_73 : vector<8192x3xi1> to vector<8192x3xi1>
    %ne3A_75 = arith.xori %lt3A_70, %ne3A_74 : vector<8192x3xi1>
    %and3A_76 = arith.andi %ne3A_75, %ne3A_67 : vector<8192x3xi1>
    %add3A_77 = vector.broadcast %select_n3A_62 : i32 to vector<8192x3xi32>
    %add3A_78 = arith.addi %rem3A_64, %add3A_77 : vector<8192x3xi32>
    %select_n3A_79 = arith.select %and3A_76, %add3A_78, %rem3A_64 : vector<8192x3xi1>, vector<8192x3xi32>
    %jit3A_80 = arith.constant 256 : i32
    %div3A_81 = vector.broadcast %jit3A_80 : i32 to vector<8192x3xi32>
    %div3A_82 = arith.divsi %iota3A_7, %div3A_81 : vector<8192x3xi32>
    %sign3A_83 = arith.constant 0 : i32
    %sign3A_84 = vector.broadcast %sign3A_83 : i32 to vector<8192x3xi32>
    %sign3A_85 = arith.cmpi sgt, %iota3A_7, %sign3A_84 : vector<8192x3xi32>
    %sign3A_86 = arith.extui %sign3A_85 : vector<8192x3xi1> to vector<8192x3xi32>
    %sign3A_87 = arith.constant 0 : i32
    %sign3A_88 = vector.broadcast %sign3A_87 : i32 to vector<8192x3xi32>
    %sign3A_89 = arith.cmpi slt, %iota3A_7, %sign3A_88 : vector<8192x3xi32>
    %sign3A_90 = arith.extui %sign3A_89 : vector<8192x3xi1> to vector<8192x3xi32>
    %sign3A_91 = arith.subi %sign3A_86, %sign3A_90 : vector<8192x3xi32>
    %sign3A_92 = arith.constant 0 : i32
    %sign3A_93 = arith.cmpi sgt, %jit3A_80, %sign3A_92 : i32
    %sign3A_94 = arith.extui %sign3A_93 : i1 to i32
    %sign3A_95 = arith.constant 0 : i32
    %sign3A_96 = arith.cmpi slt, %jit3A_80, %sign3A_95 : i32
    %sign3A_97 = arith.extui %sign3A_96 : i1 to i32
    %sign3A_98 = arith.subi %sign3A_94, %sign3A_97 : i32
    %ne3A_99 = vector.broadcast %sign3A_98 : i32 to vector<8192x3xi32>
    %ne3A_100 = arith.cmpi ne, %sign3A_91, %ne3A_99 : vector<8192x3xi32>
    %rem3A_101 = vector.broadcast %jit3A_80 : i32 to vector<8192x3xi32>
    %rem3A_102 = arith.remsi %iota3A_7, %rem3A_101 : vector<8192x3xi32>
    %ne3A_103 = arith.constant 0 : i32
    %ne3A_104 = vector.broadcast %ne3A_103 : i32 to vector<8192x3xi32>
    %ne3A_105 = arith.cmpi ne, %rem3A_102, %ne3A_104 : vector<8192x3xi32>
    %and3A_106 = arith.andi %ne3A_100, %ne3A_105 : vector<8192x3xi1>
    %sub3A_107 = arith.constant 1 : i32
    %sub3A_108 = vector.broadcast %sub3A_107 : i32 to vector<8192x3xi32>
    %sub3A_109 = arith.subi %div3A_82, %sub3A_108 : vector<8192x3xi32>
    %select_n3A_110 = arith.select %and3A_106, %sub3A_109, %div3A_82 : vector<8192x3xi1>, vector<8192x3xi32>
    %select_n3A_111 = arith.select %eq3A_29, %select_n3A_79, %select_n3A_110 : vector<8192x3xi1>, vector<8192x3xi32>
    %select_n3A_112 = arith.select %eq3A_10, %select_n3A_26, %select_n3A_111 : vector<8192x3xi1>, vector<8192x3xi32>
    %convert_element_type3A = arith.sitofp %select_n3A_112 : vector<8192x3xi32> to vector<8192x3xf32>
    %get3A_113 = arith.constant 0 : index
    %get3A_114 = arith.constant 0 : index
    %get3A_115 = vector.load %arg2[%get3A_113, %get3A_114] : memref<16x16384xf32, #tpu.memory_space<vmem>>, vector<16x8192xf32>
    %dot_general3A = arith.constant dense<0.000000e+00> : vector<128x8192xf32>
    %dot_general3A_116 = tpu.matmul %get3A_1, %get3A_115, %dot_general3A {dimension_numbers = #tpu.dot_dimension_numbers<[1], [0], [0], [1], [0, 0, 1, 1], [], []>, transpose_lhs_hint = false} : vector<128x16xf32>, vector<16x8192xf32>, vector<128x8192xf32> -> vector<128x8192xf32>
    %sub3A_117 = arith.constant 0 : i32
    %sub3A_118 = vector.broadcast %sub3A_117 : i32 to vector<128x1xi32>
    %sub3A_119 = arith.subi %add3A_3, %sub3A_118 : vector<128x1xi32>
    %eq3A_120 = vector.broadcast %sub3A_119 : vector<128x1xi32> to vector<128x8192xi32>
    %eq3A_121 = arith.cmpi eq, %iota3A_6, %eq3A_120 : vector<128x8192xi32>
    %jit3A_122 = arith.constant -2.000000e+00 : f32
    %broadcast_in_dim3A_123 = vector.broadcast %jit3A_122 : f32 to vector<128x8192xf32>
    %select_n3A_124 = arith.select %eq3A_121, %broadcast_in_dim3A_123, %dot_general3A_116 : vector<128x8192xi1>, vector<128x8192xf32>
    %dot_general3A_125 = arith.constant dense<0.000000e+00> : vector<128x3xf32>
    %dot_general3A_126 = tpu.matmul %select_n3A_124, %convert_element_type3A, %dot_general3A_125 {dimension_numbers = #tpu.dot_dimension_numbers<[1], [0], [0], [1], [0, 0, 1, 1], [], []>, transpose_lhs_hint = false} : vector<128x8192xf32>, vector<8192x3xf32>, vector<128x3xf32> -> vector<128x3xf32>
    %reduce_max3A = arith.constant dense<0xFF800000> : vector<128xf32>
    %reduce_max3A_127 = vector.multi_reduction <maximumf>, %select_n3A_124, %reduce_max3A [1] : vector<128x8192xf32> to vector<128xf32>
    %broadcast_in_dim3A_128 = vector.shape_cast %reduce_max3A_127 : vector<128xf32> to vector<128x1xf32>
    %eq3A_129 = vector.broadcast %broadcast_in_dim3A_128 : vector<128x1xf32> to vector<128x8192xf32>
    %eq3A_130 = arith.cmpf oeq, %select_n3A_124, %eq3A_129 : vector<128x8192xf32>
    %jit3A_131 = arith.constant -2.000000e+00 : f32
    %broadcast_in_dim3A_132 = vector.broadcast %jit3A_131 : f32 to vector<128x8192xf32>
    %select_n3A_133 = arith.select %eq3A_130, %broadcast_in_dim3A_132, %select_n3A_124 : vector<128x8192xi1>, vector<128x8192xf32>
    %dot_general3A_134 = arith.constant dense<0.000000e+00> : vector<128x3xf32>
    %dot_general3A_135 = tpu.matmul %select_n3A_133, %convert_element_type3A, %dot_general3A_134 {dimension_numbers = #tpu.dot_dimension_numbers<[1], [0], [0], [1], [0, 0, 1, 1], [], []>, transpose_lhs_hint = false} : vector<128x8192xf32>, vector<8192x3xf32>, vector<128x3xf32> -> vector<128x3xf32>
    %sub3A_136 = arith.subf %dot_general3A_126, %dot_general3A_135 : vector<128x3xf32>
    %sub3A_137 = arith.constant -2.000000e+00 : f32
    %sub3A_138 = vector.broadcast %sub3A_137 : f32 to vector<128x1xf32>
    %sub3A_139 = arith.subf %broadcast_in_dim3A_128, %sub3A_138 : vector<128x1xf32>
    %div3A_140 = vector.broadcast %sub3A_139 : vector<128x1xf32> to vector<128x3xf32>
    %div3A_141 = arith.divf %sub3A_136, %div3A_140 : vector<128x3xf32>
    %add3A_142 = arith.constant 5.000000e-01 : f32
    %add3A_143 = vector.broadcast %add3A_142 : f32 to vector<128x3xf32>
    %add3A_144 = arith.addf %div3A_141, %add3A_143 : vector<128x3xf32>
    %floor3A = math.floor %add3A_144 : vector<128x3xf32>
    %convert_element_type3A_145 = arith.fptosi %floor3A : vector<128x3xf32> to vector<128x3xi32>
    %slice3A = vector.extract_strided_slice %convert_element_type3A_145 {offsets = [0, 2], sizes = [128, 1], strides = [1, 1]} : vector<128x3xi32> to vector<128x1xi32>
    %mul3A_146 = arith.constant 256 : i32
    %mul3A_147 = vector.broadcast %mul3A_146 : i32 to vector<128x1xi32>
    %mul3A_148 = arith.muli %slice3A, %mul3A_147 : vector<128x1xi32>
    %slice3A_149 = vector.extract_strided_slice %convert_element_type3A_145 {offsets = [0, 1], sizes = [128, 1], strides = [1, 1]} : vector<128x3xi32> to vector<128x1xi32>
    %mul3A_150 = arith.constant 16 : i32
    %mul3A_151 = vector.broadcast %mul3A_150 : i32 to vector<128x1xi32>
    %mul3A_152 = arith.muli %slice3A_149, %mul3A_151 : vector<128x1xi32>
    %add3A_153 = arith.addi %mul3A_148, %mul3A_152 : vector<128x1xi32>
    %slice3A_154 = vector.extract_strided_slice %convert_element_type3A_145 {offsets = [0, 0], sizes = [128, 1], strides = [1, 1]} : vector<128x3xi32> to vector<128x1xi32>
    %add3A_155 = arith.addi %add3A_153, %slice3A_154 : vector<128x1xi32>
    %add3A_156 = arith.constant 0 : i32
    %add3A_157 = vector.broadcast %add3A_156 : i32 to vector<128x1xi32>
    %add3A_158 = arith.addi %add3A_155, %add3A_157 : vector<128x1xi32>
    %reduce_max3A_159 = arith.constant dense<0xFF800000> : vector<128xf32>
    %reduce_max3A_160 = vector.multi_reduction <maximumf>, %select_n3A_133, %reduce_max3A_159 [1] : vector<128x8192xf32> to vector<128xf32>
    %broadcast_in_dim3A_161 = vector.shape_cast %reduce_max3A_160 : vector<128xf32> to vector<128x1xf32>
    %eq3A_162 = vector.broadcast %broadcast_in_dim3A_161 : vector<128x1xf32> to vector<128x8192xf32>
    %eq3A_163 = arith.cmpf oeq, %select_n3A_133, %eq3A_162 : vector<128x8192xf32>
    %jit3A_164 = arith.constant -2.000000e+00 : f32
    %broadcast_in_dim3A_165 = vector.broadcast %jit3A_164 : f32 to vector<128x8192xf32>
    %select_n3A_166 = arith.select %eq3A_163, %broadcast_in_dim3A_165, %select_n3A_133 : vector<128x8192xi1>, vector<128x8192xf32>
    %dot_general3A_167 = arith.constant dense<0.000000e+00> : vector<128x3xf32>
    %dot_general3A_168 = tpu.matmul %select_n3A_166, %convert_element_type3A, %dot_general3A_167 {dimension_numbers = #tpu.dot_dimension_numbers<[1], [0], [0], [1], [0, 0, 1, 1], [], []>, transpose_lhs_hint = false} : vector<128x8192xf32>, vector<8192x3xf32>, vector<128x3xf32> -> vector<128x3xf32>
    %sub3A_169 = arith.subf %dot_general3A_135, %dot_general3A_168 : vector<128x3xf32>
    %sub3A_170 = arith.constant -2.000000e+00 : f32
    %sub3A_171 = vector.broadcast %sub3A_170 : f32 to vector<128x1xf32>
    %sub3A_172 = arith.subf %broadcast_in_dim3A_161, %sub3A_171 : vector<128x1xf32>
    %div3A_173 = vector.broadcast %sub3A_172 : vector<128x1xf32> to vector<128x3xf32>
    %div3A_174 = arith.divf %sub3A_169, %div3A_173 : vector<128x3xf32>
    %add3A_175 = arith.constant 5.000000e-01 : f32
    %add3A_176 = vector.broadcast %add3A_175 : f32 to vector<128x3xf32>
    %add3A_177 = arith.addf %div3A_174, %add3A_176 : vector<128x3xf32>
    %floor3A_178 = math.floor %add3A_177 : vector<128x3xf32>
    %convert_element_type3A_179 = arith.fptosi %floor3A_178 : vector<128x3xf32> to vector<128x3xi32>
    %slice3A_180 = vector.extract_strided_slice %convert_element_type3A_179 {offsets = [0, 2], sizes = [128, 1], strides = [1, 1]} : vector<128x3xi32> to vector<128x1xi32>
    %mul3A_181 = arith.constant 256 : i32
    %mul3A_182 = vector.broadcast %mul3A_181 : i32 to vector<128x1xi32>
    %mul3A_183 = arith.muli %slice3A_180, %mul3A_182 : vector<128x1xi32>
    %slice3A_184 = vector.extract_strided_slice %convert_element_type3A_179 {offsets = [0, 1], sizes = [128, 1], strides = [1, 1]} : vector<128x3xi32> to vector<128x1xi32>
    %mul3A_185 = arith.constant 16 : i32
    %mul3A_186 = vector.broadcast %mul3A_185 : i32 to vector<128x1xi32>
    %mul3A_187 = arith.muli %slice3A_184, %mul3A_186 : vector<128x1xi32>
    %add3A_188 = arith.addi %mul3A_183, %mul3A_187 : vector<128x1xi32>
    %slice3A_189 = vector.extract_strided_slice %convert_element_type3A_179 {offsets = [0, 0], sizes = [128, 1], strides = [1, 1]} : vector<128x3xi32> to vector<128x1xi32>
    %add3A_190 = arith.addi %add3A_188, %slice3A_189 : vector<128x1xi32>
    %add3A_191 = arith.constant 0 : i32
    %add3A_192 = vector.broadcast %add3A_191 : i32 to vector<128x1xi32>
    %add3A_193 = arith.addi %add3A_190, %add3A_192 : vector<128x1xi32>
    %reduce_max3A_194 = arith.constant dense<0xFF800000> : vector<128xf32>
    %reduce_max3A_195 = vector.multi_reduction <maximumf>, %select_n3A_166, %reduce_max3A_194 [1] : vector<128x8192xf32> to vector<128xf32>
    %broadcast_in_dim3A_196 = vector.shape_cast %reduce_max3A_195 : vector<128xf32> to vector<128x1xf32>
    %eq3A_197 = vector.broadcast %broadcast_in_dim3A_196 : vector<128x1xf32> to vector<128x8192xf32>
    %eq3A_198 = arith.cmpf oeq, %select_n3A_166, %eq3A_197 : vector<128x8192xf32>
    %jit3A_199 = arith.constant -2.000000e+00 : f32
    %broadcast_in_dim3A_200 = vector.broadcast %jit3A_199 : f32 to vector<128x8192xf32>
    %select_n3A_201 = arith.select %eq3A_198, %broadcast_in_dim3A_200, %select_n3A_166 : vector<128x8192xi1>, vector<128x8192xf32>
    %dot_general3A_202 = arith.constant dense<0.000000e+00> : vector<128x3xf32>
    %dot_general3A_203 = tpu.matmul %select_n3A_201, %convert_element_type3A, %dot_general3A_202 {dimension_numbers = #tpu.dot_dimension_numbers<[1], [0], [0], [1], [0, 0, 1, 1], [], []>, transpose_lhs_hint = false} : vector<128x8192xf32>, vector<8192x3xf32>, vector<128x3xf32> -> vector<128x3xf32>
    %sub3A_204 = arith.subf %dot_general3A_168, %dot_general3A_203 : vector<128x3xf32>
    %sub3A_205 = arith.constant -2.000000e+00 : f32
    %sub3A_206 = vector.broadcast %sub3A_205 : f32 to vector<128x1xf32>
    %sub3A_207 = arith.subf %broadcast_in_dim3A_196, %sub3A_206 : vector<128x1xf32>
    %div3A_208 = vector.broadcast %sub3A_207 : vector<128x1xf32> to vector<128x3xf32>
    %div3A_209 = arith.divf %sub3A_204, %div3A_208 : vector<128x3xf32>
    %add3A_210 = arith.constant 5.000000e-01 : f32
    %add3A_211 = vector.broadcast %add3A_210 : f32 to vector<128x3xf32>
    %add3A_212 = arith.addf %div3A_209, %add3A_211 : vector<128x3xf32>
    %floor3A_213 = math.floor %add3A_212 : vector<128x3xf32>
    %convert_element_type3A_214 = arith.fptosi %floor3A_213 : vector<128x3xf32> to vector<128x3xi32>
    %slice3A_215 = vector.extract_strided_slice %convert_element_type3A_214 {offsets = [0, 2], sizes = [128, 1], strides = [1, 1]} : vector<128x3xi32> to vector<128x1xi32>
    %mul3A_216 = arith.constant 256 : i32
    %mul3A_217 = vector.broadcast %mul3A_216 : i32 to vector<128x1xi32>
    %mul3A_218 = arith.muli %slice3A_215, %mul3A_217 : vector<128x1xi32>
    %slice3A_219 = vector.extract_strided_slice %convert_element_type3A_214 {offsets = [0, 1], sizes = [128, 1], strides = [1, 1]} : vector<128x3xi32> to vector<128x1xi32>
    %mul3A_220 = arith.constant 16 : i32
    %mul3A_221 = vector.broadcast %mul3A_220 : i32 to vector<128x1xi32>
    %mul3A_222 = arith.muli %slice3A_219, %mul3A_221 : vector<128x1xi32>
    %add3A_223 = arith.addi %mul3A_218, %mul3A_222 : vector<128x1xi32>
    %slice3A_224 = vector.extract_strided_slice %convert_element_type3A_214 {offsets = [0, 0], sizes = [128, 1], strides = [1, 1]} : vector<128x3xi32> to vector<128x1xi32>
    %add3A_225 = arith.addi %add3A_223, %slice3A_224 : vector<128x1xi32>
    %add3A_226 = arith.constant 0 : i32
    %add3A_227 = vector.broadcast %add3A_226 : i32 to vector<128x1xi32>
    %add3A_228 = arith.addi %add3A_225, %add3A_227 : vector<128x1xi32>
    %reduce_max3A_229 = arith.constant dense<0xFF800000> : vector<128xf32>
    %reduce_max3A_230 = vector.multi_reduction <maximumf>, %select_n3A_201, %reduce_max3A_229 [1] : vector<128x8192xf32> to vector<128xf32>
    %broadcast_in_dim3A_231 = vector.shape_cast %reduce_max3A_230 : vector<128xf32> to vector<128x1xf32>
    %eq3A_232 = vector.broadcast %broadcast_in_dim3A_231 : vector<128x1xf32> to vector<128x8192xf32>
    %eq3A_233 = arith.cmpf oeq, %select_n3A_201, %eq3A_232 : vector<128x8192xf32>
    %jit3A_234 = arith.constant -2.000000e+00 : f32
    %broadcast_in_dim3A_235 = vector.broadcast %jit3A_234 : f32 to vector<128x8192xf32>
    %select_n3A_236 = arith.select %eq3A_233, %broadcast_in_dim3A_235, %select_n3A_201 : vector<128x8192xi1>, vector<128x8192xf32>
    %dot_general3A_237 = arith.constant dense<0.000000e+00> : vector<128x3xf32>
    %dot_general3A_238 = tpu.matmul %select_n3A_236, %convert_element_type3A, %dot_general3A_237 {dimension_numbers = #tpu.dot_dimension_numbers<[1], [0], [0], [1], [0, 0, 1, 1], [], []>, transpose_lhs_hint = false} : vector<128x8192xf32>, vector<8192x3xf32>, vector<128x3xf32> -> vector<128x3xf32>
    %sub3A_239 = arith.subf %dot_general3A_203, %dot_general3A_238 : vector<128x3xf32>
    %sub3A_240 = arith.constant -2.000000e+00 : f32
    %sub3A_241 = vector.broadcast %sub3A_240 : f32 to vector<128x1xf32>
    %sub3A_242 = arith.subf %broadcast_in_dim3A_231, %sub3A_241 : vector<128x1xf32>
    %div3A_243 = vector.broadcast %sub3A_242 : vector<128x1xf32> to vector<128x3xf32>
    %div3A_244 = arith.divf %sub3A_239, %div3A_243 : vector<128x3xf32>
    %add3A_245 = arith.constant 5.000000e-01 : f32
    %add3A_246 = vector.broadcast %add3A_245 : f32 to vector<128x3xf32>
    %add3A_247 = arith.addf %div3A_244, %add3A_246 : vector<128x3xf32>
    %floor3A_248 = math.floor %add3A_247 : vector<128x3xf32>
    %convert_element_type3A_249 = arith.fptosi %floor3A_248 : vector<128x3xf32> to vector<128x3xi32>
    %slice3A_250 = vector.extract_strided_slice %convert_element_type3A_249 {offsets = [0, 2], sizes = [128, 1], strides = [1, 1]} : vector<128x3xi32> to vector<128x1xi32>
    %mul3A_251 = arith.constant 256 : i32
    %mul3A_252 = vector.broadcast %mul3A_251 : i32 to vector<128x1xi32>
    %mul3A_253 = arith.muli %slice3A_250, %mul3A_252 : vector<128x1xi32>
    %slice3A_254 = vector.extract_strided_slice %convert_element_type3A_249 {offsets = [0, 1], sizes = [128, 1], strides = [1, 1]} : vector<128x3xi32> to vector<128x1xi32>
    %mul3A_255 = arith.constant 16 : i32
    %mul3A_256 = vector.broadcast %mul3A_255 : i32 to vector<128x1xi32>
    %mul3A_257 = arith.muli %slice3A_254, %mul3A_256 : vector<128x1xi32>
    %add3A_258 = arith.addi %mul3A_253, %mul3A_257 : vector<128x1xi32>
    %slice3A_259 = vector.extract_strided_slice %convert_element_type3A_249 {offsets = [0, 0], sizes = [128, 1], strides = [1, 1]} : vector<128x3xi32> to vector<128x1xi32>
    %add3A_260 = arith.addi %add3A_258, %slice3A_259 : vector<128x1xi32>
    %add3A_261 = arith.constant 0 : i32
    %add3A_262 = vector.broadcast %add3A_261 : i32 to vector<128x1xi32>
    %add3A_263 = arith.addi %add3A_260, %add3A_262 : vector<128x1xi32>
    %get3A_264 = arith.constant 0 : index
    %get3A_265 = arith.constant 8192 : index
    %get3A_266 = vector.load %arg2[%get3A_264, %get3A_265] : memref<16x16384xf32, #tpu.memory_space<vmem>>, vector<16x8192xf32>
    %dot_general3A_267 = arith.constant dense<0.000000e+00> : vector<128x8192xf32>
    %dot_general3A_268 = tpu.matmul %get3A_1, %get3A_266, %dot_general3A_267 {dimension_numbers = #tpu.dot_dimension_numbers<[1], [0], [0], [1], [0, 0, 1, 1], [], []>, transpose_lhs_hint = false} : vector<128x16xf32>, vector<16x8192xf32>, vector<128x8192xf32> -> vector<128x8192xf32>
    %sub3A_269 = arith.constant 8192 : i32
    %sub3A_270 = vector.broadcast %sub3A_269 : i32 to vector<128x1xi32>
    %sub3A_271 = arith.subi %add3A_3, %sub3A_270 : vector<128x1xi32>
    %eq3A_272 = vector.broadcast %sub3A_271 : vector<128x1xi32> to vector<128x8192xi32>
    %eq3A_273 = arith.cmpi eq, %iota3A_6, %eq3A_272 : vector<128x8192xi32>
    %jit3A_274 = arith.constant -2.000000e+00 : f32
    %broadcast_in_dim3A_275 = vector.broadcast %jit3A_274 : f32 to vector<128x8192xf32>
    %select_n3A_276 = arith.select %eq3A_273, %broadcast_in_dim3A_275, %dot_general3A_268 : vector<128x8192xi1>, vector<128x8192xf32>
    %dot_general3A_277 = arith.constant dense<0.000000e+00> : vector<128x3xf32>
    %dot_general3A_278 = tpu.matmul %select_n3A_276, %convert_element_type3A, %dot_general3A_277 {dimension_numbers = #tpu.dot_dimension_numbers<[1], [0], [0], [1], [0, 0, 1, 1], [], []>, transpose_lhs_hint = false} : vector<128x8192xf32>, vector<8192x3xf32>, vector<128x3xf32> -> vector<128x3xf32>
    %reduce_max3A_279 = arith.constant dense<0xFF800000> : vector<128xf32>
    %reduce_max3A_280 = vector.multi_reduction <maximumf>, %select_n3A_276, %reduce_max3A_279 [1] : vector<128x8192xf32> to vector<128xf32>
    %broadcast_in_dim3A_281 = vector.shape_cast %reduce_max3A_280 : vector<128xf32> to vector<128x1xf32>
    %eq3A_282 = vector.broadcast %broadcast_in_dim3A_281 : vector<128x1xf32> to vector<128x8192xf32>
    %eq3A_283 = arith.cmpf oeq, %select_n3A_276, %eq3A_282 : vector<128x8192xf32>
    %jit3A_284 = arith.constant -2.000000e+00 : f32
    %broadcast_in_dim3A_285 = vector.broadcast %jit3A_284 : f32 to vector<128x8192xf32>
    %select_n3A_286 = arith.select %eq3A_283, %broadcast_in_dim3A_285, %select_n3A_276 : vector<128x8192xi1>, vector<128x8192xf32>
    %dot_general3A_287 = arith.constant dense<0.000000e+00> : vector<128x3xf32>
    %dot_general3A_288 = tpu.matmul %select_n3A_286, %convert_element_type3A, %dot_general3A_287 {dimension_numbers = #tpu.dot_dimension_numbers<[1], [0], [0], [1], [0, 0, 1, 1], [], []>, transpose_lhs_hint = false} : vector<128x8192xf32>, vector<8192x3xf32>, vector<128x3xf32> -> vector<128x3xf32>
    %sub3A_289 = arith.subf %dot_general3A_278, %dot_general3A_288 : vector<128x3xf32>
    %sub3A_290 = arith.constant -2.000000e+00 : f32
    %sub3A_291 = vector.broadcast %sub3A_290 : f32 to vector<128x1xf32>
    %sub3A_292 = arith.subf %broadcast_in_dim3A_281, %sub3A_291 : vector<128x1xf32>
    %div3A_293 = vector.broadcast %sub3A_292 : vector<128x1xf32> to vector<128x3xf32>
    %div3A_294 = arith.divf %sub3A_289, %div3A_293 : vector<128x3xf32>
    %add3A_295 = arith.constant 5.000000e-01 : f32
    %add3A_296 = vector.broadcast %add3A_295 : f32 to vector<128x3xf32>
    %add3A_297 = arith.addf %div3A_294, %add3A_296 : vector<128x3xf32>
    %floor3A_298 = math.floor %add3A_297 : vector<128x3xf32>
    %convert_element_type3A_299 = arith.fptosi %floor3A_298 : vector<128x3xf32> to vector<128x3xi32>
    %slice3A_300 = vector.extract_strided_slice %convert_element_type3A_299 {offsets = [0, 2], sizes = [128, 1], strides = [1, 1]} : vector<128x3xi32> to vector<128x1xi32>
    %mul3A_301 = arith.constant 256 : i32
    %mul3A_302 = vector.broadcast %mul3A_301 : i32 to vector<128x1xi32>
    %mul3A_303 = arith.muli %slice3A_300, %mul3A_302 : vector<128x1xi32>
    %slice3A_304 = vector.extract_strided_slice %convert_element_type3A_299 {offsets = [0, 1], sizes = [128, 1], strides = [1, 1]} : vector<128x3xi32> to vector<128x1xi32>
    %mul3A_305 = arith.constant 16 : i32
    %mul3A_306 = vector.broadcast %mul3A_305 : i32 to vector<128x1xi32>
    %mul3A_307 = arith.muli %slice3A_304, %mul3A_306 : vector<128x1xi32>
    %add3A_308 = arith.addi %mul3A_303, %mul3A_307 : vector<128x1xi32>
    %slice3A_309 = vector.extract_strided_slice %convert_element_type3A_299 {offsets = [0, 0], sizes = [128, 1], strides = [1, 1]} : vector<128x3xi32> to vector<128x1xi32>
    %add3A_310 = arith.addi %add3A_308, %slice3A_309 : vector<128x1xi32>
    %add3A_311 = arith.constant 8192 : i32
    %add3A_312 = vector.broadcast %add3A_311 : i32 to vector<128x1xi32>
    %add3A_313 = arith.addi %add3A_310, %add3A_312 : vector<128x1xi32>
    %reduce_max3A_314 = arith.constant dense<0xFF800000> : vector<128xf32>
    %reduce_max3A_315 = vector.multi_reduction <maximumf>, %select_n3A_286, %reduce_max3A_314 [1] : vector<128x8192xf32> to vector<128xf32>
    %broadcast_in_dim3A_316 = vector.shape_cast %reduce_max3A_315 : vector<128xf32> to vector<128x1xf32>
    %eq3A_317 = vector.broadcast %broadcast_in_dim3A_316 : vector<128x1xf32> to vector<128x8192xf32>
    %eq3A_318 = arith.cmpf oeq, %select_n3A_286, %eq3A_317 : vector<128x8192xf32>
    %jit3A_319 = arith.constant -2.000000e+00 : f32
    %broadcast_in_dim3A_320 = vector.broadcast %jit3A_319 : f32 to vector<128x8192xf32>
    %select_n3A_321 = arith.select %eq3A_318, %broadcast_in_dim3A_320, %select_n3A_286 : vector<128x8192xi1>, vector<128x8192xf32>
    %dot_general3A_322 = arith.constant dense<0.000000e+00> : vector<128x3xf32>
    %dot_general3A_323 = tpu.matmul %select_n3A_321, %convert_element_type3A, %dot_general3A_322 {dimension_numbers = #tpu.dot_dimension_numbers<[1], [0], [0], [1], [0, 0, 1, 1], [], []>, transpose_lhs_hint = false} : vector<128x8192xf32>, vector<8192x3xf32>, vector<128x3xf32> -> vector<128x3xf32>
    %sub3A_324 = arith.subf %dot_general3A_288, %dot_general3A_323 : vector<128x3xf32>
    %sub3A_325 = arith.constant -2.000000e+00 : f32
    %sub3A_326 = vector.broadcast %sub3A_325 : f32 to vector<128x1xf32>
    %sub3A_327 = arith.subf %broadcast_in_dim3A_316, %sub3A_326 : vector<128x1xf32>
    %div3A_328 = vector.broadcast %sub3A_327 : vector<128x1xf32> to vector<128x3xf32>
    %div3A_329 = arith.divf %sub3A_324, %div3A_328 : vector<128x3xf32>
    %add3A_330 = arith.constant 5.000000e-01 : f32
    %add3A_331 = vector.broadcast %add3A_330 : f32 to vector<128x3xf32>
    %add3A_332 = arith.addf %div3A_329, %add3A_331 : vector<128x3xf32>
    %floor3A_333 = math.floor %add3A_332 : vector<128x3xf32>
    %convert_element_type3A_334 = arith.fptosi %floor3A_333 : vector<128x3xf32> to vector<128x3xi32>
    %slice3A_335 = vector.extract_strided_slice %convert_element_type3A_334 {offsets = [0, 2], sizes = [128, 1], strides = [1, 1]} : vector<128x3xi32> to vector<128x1xi32>
    %mul3A_336 = arith.constant 256 : i32
    %mul3A_337 = vector.broadcast %mul3A_336 : i32 to vector<128x1xi32>
    %mul3A_338 = arith.muli %slice3A_335, %mul3A_337 : vector<128x1xi32>
    %slice3A_339 = vector.extract_strided_slice %convert_element_type3A_334 {offsets = [0, 1], sizes = [128, 1], strides = [1, 1]} : vector<128x3xi32> to vector<128x1xi32>
    %mul3A_340 = arith.constant 16 : i32
    %mul3A_341 = vector.broadcast %mul3A_340 : i32 to vector<128x1xi32>
    %mul3A_342 = arith.muli %slice3A_339, %mul3A_341 : vector<128x1xi32>
    %add3A_343 = arith.addi %mul3A_338, %mul3A_342 : vector<128x1xi32>
    %slice3A_344 = vector.extract_strided_slice %convert_element_type3A_334 {offsets = [0, 0], sizes = [128, 1], strides = [1, 1]} : vector<128x3xi32> to vector<128x1xi32>
    %add3A_345 = arith.addi %add3A_343, %slice3A_344 : vector<128x1xi32>
    %add3A_346 = arith.constant 8192 : i32
    %add3A_347 = vector.broadcast %add3A_346 : i32 to vector<128x1xi32>
    %add3A_348 = arith.addi %add3A_345, %add3A_347 : vector<128x1xi32>
    %reduce_max3A_349 = arith.constant dense<0xFF800000> : vector<128xf32>
    %reduce_max3A_350 = vector.multi_reduction <maximumf>, %select_n3A_321, %reduce_max3A_349 [1] : vector<128x8192xf32> to vector<128xf32>
    %broadcast_in_dim3A_351 = vector.shape_cast %reduce_max3A_350 : vector<128xf32> to vector<128x1xf32>
    %eq3A_352 = vector.broadcast %broadcast_in_dim3A_351 : vector<128x1xf32> to vector<128x8192xf32>
    %eq3A_353 = arith.cmpf oeq, %select_n3A_321, %eq3A_352 : vector<128x8192xf32>
    %jit3A_354 = arith.constant -2.000000e+00 : f32
    %broadcast_in_dim3A_355 = vector.broadcast %jit3A_354 : f32 to vector<128x8192xf32>
    %select_n3A_356 = arith.select %eq3A_353, %broadcast_in_dim3A_355, %select_n3A_321 : vector<128x8192xi1>, vector<128x8192xf32>
    %dot_general3A_357 = arith.constant dense<0.000000e+00> : vector<128x3xf32>
    %dot_general3A_358 = tpu.matmul %select_n3A_356, %convert_element_type3A, %dot_general3A_357 {dimension_numbers = #tpu.dot_dimension_numbers<[1], [0], [0], [1], [0, 0, 1, 1], [], []>, transpose_lhs_hint = false} : vector<128x8192xf32>, vector<8192x3xf32>, vector<128x3xf32> -> vector<128x3xf32>
    %sub3A_359 = arith.subf %dot_general3A_323, %dot_general3A_358 : vector<128x3xf32>
    %sub3A_360 = arith.constant -2.000000e+00 : f32
    %sub3A_361 = vector.broadcast %sub3A_360 : f32 to vector<128x1xf32>
    %sub3A_362 = arith.subf %broadcast_in_dim3A_351, %sub3A_361 : vector<128x1xf32>
    %div3A_363 = vector.broadcast %sub3A_362 : vector<128x1xf32> to vector<128x3xf32>
    %div3A_364 = arith.divf %sub3A_359, %div3A_363 : vector<128x3xf32>
    %add3A_365 = arith.constant 5.000000e-01 : f32
    %add3A_366 = vector.broadcast %add3A_365 : f32 to vector<128x3xf32>
    %add3A_367 = arith.addf %div3A_364, %add3A_366 : vector<128x3xf32>
    %floor3A_368 = math.floor %add3A_367 : vector<128x3xf32>
    %convert_element_type3A_369 = arith.fptosi %floor3A_368 : vector<128x3xf32> to vector<128x3xi32>
    %slice3A_370 = vector.extract_strided_slice %convert_element_type3A_369 {offsets = [0, 2], sizes = [128, 1], strides = [1, 1]} : vector<128x3xi32> to vector<128x1xi32>
    %mul3A_371 = arith.constant 256 : i32
    %mul3A_372 = vector.broadcast %mul3A_371 : i32 to vector<128x1xi32>
    %mul3A_373 = arith.muli %slice3A_370, %mul3A_372 : vector<128x1xi32>
    %slice3A_374 = vector.extract_strided_slice %convert_element_type3A_369 {offsets = [0, 1], sizes = [128, 1], strides = [1, 1]} : vector<128x3xi32> to vector<128x1xi32>
    %mul3A_375 = arith.constant 16 : i32
    %mul3A_376 = vector.broadcast %mul3A_375 : i32 to vector<128x1xi32>
    %mul3A_377 = arith.muli %slice3A_374, %mul3A_376 : vector<128x1xi32>
    %add3A_378 = arith.addi %mul3A_373, %mul3A_377 : vector<128x1xi32>
    %slice3A_379 = vector.extract_strided_slice %convert_element_type3A_369 {offsets = [0, 0], sizes = [128, 1], strides = [1, 1]} : vector<128x3xi32> to vector<128x1xi32>
    %add3A_380 = arith.addi %add3A_378, %slice3A_379 : vector<128x1xi32>
    %add3A_381 = arith.constant 8192 : i32
    %add3A_382 = vector.broadcast %add3A_381 : i32 to vector<128x1xi32>
    %add3A_383 = arith.addi %add3A_380, %add3A_382 : vector<128x1xi32>
    %reduce_max3A_384 = arith.constant dense<0xFF800000> : vector<128xf32>
    %reduce_max3A_385 = vector.multi_reduction <maximumf>, %select_n3A_356, %reduce_max3A_384 [1] : vector<128x8192xf32> to vector<128xf32>
    %broadcast_in_dim3A_386 = vector.shape_cast %reduce_max3A_385 : vector<128xf32> to vector<128x1xf32>
    %eq3A_387 = vector.broadcast %broadcast_in_dim3A_386 : vector<128x1xf32> to vector<128x8192xf32>
    %eq3A_388 = arith.cmpf oeq, %select_n3A_356, %eq3A_387 : vector<128x8192xf32>
    %jit3A_389 = arith.constant -2.000000e+00 : f32
    %broadcast_in_dim3A_390 = vector.broadcast %jit3A_389 : f32 to vector<128x8192xf32>
    %select_n3A_391 = arith.select %eq3A_388, %broadcast_in_dim3A_390, %select_n3A_356 : vector<128x8192xi1>, vector<128x8192xf32>
    %dot_general3A_392 = arith.constant dense<0.000000e+00> : vector<128x3xf32>
    %dot_general3A_393 = tpu.matmul %select_n3A_391, %convert_element_type3A, %dot_general3A_392 {dimension_numbers = #tpu.dot_dimension_numbers<[1], [0], [0], [1], [0, 0, 1, 1], [], []>, transpose_lhs_hint = false} : vector<128x8192xf32>, vector<8192x3xf32>, vector<128x3xf32> -> vector<128x3xf32>
    %sub3A_394 = arith.subf %dot_general3A_358, %dot_general3A_393 : vector<128x3xf32>
    %sub3A_395 = arith.constant -2.000000e+00 : f32
    %sub3A_396 = vector.broadcast %sub3A_395 : f32 to vector<128x1xf32>
    %sub3A_397 = arith.subf %broadcast_in_dim3A_386, %sub3A_396 : vector<128x1xf32>
    %div3A_398 = vector.broadcast %sub3A_397 : vector<128x1xf32> to vector<128x3xf32>
    %div3A_399 = arith.divf %sub3A_394, %div3A_398 : vector<128x3xf32>
    %add3A_400 = arith.constant 5.000000e-01 : f32
    %add3A_401 = vector.broadcast %add3A_400 : f32 to vector<128x3xf32>
    %add3A_402 = arith.addf %div3A_399, %add3A_401 : vector<128x3xf32>
    %floor3A_403 = math.floor %add3A_402 : vector<128x3xf32>
    %convert_element_type3A_404 = arith.fptosi %floor3A_403 : vector<128x3xf32> to vector<128x3xi32>
    %slice3A_405 = vector.extract_strided_slice %convert_element_type3A_404 {offsets = [0, 2], sizes = [128, 1], strides = [1, 1]} : vector<128x3xi32> to vector<128x1xi32>
    %mul3A_406 = arith.constant 256 : i32
    %mul3A_407 = vector.broadcast %mul3A_406 : i32 to vector<128x1xi32>
    %mul3A_408 = arith.muli %slice3A_405, %mul3A_407 : vector<128x1xi32>
    %slice3A_409 = vector.extract_strided_slice %convert_element_type3A_404 {offsets = [0, 1], sizes = [128, 1], strides = [1, 1]} : vector<128x3xi32> to vector<128x1xi32>
    %mul3A_410 = arith.constant 16 : i32
    %mul3A_411 = vector.broadcast %mul3A_410 : i32 to vector<128x1xi32>
    %mul3A_412 = arith.muli %slice3A_409, %mul3A_411 : vector<128x1xi32>
    %add3A_413 = arith.addi %mul3A_408, %mul3A_412 : vector<128x1xi32>
    %slice3A_414 = vector.extract_strided_slice %convert_element_type3A_404 {offsets = [0, 0], sizes = [128, 1], strides = [1, 1]} : vector<128x3xi32> to vector<128x1xi32>
    %add3A_415 = arith.addi %add3A_413, %slice3A_414 : vector<128x1xi32>
    %add3A_416 = arith.constant 8192 : i32
    %add3A_417 = vector.broadcast %add3A_416 : i32 to vector<128x1xi32>
    %add3A_418 = arith.addi %add3A_415, %add3A_417 : vector<128x1xi32>
    %concatenate3A = tpu.concatenate %broadcast_in_dim3A_128, %broadcast_in_dim3A_161, %broadcast_in_dim3A_196, %broadcast_in_dim3A_231, %broadcast_in_dim3A_281, %broadcast_in_dim3A_316, %broadcast_in_dim3A_351, %broadcast_in_dim3A_386 in 1 : vector<128x1xf32>, vector<128x1xf32>, vector<128x1xf32>, vector<128x1xf32>, vector<128x1xf32>, vector<128x1xf32>, vector<128x1xf32>, vector<128x1xf32> -> vector<128x8xf32>
    %concatenate3A_419 = tpu.concatenate %add3A_158, %add3A_193, %add3A_228, %add3A_263, %add3A_313, %add3A_348, %add3A_383, %add3A_418 in 1 : vector<128x1xi32>, vector<128x1xi32>, vector<128x1xi32>, vector<128x1xi32>, vector<128x1xi32>, vector<128x1xi32>, vector<128x1xi32>, vector<128x1xi32> -> vector<128x8xi32>
    %reduce_max3A_420 = arith.constant dense<0xFF800000> : vector<128xf32>
    %reduce_max3A_421 = vector.multi_reduction <maximumf>, %concatenate3A, %reduce_max3A_420 [1] : vector<128x8xf32> to vector<128xf32>
    %broadcast_in_dim3A_422 = vector.shape_cast %reduce_max3A_421 : vector<128xf32> to vector<128x1xf32>
    %eq3A_423 = vector.broadcast %broadcast_in_dim3A_422 : vector<128x1xf32> to vector<128x8xf32>
    %eq3A_424 = arith.cmpf oeq, %concatenate3A, %eq3A_423 : vector<128x8xf32>
    %jit3A_425 = arith.constant 16384 : i32
    %broadcast_in_dim3A_426 = vector.broadcast %jit3A_425 : i32 to vector<128x8xi32>
    %select_n3A_427 = arith.select %eq3A_424, %concatenate3A_419, %broadcast_in_dim3A_426 : vector<128x8xi1>, vector<128x8xi32>
    %reduce_min3A = arith.constant dense<2147483647> : vector<128xi32>
    %reduce_min3A_428 = vector.multi_reduction <minsi>, %select_n3A_427, %reduce_min3A [1] : vector<128x8xi32> to vector<128xi32>
    %broadcast_in_dim3A_429 = vector.shape_cast %reduce_min3A_428 : vector<128xi32> to vector<128x1xi32>
    %eq3A_430 = vector.broadcast %broadcast_in_dim3A_429 : vector<128x1xi32> to vector<128x8xi32>
    %eq3A_431 = arith.cmpi eq, %concatenate3A_419, %eq3A_430 : vector<128x8xi32>
    %and3A_432 = arith.andi %eq3A_424, %eq3A_431 : vector<128x8xi1>
    %jit3A_433 = arith.constant -2.000000e+00 : f32
    %broadcast_in_dim3A_434 = vector.broadcast %jit3A_433 : f32 to vector<128x8xf32>
    %select_n3A_435 = arith.select %and3A_432, %broadcast_in_dim3A_434, %concatenate3A : vector<128x8xi1>, vector<128x8xf32>
    %reduce_max3A_436 = arith.constant dense<0xFF800000> : vector<128xf32>
    %reduce_max3A_437 = vector.multi_reduction <maximumf>, %select_n3A_435, %reduce_max3A_436 [1] : vector<128x8xf32> to vector<128xf32>
    %broadcast_in_dim3A_438 = vector.shape_cast %reduce_max3A_437 : vector<128xf32> to vector<128x1xf32>
    %eq3A_439 = vector.broadcast %broadcast_in_dim3A_438 : vector<128x1xf32> to vector<128x8xf32>
    %eq3A_440 = arith.cmpf oeq, %select_n3A_435, %eq3A_439 : vector<128x8xf32>
    %jit3A_441 = arith.constant 16384 : i32
    %broadcast_in_dim3A_442 = vector.broadcast %jit3A_441 : i32 to vector<128x8xi32>
    %select_n3A_443 = arith.select %eq3A_440, %concatenate3A_419, %broadcast_in_dim3A_442 : vector<128x8xi1>, vector<128x8xi32>
    %reduce_min3A_444 = arith.constant dense<2147483647> : vector<128xi32>
    %reduce_min3A_445 = vector.multi_reduction <minsi>, %select_n3A_443, %reduce_min3A_444 [1] : vector<128x8xi32> to vector<128xi32>
    %broadcast_in_dim3A_446 = vector.shape_cast %reduce_min3A_445 : vector<128xi32> to vector<128x1xi32>
    %eq3A_447 = vector.broadcast %broadcast_in_dim3A_446 : vector<128x1xi32> to vector<128x8xi32>
    %eq3A_448 = arith.cmpi eq, %concatenate3A_419, %eq3A_447 : vector<128x8xi32>
    %and3A_449 = arith.andi %eq3A_440, %eq3A_448 : vector<128x8xi1>
    %jit3A_450 = arith.constant -2.000000e+00 : f32
    %broadcast_in_dim3A_451 = vector.broadcast %jit3A_450 : f32 to vector<128x8xf32>
    %select_n3A_452 = arith.select %and3A_449, %broadcast_in_dim3A_451, %select_n3A_435 : vector<128x8xi1>, vector<128x8xf32>
    %reduce_max3A_453 = arith.constant dense<0xFF800000> : vector<128xf32>
    %reduce_max3A_454 = vector.multi_reduction <maximumf>, %select_n3A_452, %reduce_max3A_453 [1] : vector<128x8xf32> to vector<128xf32>
    %broadcast_in_dim3A_455 = vector.shape_cast %reduce_max3A_454 : vector<128xf32> to vector<128x1xf32>
    %eq3A_456 = vector.broadcast %broadcast_in_dim3A_455 : vector<128x1xf32> to vector<128x8xf32>
    %eq3A_457 = arith.cmpf oeq, %select_n3A_452, %eq3A_456 : vector<128x8xf32>
    %jit3A_458 = arith.constant 16384 : i32
    %broadcast_in_dim3A_459 = vector.broadcast %jit3A_458 : i32 to vector<128x8xi32>
    %select_n3A_460 = arith.select %eq3A_457, %concatenate3A_419, %broadcast_in_dim3A_459 : vector<128x8xi1>, vector<128x8xi32>
    %reduce_min3A_461 = arith.constant dense<2147483647> : vector<128xi32>
    %reduce_min3A_462 = vector.multi_reduction <minsi>, %select_n3A_460, %reduce_min3A_461 [1] : vector<128x8xi32> to vector<128xi32>
    %broadcast_in_dim3A_463 = vector.shape_cast %reduce_min3A_462 : vector<128xi32> to vector<128x1xi32>
    %eq3A_464 = vector.broadcast %broadcast_in_dim3A_463 : vector<128x1xi32> to vector<128x8xi32>
    %eq3A_465 = arith.cmpi eq, %concatenate3A_419, %eq3A_464 : vector<128x8xi32>
    %and3A_466 = arith.andi %eq3A_457, %eq3A_465 : vector<128x8xi1>
    %jit3A_467 = arith.constant -2.000000e+00 : f32
    %broadcast_in_dim3A_468 = vector.broadcast %jit3A_467 : f32 to vector<128x8xf32>
    %select_n3A_469 = arith.select %and3A_466, %broadcast_in_dim3A_468, %select_n3A_452 : vector<128x8xi1>, vector<128x8xf32>
    %reduce_max3A_470 = arith.constant dense<0xFF800000> : vector<128xf32>
    %reduce_max3A_471 = vector.multi_reduction <maximumf>, %select_n3A_469, %reduce_max3A_470 [1] : vector<128x8xf32> to vector<128xf32>
    %broadcast_in_dim3A_472 = vector.shape_cast %reduce_max3A_471 : vector<128xf32> to vector<128x1xf32>
    %eq3A_473 = vector.broadcast %broadcast_in_dim3A_472 : vector<128x1xf32> to vector<128x8xf32>
    %eq3A_474 = arith.cmpf oeq, %select_n3A_469, %eq3A_473 : vector<128x8xf32>
    %jit3A_475 = arith.constant 16384 : i32
    %broadcast_in_dim3A_476 = vector.broadcast %jit3A_475 : i32 to vector<128x8xi32>
    %select_n3A_477 = arith.select %eq3A_474, %concatenate3A_419, %broadcast_in_dim3A_476 : vector<128x8xi1>, vector<128x8xi32>
    %reduce_min3A_478 = arith.constant dense<2147483647> : vector<128xi32>
    %reduce_min3A_479 = vector.multi_reduction <minsi>, %select_n3A_477, %reduce_min3A_478 [1] : vector<128x8xi32> to vector<128xi32>
    %broadcast_in_dim3A_480 = vector.shape_cast %reduce_min3A_479 : vector<128xi32> to vector<128x1xi32>
    %concatenate3A_481 = tpu.concatenate %broadcast_in_dim3A, %broadcast_in_dim3A_422, %broadcast_in_dim3A_438, %broadcast_in_dim3A_455, %broadcast_in_dim3A_472 in 1 : vector<128x1xf32>, vector<128x1xf32>, vector<128x1xf32>, vector<128x1xf32>, vector<128x1xf32> -> vector<128x5xf32>
    %concatenate3A_482 = tpu.concatenate %add3A_3, %broadcast_in_dim3A_429, %broadcast_in_dim3A_446, %broadcast_in_dim3A_463, %broadcast_in_dim3A_480 in 1 : vector<128x1xi32>, vector<128x1xi32>, vector<128x1xi32>, vector<128x1xi32>, vector<128x1xi32> -> vector<128x5xi32>
    %jit3A_483 = arith.constant 0 : i32
    %jit3A_484 = arith.constant 16383 : i32
    %max3A = vector.broadcast %jit3A_483 : i32 to vector<128x5xi32>
    %max3A_485 = arith.maxsi %max3A, %concatenate3A_482 : vector<128x5xi32>
    %min3A = vector.broadcast %jit3A_484 : i32 to vector<128x5xi32>
    %min3A_486 = arith.minsi %min3A, %max3A_485 : vector<128x5xi32>
    %mul3A_487 = arith.mulf %concatenate3A_481, %concatenate3A_481 : vector<128x5xf32>
    %mul3A_488 = arith.constant 2.000000e-01 : f32
    %mul3A_489 = vector.broadcast %mul3A_488 : f32 to vector<128x5xf32>
    %mul3A_490 = arith.mulf %mul3A_487, %mul3A_489 : vector<128x5xf32>
    %broadcast_in_dim3A_491 = arith.constant 0.000000e+00 : f32
    %broadcast_in_dim3A_492 = vector.broadcast %broadcast_in_dim3A_491 : f32 to vector<128x3xf32>
    %concatenate3A_493 = tpu.concatenate %mul3A_490, %broadcast_in_dim3A_492 in 1 : vector<128x5xf32>, vector<128x3xf32> -> vector<128x8xf32>
    %swap3A = arith.constant 0 : index
    %swap3A_494 = arith.constant 0 : index
    %swap3A_495 = vector.load %arg3[%swap3A, %swap3A_494] : memref<128x8xf32, #tpu.memory_space<vmem>>, vector<128x8xf32>
    tpu.vector_store %arg3[%swap3A, %swap3A_494], %concatenate3A_493 {strides = array<i32>} : memref<128x8xf32, #tpu.memory_space<vmem>>, vector<128x8xf32>,
    %swap3A_496 = arith.constant 0 : index
    %swap3A_497 = arith.constant 0 : index
    %swap3A_498 = vector.load %arg4[%swap3A_496, %swap3A_497] : memref<128x5xi32, #tpu.memory_space<vmem>>, vector<128x5xi32>
    tpu.vector_store %arg4[%swap3A_496, %swap3A_497], %min3A_486 {strides = array<i32>} : memref<128x5xi32, #tpu.memory_space<vmem>>, vector<128x5xi32>,
    return
  }
  func.func @transform_0(%arg0: i32) -> (i32, i32) {
    %c0_i32 = arith.constant 0 : i32
    %c0_i32_0 = arith.constant 0 : i32
    return %arg0, %c0_i32 : i32, i32
  }
  func.func @transform_1(%arg0: i32) -> (i32, i32) {
    %c0_i32 = arith.constant 0 : i32
    %c0_i32_0 = arith.constant 0 : i32
    %c0_i32_1 = arith.constant 0 : i32
    return %c0_i32, %c0_i32_0 : i32, i32
  }
  func.func @transform_2(%arg0: i32) -> (i32, i32) {
    %c0_i32 = arith.constant 0 : i32
    %c0_i32_0 = arith.constant 0 : i32
    return %arg0, %c0_i32 : i32, i32
  }
  func.func @transform_3(%arg0: i32) -> (i32, i32) {
    %c0_i32 = arith.constant 0 : i32
    %c0_i32_0 = arith.constant 0 : i32
    return %arg0, %c0_i32 : i32, i32
  }
}

</mosaic_0001>

<sc_bundles>
// kernel: kernel.5.cloned.1.call-start
scs
__scs_entry_jumppad:
0x0: {  	(pc) =	sbr.rel $0x88, $3  }
0x1: {  	(tag) =	ssettag $0x0;
	lr =	simm.s32 $0x1  }
0x2: {  	[smem:$0x3FA0] =	sst lr;
	_ =	strace $0xD0000000  }
0x3: {  	_ = 	snop  }
0x4: {  	_ = 	snop  }
0x5: {  	_ = 	snop  }
0x6: {  	_ = 	snop  }
0x7: {  	_ = 	snop  }
__scs_overlays_trampoline_lowered:
0x8: {  	[smem:$0x3FAF] =	sst s0  }
0x9: {  	[smem:$0x3FB0] =	sst s1  }
0xa: {  	[smem:$0x3FB1] =	sst s2  }
0xb: {  	[smem:$0x3FB2] =	sst s3  }
0xc: {  	[smem:$0x3FB3] =	sst s4  }
0xd: {  	[smem:$0x3FB4] =	sst s5  }
0xe: {  	[smem:$0x3FB5] =	sst s6  }
0xf: {  	[smem:$0x3FB6] =	sst s7  }
0x10: {  	[smem:$0x3FB7] =	sst s8  }
0x11: {  	[smem:$0x3FB8] =	sst s9;
	s0 =	simm.s32 @!p0 $0x0  }
0x12: {  	s1 =	sld [smem:$0x3F9E];
	s0 =	simm.s32 @p0 $0x1  }
0x13: {  	[smem:$0x3FB9] =	sst s0;
	s0 =	simm.s32 @!p1 $0x0  }
0x14: {  	s2 =	sld [smem:$0x3F9D];
	s0 =	simm.s32 @p1 $0x1  }
0x15: {  	[smem:$0x3FBA] =	sst s0;
	s0 =	simm.s32 @!p2 $0x0  }
0x16: {  	s3 =	sld [smem:$0x3FDB];
	s0 =	simm.s32 @p2 $0x1  }
0x17: {  	s4 =	simm.s32 $0x1BF5;
	[smem:$0x3FBC] =	sst s0  }
0x18: {  	s0 =	sld [smem:$0x3F9F];
	_ =	swait.ge [sflag:s4], $0x0  }
0x19: {  	s7 =	sld [smem:$0x3FA0]  }
0x1a: {  	s8 =	sadd.s32 $0xFFFFE003, lr  }
0x1b: {  	s9 =	sadd.s32 $0xFFFFFEF7, lr;
	s5 =	simm.s32 $0xFFFFFFFF;
	p2 =	slt.u32 s8, $0xFFFFF086  }
0x1c: {  	p1 =	slt.u32 s9, $0xF7A;
	s5 =	simm.s32 @!p2 $0x0  }
0x1d: {  	s5 =	simm.s32 @p1 $0x1;
	p0 =	seq.s32 s7, s2  }
0x1e: {  	s7 =	smul.u32 @!p0 $0xF7A, s2;
	p2 =	seq.s32 @!p0 s5, $0x0  }
0x1f: {  	s9 =	smul.u32 $0xF7A, s1;
	s8 =	simm.s32 @!p0 $0x1BF5;
	p2 =	por !p2, p0  }
0x20: {  	[sflag:s8] =	ssyncset.s32 @!p0 $0xFFFFF086;
	s6 =	sadd.s32 @!p0 s3, s7;
	s7 =	simm.s32 @!p0 $0x108  }
0x21: {  	s3 =	sadd.s32 s3, s9;
	s6 =	sadd.s32 @!p0 $0x88, s6;
	s7 =	simm.s32 @p2 $0x1082  }
0x22: {  	[simem:s7], [sflag:s8] =	dma.local @!p0 [hbm:s6], $0xF7A  }
0x23: {  	s9 =	sor.u32 $0xD0000000, s2;
	s6 =	simm.s32 $0x108;
	_ =	swait.ge @!p0 [sflag:s8], $0x0  }
0x24: {  	s3 =	sadd.s32 $0x88, s3;
	s6 =	simm.s32 @!p1 $0x1082;
	[sflag:s4] =	ssyncset.s32 $0xFFFFF086  }
0x25: {  	[simem:s6], [sflag:s4] =	dma.local [hbm:s3], $0xF7A  }
0x26: {  	[smem:$0x3FA0] =	sst s1;
	(tag) =	ssettag s2;
	_ =	strace s9  }
0x27: {  	s1 =	sld [smem:$0x3FB0]  }
0x28: {  	s2 =	sld [smem:$0x3FB1]  }
0x29: {  	s4 =	sld [smem:$0x3FB3]  }
0x2a: {  	p0 =	seq.s32 s5, $0x0;
	s5 =	sld [smem:$0x3FB4]  }
0x2b: {  	s6 =	sld [smem:$0x3FB5]  }
0x2c: {  	s7 =	sld [smem:$0x3FB6]  }
0x2d: {  	s3 =	simm.s32 $0x108;
	s8 =	sld [smem:$0x3FB7]  }
0x2e: {  	s3 =	simm.s32 @!p0 $0x1082;
	s9 =	sld [smem:$0x3FB8]  }
0x2f: {  	lr =	sadd.s32 s0, s3;
	s0 =	sld [smem:$0x3FAF]  }
0x30: {  	s3 =	sld [smem:$0x3FB2]  }
0x31: {  	[smem:$0x3FBB] =	sst s10  }
0x32: {  	s10 =	sld [smem:$0x3FB9];
	_ =	sdelay $0x3  }
0x33: {  	p0 =	seq.s32 s10, $0x1;
	s10 =	sld [smem:$0x3FBB];
	_ =	sdelay $0x3  }
0x34: {  	[smem:$0x3FBB] =	sst s10  }
0x35: {  	s10 =	sld [smem:$0x3FBA];
	_ =	sdelay $0x3  }
0x36: {  	p1 =	seq.s32 s10, $0x1;
	s10 =	sld [smem:$0x3FBB];
	_ =	sdelay $0x3  }
0x37: {  	[smem:$0x3FBB] =	sst s10  }
0x38: {  	s10 =	sld [smem:$0x3FBC]  }
0x39: {  	_ = 	snop;
	(pc) =	sbr.ind lr, $3  }
0x3a: {  	_ = 	snop  }
0x3b: {  	_ = 	snop  }
0x3c: {  	p2 =	seq.s32 s10, $0x1;
	s10 =	sld [smem:$0x3FBB]  }
0x3d: {  	_ =	shalt  }
0x3e: {  	_ =	shalt  }
0x3f: {  	_ =	shalt  }
0x40: {  	_ =	shalt  }
0x41: {  	_ =	shalt  }
0x42: {  	_ =	shalt  }
0x43: {  	_ =	shalt  }
0x44: {  	_ =	shalt  }
0x45: {  	_ =	shalt  }
0x46: {  	_ =	shalt  }
0x47: {  	_ =	shalt  }
0x48: {  	_ =	shalt  }
0x49: {  	_ =	shalt  }
0x4a: {  	_ =	shalt  }
0x4b: {  	_ =	shalt  }
0x4c: {  	_ =	shalt  }
0x4d: {  	_ =	shalt  }
0x4e: {  	_ =	shalt  }
0x4f: {  	_ =	shalt  }
0x50: {  	_ =	shalt  }
0x51: {  	_ =	shalt  }
0x52: {  	_ =	shalt  }
0x53: {  	_ =	shalt  }
0x54: {  	_ =	shalt  }
0x55: {  	_ =	shalt  }
0x56: {  	_ =	shalt  }
0x57: {  	_ =	shalt  }
0x58: {  	_ =	shalt  }
0x59: {  	_ =	shalt  }
0x5a: {  	_ =	shalt  }
0x5b: {  	_ =	shalt  }
0x5c: {  	_ =	shalt  }
0x5d: {  	_ =	shalt  }
0x5e: {  	_ =	shalt  }
0x5f: {  	_ =	shalt  }
0x60: {  	_ =	shalt  }
0x61: {  	_ =	shalt  }
0x62: {  	_ =	shalt  }
0x63: {  	_ =	shalt  }
0x64: {  	_ =	shalt  }
0x65: {  	_ =	shalt  }
0x66: {  	_ =	shalt  }
0x67: {  	_ =	shalt  }
0x68: {  	_ =	shalt  }
0x69: {  	_ =	shalt  }
0x6a: {  	_ =	shalt  }
0x6b: {  	_ =	shalt  }
0x6c: {  	_ =	shalt  }
0x6d: {  	_ =	shalt  }
0x6e: {  	_ =	shalt  }
0x6f: {  	_ =	shalt  }
0x70: {  	_ =	shalt  }
0x71: {  	_ =	shalt  }
0x72: {  	_ =	shalt  }
0x73: {  	_ =	shalt  }
0x74: {  	_ =	shalt  }
0x75: {  	_ =	shalt  }
0x76: {  	_ =	shalt  }
0x77: {  	_ =	shalt  }
0x78: {  	_ =	shalt  }
0x79: {  	_ =	shalt  }
0x7a: {  	_ =	shalt  }
0x7b: {  	_ =	shalt  }
0x7c: {  	_ =	shalt  }
0x7d: {  	_ =	shalt  }
0x7e: {  	_ =	shalt  }
0x7f: {  	_ =	shalt  }
0x80: {  	_ =	shalt  }
0x81: {  	_ =	shalt  }
0x82: {  	_ =	shalt  }
0x83: {  	_ =	shalt  }
0x84: {  	_ =	shalt  }
0x85: {  	_ =	shalt  }
0x86: {  	_ =	shalt  }
0x87: {  	_ =	shalt  }
.Lfunc_end0:
.L_simem_size_0:
called_computation_lowered:
.L_overlay_start_0:
0x88: {  	s2 =	sld [smem:$0x3FD9]  }
0x89: {  	s3 =	sld [smem:$0x3FFE];
	_ =	sdelay $0x1  }
0x8a: {  	s1 =	srdreg.scid  }
0x8b: {  	s0 =	sand.u32 $0x1, s1  }
0x8c: {  	s17 =	sshll.u32 s0, $0xA;
	s2 =	sadd.s32 s3, s2  }
0x8d: {  	s2 =	sadd.s32 s2, s17  }
0x8e: {  	[smem:$0x3FC7] =	sst s2  }
0x8f: {  	_ = 	snop  }
0x90: {  	s2 =	sld [smem:$0x3FD0];
	(tm) =	ssettm $0x1  }
0x91: {  	s18 =	sld [smem:$0x3FFB];
	_ =	sdelay $0x3  }
0x92: {  	_ =	strace s18  }
0x93: {  	s3 =	sld [smem:$0x3FFC];
	_ =	sdelay $0x3  }
0x94: {  	_ =	strace s3  }
0x95: {  	s3 =	sld [smem:$0x3FFD];
	_ =	sdelay $0x3  }
0x96: {  	_ =	strace s3  }
0x97: {  	_ =	strace $0x8FFFFFFF  }
0x98: {  	s19 =	sld [smem:$0x3FDB];
	_ =	sdelay $0x1  }
0x99: {  	s4 =	simm.s32 $_scs_section_size  }
0x9a: {  	s5 =	simm.s32 $_size__tile_overlayer_lowered;
	s6 =	simm.s32 $_tile_overlayer_lowered  }
0x9b: {  	s22 =	simm.s32 $0x1BFF;
	s21 =	sshll.u32 s6, $0x1;
	s3 =	sadd.s32 s4, s19  }
0x9c: {  	s7 =	simm.s32 $0x0;
	s20 =	sshll.u32 s5, $0x1;
	s5 =	sadd.s32 s21, s3  }
0x9d: {  	[timem:s7], [sflag:s22] =	dma.local [hbm:s5], s20  }
0x9e: {  	_ =	swait.ge [sflag:s22], s20  }
0x9f: {  	s4 =	ssub.s32 $0x0, s20;
	[sflag:s22] =	ssyncset.done $0x0  }
0xa0: {  	[sflag:s22] =	ssyncadd.s32 s4;
	_ =	sdelay $0x1  }
0xa1: {  	s23 =	simm.s32 $0x1B8B  }
0xa2: {  	_ =	swait.ge [sflag:s23], $0x1  }
0xa3: {  	[sflag:s23] =	ssyncset.done $0x0  }
0xa4: {  	s25 =	simm.s32 $0x1B8E;
	s24 =	sld [smem:$0x3FFE];
	[sflag:s23] =	ssyncadd.s32 $0xFFFFFFFF  }
0xa5: {  	s26 =	simm.s32 $execute0_lowered;
	[smem:$0x3FD2] =	sst s25  }
0xa6: {  	s5 =	sshll.u32 s26, $0x1;
	_ =	strace $0x80000046;
	[dreg:$0x1] =	wrdreg $0xFFFFFFFF  }
0xa7: {  	s28 =	simm.s32 $_size_execute0_lowered;
	s3 =	sadd.s32 s3, s5;
	[dreg:$0x0] =	wrdreg $0x0  }
0xa8: {  	s5 =	sshll.u32 s28, $0x1;
	[dreg:$0x2] =	wrdreg s3  }
0xa9: {  	[dreg:$0x3] =	wrdreg s5  }
0xaa: {  	[dreg:$0x4] =	wrdreg $0xC0  }
0xab: {  	_ =	task [dreg:s7], $0x5FFFF  }
0xac: {  	[dreg:$0x1] =	wrdreg $0xFFFFFFFF  }
0xad: {  	[dreg:$0x0] =	wrdreg $0x60  }
0xae: {  	[dreg:$0x2] =	wrdreg s2  }
0xaf: {  	[dreg:$0x3] =	wrdreg s24  }
0xb0: {  	[dreg:$0x4] =	wrdreg $0x9  }
0xb1: {  	_ =	task.clear_ibuf [dreg:s7], $0x5FFFF;
	_ =	strace $0x90000046  }
0xb2: {  	s29 =	simm.s32 $0x9;
	_ =	strace $0x80000048  }
0xb3: {  	_ =	swait.ge [sflag:s29], $0x1  }
0xb4: {  	[sflag:s29] =	ssyncadd.s32 $0xFFFFFFFF  }
0xb5: {  	_ =	strace $0x90000048  }
0xb6: {  	_ =	sfence  }
0xb7: {  	s30 =	sld [smem:$0x0];
	_ =	sdelay $0x2  }
0xb8: {  	s31 =	sshll.u32 s1, $0xD;
	s1 =	sshrl.u32 s1, $0x2  }
0xb9: {  	s3 =	sand.u32 $0x4000, s31;
	s1 =	sadd.s32 s1, s30  }
0xba: {  	s0 =	sor.u32 s3, s0;
	s1 =	sshll.u32 s1, $0x11  }
0xbb: {  	s0 =	sor.u32 s1, s0  }
0xbc: {  	s0 =	sadd.s32 $0x8F2B, s0  }
0xbd: {  	[sflag:s0] =	ssyncadd.remote.s32 $0x1  }
0xbe: {  	_ =	sfence.sel $0xFFFF  }
0xbf: {  	[dreg:$0x0] =	wrdreg $0xFFFFFFFF;
	(pc) =	sbr.abs _section_cstart, $3  }
0xc0: {  	[dreg:$0x1] =	wrdreg $0xFFFFFFFF  }
0xc1: {  	_ =	task.clear_ibuf [dreg:s7], $0x2FFFF;
	_ =	strace $0x9FFFFFFF  }
0xc2: {  	(tm) =	ssettm $0x7FFFFFFF  }
0xc3: {  	_ =	shalt  }
tec
execute0_lowered:
.L_overlay_start_1:
0x0: {  	(tag) =	ssettag $0x1  }
0x1: {  	s0 =	srdreg.scid;
	s2 =	rddreg [dreg:$0x0]  }
0x2: {  	s1 =	stileid.u32;
	s4 =	rddreg [dreg:$0x1];
	s3 =	simm.s32 $0x0  }
0x3: {  	s8 =	simm.s32 $0x2;
	s10 =	simm.s32 $0x80;
	s13 =	simm.s32 $0x7200  }
0x4: {  	s14 =	simm.s32 $0x700;
	s15 =	simm.s32 $0x7A00;
	s16 =	simm.s32 $0x780  }
0x5: {  	s17 =	simm.s32 $0x8200;
	s18 =	simm.s32 $0x800;
	s19 =	simm.s32 $0x8A00  }
0x6: {  	s20 =	simm.s32 $0x880;
	s21 =	simm.s32 $0x9200;
	s22 =	simm.s32 $0x900  }
0x7: {  	s23 =	simm.s32 $0x9A00;
	s24 =	simm.s32 $0x980;
	s25 =	simm.s32 $0xA200  }
0x8: {  	s26 =	simm.s32 $0x1;
	s28 =	simm.s32 $0xBA00;
	s29 =	simm.s32 $0x0  }
0x9: {  	s0 =	sand.u32 $0x1, s0;
	s1 =	sshll.u32 s1, $0x1;
	[smem:$0x7FF] =	sst s3  }
0xa: {  	s1 =	sor.u32 s0, s1;
	_ =	strace $0x80000047;
	s0 =	ssub.s32 $0x2, s0  }
0xb: {  	s5 =	smul.u32 $0x140, s1;
	s6 =	sshll.u32 s1, $0x9;
	s7 =	sshrl.u32 s0, $0x1  }
0xc: {  	s1 =	sshll.u32 s1, $0xA;
	s6 =	sadd.s32 s6, s4;
	s0 =	ssub.s32 s0, s7  }
0xd: {  	s1 =	sadd.s32 s1, s4;
	s5 =	sadd.s32 s5, s4;
	s7 =	smax.u32 s0, $0x1  }
0xe: {  	s4 =	sadd.s32 $0x800, s5;
	s5 =	sadd.s32 $0x3000, s6;
	s6 =	sadd.s32 $0x7000, s1  }
.LBB2_1:
0xf: {  	[tilespmem:s3], [sflag:$0x2] =	stream.linear.gather [hbm4b:s4+s3], $0xA00, $0x38;
	[tilespmem:$0xDA00] =	vst v63  }
0x10: {  	_ =	swait.ge [sflag:s8], $0xA00  }
0x11: {  	[sflag:s8] =	ssyncset.done $0x0  }
0x12: {  	s0 =	simm.s32 $0xAA00;
	[sflag:s8] =	ssyncadd.s32 $0xFFFFF600  }
0x13: {  	[tilespmem:s0], [sflag:$0x2] =	stream.linear.gather [hbm4b:s5+s3], $0x1000, $0x38;
	[tilespmem:$0xDA00] =	vst v63  }
0x14: {  	_ =	swait.ge [sflag:s8], $0x1000  }
0x15: {  	[sflag:s8] =	ssyncset.done $0x0  }
0x16: {  	s12 =	simm.s32 $0xA00;
	[sflag:s8] =	ssyncadd.s32 $0xFFFFF000  }
0x17: {  	[tilespmem:s12], [sflag:$0x1] =	stream.indirect.gather [hbm4b:s2+s10], $0x10, s3, s10, $0xb8;
	[tilespmem:$0xDA00] =	vst v63  }
0x18: {  	s1 =	simm.s32 $0x1200  }
0x19: {  	[tilespmem:s1], [sflag:$0x1] =	stream.indirect.gather [hbm4b:s2+s10], $0x10, s10, s10, $0xb8;
	[tilespmem:$0xDA00] =	vst v63  }
0x1a: {  	s9 =	simm.s32 $0x100;
	s1 =	simm.s32 $0x1A00  }
0x1b: {  	[tilespmem:s1], [sflag:$0x1] =	stream.indirect.gather [hbm4b:s2+s10], $0x10, s9, s10, $0xb8;
	[tilespmem:$0xDA00] =	vst v63  }
0x1c: {  	s11 =	simm.s32 $0x180;
	s12 =	simm.s32 $0x2200  }
0x1d: {  	[tilespmem:s12], [sflag:$0x1] =	stream.indirect.gather [hbm4b:s2+s10], $0x10, s11, s10, $0xb8;
	[tilespmem:$0xDA00] =	vst v63  }
0x1e: {  	s1 =	simm.s32 $0x200;
	s9 =	simm.s32 $0x2A00  }
0x1f: {  	[tilespmem:s9], [sflag:$0x1] =	stream.indirect.gather [hbm4b:s2+s10], $0x10, s1, s10, $0xb8;
	[tilespmem:$0xDA00] =	vst v63  }
0x20: {  	s11 =	simm.s32 $0x280;
	s12 =	simm.s32 $0x3200  }
0x21: {  	[tilespmem:s12], [sflag:$0x1] =	stream.indirect.gather [hbm4b:s2+s10], $0x10, s11, s10, $0xb8;
	[tilespmem:$0xDA00] =	vst v63  }
0x22: {  	s1 =	simm.s32 $0x300;
	s9 =	simm.s32 $0x3A00  }
0x23: {  	[tilespmem:s9], [sflag:$0x1] =	stream.indirect.gather [hbm4b:s2+s10], $0x10, s1, s10, $0xb8;
	[tilespmem:$0xDA00] =	vst v63  }
0x24: {  	s11 =	simm.s32 $0x380;
	s12 =	simm.s32 $0x4200  }
0x25: {  	[tilespmem:s12], [sflag:$0x1] =	stream.indirect.gather [hbm4b:s2+s10], $0x10, s11, s10, $0xb8;
	[tilespmem:$0xDA00] =	vst v63  }
0x26: {  	s1 =	simm.s32 $0x400;
	s9 =	simm.s32 $0x4A00  }
0x27: {  	[tilespmem:s9], [sflag:$0x1] =	stream.indirect.gather [hbm4b:s2+s10], $0x10, s1, s10, $0xb8;
	[tilespmem:$0xDA00] =	vst v63  }
0x28: {  	s11 =	simm.s32 $0x480;
	s12 =	simm.s32 $0x5200  }
0x29: {  	[tilespmem:s12], [sflag:$0x1] =	stream.indirect.gather [hbm4b:s2+s10], $0x10, s11, s10, $0xb8;
	[tilespmem:$0xDA00] =	vst v63  }
0x2a: {  	s1 =	simm.s32 $0x500;
	s9 =	simm.s32 $0x5A00  }
0x2b: {  	[tilespmem:s9], [sflag:$0x1] =	stream.indirect.gather [hbm4b:s2+s10], $0x10, s1, s10, $0xb8;
	[tilespmem:$0xDA00] =	vst v63  }
0x2c: {  	s11 =	simm.s32 $0x580;
	s12 =	simm.s32 $0x6200  }
0x2d: {  	[tilespmem:s12], [sflag:$0x1] =	stream.indirect.gather [hbm4b:s2+s10], $0x10, s11, s10, $0xb8;
	[tilespmem:$0xDA00] =	vst v63  }
0x2e: {  	s1 =	simm.s32 $0x600;
	s9 =	simm.s32 $0x6A00  }
0x2f: {  	[tilespmem:s9], [sflag:$0x1] =	stream.indirect.gather [hbm4b:s2+s10], $0x10, s1, s10, $0xb8;
	[tilespmem:$0xDA00] =	vst v63  }
0x30: {  	s11 =	simm.s32 $0x680  }
0x31: {  	[tilespmem:s13], [sflag:$0x1] =	stream.indirect.gather [hbm4b:s2+s10], $0x10, s11, s10, $0xb8;
	[tilespmem:$0xDA00] =	vst v63  }
0x32: {  	_ = 	snop  }
0x33: {  	[tilespmem:s15], [sflag:$0x1] =	stream.indirect.gather [hbm4b:s2+s10], $0x10, s14, s10, $0xb8;
	[tilespmem:$0xDA00] =	vst v63  }
0x34: {  	_ = 	snop  }
0x35: {  	[tilespmem:s17], [sflag:$0x1] =	stream.indirect.gather [hbm4b:s2+s10], $0x10, s16, s10, $0xb8;
	[tilespmem:$0xDA00] =	vst v63  }
0x36: {  	_ = 	snop  }
0x37: {  	[tilespmem:s19], [sflag:$0x1] =	stream.indirect.gather [hbm4b:s2+s10], $0x10, s18, s10, $0xb8;
	[tilespmem:$0xDA00] =	vst v63  }
0x38: {  	_ = 	snop  }
0x39: {  	[tilespmem:s21], [sflag:$0x1] =	stream.indirect.gather [hbm4b:s2+s10], $0x10, s20, s10, $0xb8;
	[tilespmem:$0xDA00] =	vst v63  }
0x3a: {  	_ = 	snop  }
0x3b: {  	[tilespmem:s23], [sflag:$0x1] =	stream.indirect.gather [hbm4b:s2+s10], $0x10, s22, s10, $0xb8;
	[tilespmem:$0xDA00] =	vst v63  }
0x3c: {  	_ = 	snop  }
0x3d: {  	[tilespmem:s25], [sflag:$0x1] =	stream.indirect.gather [hbm4b:s2+s10], $0x10, s24, s10, $0xb8;
	[tilespmem:$0xDA00] =	vst v63  }
0x3e: {  	_ =	swait.ge [sflag:s26], $0x800  }
0x3f: {  	[sflag:s26] =	ssyncset.done $0x0  }
0x40: {  	[sflag:s26] =	ssyncadd.s32 $0xFFFFF800  }
0x41: {  	_ =	swait.ge [sflag:s26], $0x800  }
0x42: {  	[sflag:s26] =	ssyncset.done $0x0  }
0x43: {  	[sflag:s26] =	ssyncadd.s32 $0xFFFFF800  }
0x44: {  	_ =	swait.ge [sflag:s26], $0x800  }
0x45: {  	[sflag:s26] =	ssyncset.done $0x0  }
0x46: {  	[sflag:s26] =	ssyncadd.s32 $0xFFFFF800  }
0x47: {  	_ =	swait.ge [sflag:s26], $0x800  }
0x48: {  	[sflag:s26] =	ssyncset.done $0x0  }
0x49: {  	[sflag:s26] =	ssyncadd.s32 $0xFFFFF800  }
0x4a: {  	_ =	swait.ge [sflag:s26], $0x800  }
0x4b: {  	[sflag:s26] =	ssyncset.done $0x0  }
0x4c: {  	[sflag:s26] =	ssyncadd.s32 $0xFFFFF800  }
0x4d: {  	_ =	swait.ge [sflag:s26], $0x800  }
0x4e: {  	[sflag:s26] =	ssyncset.done $0x0  }
0x4f: {  	[sflag:s26] =	ssyncadd.s32 $0xFFFFF800  }
0x50: {  	_ =	swait.ge [sflag:s26], $0x800  }
0x51: {  	[sflag:s26] =	ssyncset.done $0x0  }
0x52: {  	[sflag:s26] =	ssyncadd.s32 $0xFFFFF800  }
0x53: {  	_ =	swait.ge [sflag:s26], $0x800  }
0x54: {  	[sflag:s26] =	ssyncset.done $0x0  }
0x55: {  	[sflag:s26] =	ssyncadd.s32 $0xFFFFF800  }
0x56: {  	_ =	swait.ge [sflag:s26], $0x800  }
0x57: {  	[sflag:s26] =	ssyncset.done $0x0  }
0x58: {  	[sflag:s26] =	ssyncadd.s32 $0xFFFFF800  }
0x59: {  	_ =	swait.ge [sflag:s26], $0x800  }
0x5a: {  	[sflag:s26] =	ssyncset.done $0x0  }
0x5b: {  	[sflag:s26] =	ssyncadd.s32 $0xFFFFF800  }
0x5c: {  	_ =	swait.ge [sflag:s26], $0x800  }
0x5d: {  	[sflag:s26] =	ssyncset.done $0x0  }
0x5e: {  	[sflag:s26] =	ssyncadd.s32 $0xFFFFF800  }
0x5f: {  	_ =	swait.ge [sflag:s26], $0x800  }
0x60: {  	[sflag:s26] =	ssyncset.done $0x0  }
0x61: {  	[sflag:s26] =	ssyncadd.s32 $0xFFFFF800  }
0x62: {  	_ =	swait.ge [sflag:s26], $0x800  }
0x63: {  	[sflag:s26] =	ssyncset.done $0x0  }
0x64: {  	[sflag:s26] =	ssyncadd.s32 $0xFFFFF800  }
0x65: {  	_ =	swait.ge [sflag:s26], $0x800  }
0x66: {  	[sflag:s26] =	ssyncset.done $0x0  }
0x67: {  	[sflag:s26] =	ssyncadd.s32 $0xFFFFF800  }
0x68: {  	_ =	swait.ge [sflag:s26], $0x800  }
0x69: {  	[sflag:s26] =	ssyncset.done $0x0  }
0x6a: {  	[sflag:s26] =	ssyncadd.s32 $0xFFFFF800  }
0x6b: {  	_ =	swait.ge [sflag:s26], $0x800  }
0x6c: {  	[sflag:s26] =	ssyncset.done $0x0  }
0x6d: {  	[sflag:s26] =	ssyncadd.s32 $0xFFFFF800  }
0x6e: {  	_ =	swait.ge [sflag:s26], $0x800  }
0x6f: {  	[sflag:s26] =	ssyncset.done $0x0  }
0x70: {  	[sflag:s26] =	ssyncadd.s32 $0xFFFFF800  }
0x71: {  	_ =	swait.ge [sflag:s26], $0x800  }
0x72: {  	[sflag:s26] =	ssyncset.done $0x0  }
0x73: {  	[sflag:s26] =	ssyncadd.s32 $0xFFFFF800  }
0x74: {  	_ =	swait.ge [sflag:s26], $0x800  }
0x75: {  	[sflag:s26] =	ssyncset.done $0x0  }
0x76: {  	[sflag:s26] =	ssyncadd.s32 $0xFFFFF800  }
0x77: {  	_ =	swait.ge [sflag:s26], $0x800  }
0x78: {  	[sflag:s26] =	ssyncset.done $0x0  }
0x79: {  	s12 =	simm.s32 $0x0;
	[sflag:s26] =	ssyncadd.s32 $0xFFFFF800  }
0x7a: {  	v5 =	vld [tilespmem:s12+$0xAA00]  }
0x7b: {  	s30 =	simm.s32 $0xC80  }
0x7c: {  	v0 =	vld [tilespmem:s30+$0xFFFFFD80];
	_ =	sdelay $0x1  }
0x7d: {  	v1 =	vld [tilespmem:s30+$0xFFFFFD90]  }
0x7e: {  	v2 =	vbroadcast v5, $0x0  }
0x7f: {  	v3 =	vld [tilespmem:s30+$0xFFFFFDA0]  }
0x80: {  	v4 =	vbroadcast v5, $0x1;
	v0 =	vmul.f32 v0, v2  }
0x81: {  	v2 =	vld [tilespmem:s30+$0xFFFFFDB0]  }
0x82: {  	v6 =	vbroadcast v5, $0x2;
	v1 =	vmul.f32 v1, v4;
	v0 =	vadd.f32 $0.0e+00, v0  }
0x83: {  	v25 =	vld [tilespmem:s30+$0xFFFFFDC0]  }
0x84: {  	v7 =	vbroadcast v5, $0x3;
	v3 =	vmul.f32 v3, v6;
	v8 =	vadd.f32 v1, v0;
	_ =	sdelay $0x1  }
0x85: {  	v27 =	vld [tilespmem:s12+$0xAA20];
	v26 =	vbroadcast v5, $0x4;
	v7 =	vmul.f32 v2, v7;
	v8 =	vadd.f32 v3, v8  }
0x86: {  	v28 =	vld [tilespmem:s12+$0xAA10]  }
0x87: {  	v6 =	vmul.f32 v25, v26;
	v4 =	vld [tilespmem:s12+$0xAA30];
	v7 =	vadd.f32 v7, v8  }
0x88: {  	v0 =	vld [tilespmem:s12+$0xAA70]  }
0x89: {  	v1 =	vld [tilespmem:s12+$0xAA60];
	v6 =	vadd.f32 v6, v7  }
0x8a: {  	s1 =	simm.s32 $0xBA80;
	v2 =	vld [tilespmem:s12+$0xAA50]  }
0x8b: {  	v3 =	vld [tilespmem:s12+$0xAA40];
	[tilespmem:s1+$0xFFFFFF80] =	vst v6  }
0x8c: {  	v6 =	vld [tilespmem:s30+$0xFFFFFDD0];
	_ =	sdelay $0x1  }
0x8d: {  	v9 =	vld [tilespmem:s30+$0xFFFFFDE0]  }
0x8e: {  	v10 =	vbroadcast v5, $0x8  }
0x8f: {  	v11 =	vld [tilespmem:s30+$0xFFFFFDF0]  }
0x90: {  	v29 =	vbroadcast v5, $0x9;
	v6 =	vmul.f32 v6, v10  }
0x91: {  	v12 =	vld [tilespmem:s30+$0xFFFFFE00]  }
0x92: {  	v30 =	vbroadcast v5, $0xA;
	v9 =	vmul.f32 v9, v29;
	v6 =	vadd.f32 $0.0e+00, v6  }
0x93: {  	v13 =	vld [tilespmem:s30+$0xFFFFFE10]  }
0x94: {  	v32 =	vbroadcast v5, $0xB;
	v31 =	vmul.f32 v11, v30;
	v6 =	vadd.f32 v9, v6;
	_ =	sdelay $0x1  }
0x95: {  	v5 =	vbroadcast v5, $0xC;
	v33 =	vmul.f32 v12, v32;
	v6 =	vadd.f32 v31, v6;
	_ =	sdelay $0x1  }
0x96: {  	v5 =	vmul.f32 v13, v5;
	v6 =	vadd.f32 v33, v6;
	_ =	sdelay $0x1  }
0x97: {  	v5 =	vadd.f32 v5, v6;
	_ =	sdelay $0x1  }
0x98: {  	[tilespmem:s1+$0xFFFFFF90] =	vst v5  }
0x99: {  	v5 =	vld [tilespmem:s30+$0xFFFFFE20];
	_ =	sdelay $0x1  }
0x9a: {  	v34 =	vld [tilespmem:s30+$0xFFFFFE30]  }
0x9b: {  	v35 =	vbroadcast v28, $0x0  }
0x9c: {  	v36 =	vld [tilespmem:s30+$0xFFFFFE40]  }
0x9d: {  	v37 =	vbroadcast v28, $0x1;
	v5 =	vmul.f32 v5, v35  }
0x9e: {  	v38 =	vld [tilespmem:s30+$0xFFFFFE50]  }
0x9f: {  	v39 =	vbroadcast v28, $0x2;
	v6 =	vmul.f32 v34, v37;
	v5 =	vadd.f32 $0.0e+00, v5  }
0xa0: {  	v40 =	vld [tilespmem:s30+$0xFFFFFE60]  }
0xa1: {  	v42 =	vbroadcast v28, $0x3;
	v41 =	vmul.f32 v36, v39;
	v5 =	vadd.f32 v6, v5;
	_ =	sdelay $0x1  }
0xa2: {  	v44 =	vbroadcast v28, $0x4;
	v43 =	vmul.f32 v38, v42;
	v5 =	vadd.f32 v41, v5;
	_ =	sdelay $0x1  }
0xa3: {  	v45 =	vmul.f32 v40, v44;
	v5 =	vadd.f32 v43, v5;
	_ =	sdelay $0x1  }
0xa4: {  	v5 =	vadd.f32 v45, v5;
	_ =	sdelay $0x1  }
0xa5: {  	[tilespmem:s1+$0xFFFFFFA0] =	vst v5  }
0xa6: {  	v5 =	vld [tilespmem:s30+$0xFFFFFE70];
	_ =	sdelay $0x1  }
0xa7: {  	v46 =	vld [tilespmem:s30+$0xFFFFFE80]  }
0xa8: {  	v47 =	vbroadcast v28, $0x8  }
0xa9: {  	v48 =	vld [tilespmem:s30+$0xFFFFFE90]  }
0xaa: {  	v49 =	vbroadcast v28, $0x9;
	v5 =	vmul.f32 v5, v47  }
0xab: {  	v50 =	vld [tilespmem:s30+$0xFFFFFEA0]  }
0xac: {  	v51 =	vbroadcast v28, $0xA;
	v6 =	vmul.f32 v46, v49;
	v5 =	vadd.f32 $0.0e+00, v5  }
0xad: {  	v52 =	vld [tilespmem:s30+$0xFFFFFEB0]  }
0xae: {  	v54 =	vbroadcast v28, $0xB;
	v53 =	vmul.f32 v48, v51;
	v5 =	vadd.f32 v6, v5;
	_ =	sdelay $0x1  }
0xaf: {  	v7 =	vbroadcast v28, $0xC;
	v55 =	vmul.f32 v50, v54;
	v5 =	vadd.f32 v53, v5;
	_ =	sdelay $0x1  }
0xb0: {  	v56 =	vmul.f32 v52, v7;
	v5 =	vadd.f32 v55, v5;
	_ =	sdelay $0x1  }
0xb1: {  	v5 =	vadd.f32 v56, v5;
	_ =	sdelay $0x1  }
0xb2: {  	[tilespmem:s1+$0xFFFFFFB0] =	vst v5  }
0xb3: {  	v5 =	vld [tilespmem:s30+$0xFFFFFEC0];
	_ =	sdelay $0x1  }
0xb4: {  	v57 =	vld [tilespmem:s30+$0xFFFFFED0]  }
0xb5: {  	v58 =	vbroadcast v27, $0x0  }
0xb6: {  	v59 =	vld [tilespmem:s30+$0xFFFFFEE0]  }
0xb7: {  	v60 =	vbroadcast v27, $0x1;
	v5 =	vmul.f32 v5, v58  }
0xb8: {  	v61 =	vld [tilespmem:s30+$0xFFFFFEF0]  }
0xb9: {  	v62 =	vbroadcast v27, $0x2;
	v6 =	vmul.f32 v57, v60;
	v5 =	vadd.f32 $0.0e+00, v5  }
0xba: {  	v63 =	vld [tilespmem:s30+$0xFFFFFF00]  }
0xbb: {  	v13 =	vbroadcast v27, $0x3;
	v12 =	vmul.f32 v59, v62;
	v5 =	vadd.f32 v6, v5;
	_ =	sdelay $0x1  }
0xbc: {  	v15 =	vbroadcast v27, $0x4;
	v14 =	vmul.f32 v61, v13;
	v5 =	vadd.f32 v12, v5;
	_ =	sdelay $0x1  }
0xbd: {  	v16 =	vmul.f32 v63, v15;
	v5 =	vadd.f32 v14, v5;
	_ =	sdelay $0x1  }
0xbe: {  	v5 =	vadd.f32 v16, v5;
	_ =	sdelay $0x1  }
0xbf: {  	[tilespmem:s1+$0xFFFFFFC0] =	vst v5  }
0xc0: {  	v5 =	vld [tilespmem:s30+$0xFFFFFF10];
	_ =	sdelay $0x1  }
0xc1: {  	v17 =	vld [tilespmem:s30+$0xFFFFFF20]  }
0xc2: {  	v18 =	vbroadcast v27, $0x8  }
0xc3: {  	v19 =	vld [tilespmem:s30+$0xFFFFFF30]  }
0xc4: {  	v20 =	vbroadcast v27, $0x9;
	v5 =	vmul.f32 v5, v18  }
0xc5: {  	v21 =	vld [tilespmem:s30+$0xFFFFFF40]  }
0xc6: {  	v22 =	vbroadcast v27, $0xA;
	v6 =	vmul.f32 v17, v20;
	v5 =	vadd.f32 $0.0e+00, v5  }
0xc7: {  	v23 =	vld [tilespmem:s30+$0xFFFFFF50]  }
0xc8: {  	v25 =	vbroadcast v27, $0xB;
	v24 =	vmul.f32 v19, v22;
	v5 =	vadd.f32 v6, v5;
	_ =	sdelay $0x1  }
0xc9: {  	v27 =	vbroadcast v27, $0xC;
	v26 =	vmul.f32 v21, v25;
	v5 =	vadd.f32 v24, v5;
	_ =	sdelay $0x1  }
0xca: {  	v28 =	vmul.f32 v23, v27;
	v5 =	vadd.f32 v26, v5;
	_ =	sdelay $0x1  }
0xcb: {  	v5 =	vadd.f32 v28, v5;
	_ =	sdelay $0x1  }
0xcc: {  	[tilespmem:s1+$0xFFFFFFD0] =	vst v5  }
0xcd: {  	v5 =	vld [tilespmem:s30+$0xFFFFFF60];
	_ =	sdelay $0x1  }
0xce: {  	v29 =	vld [tilespmem:s30+$0xFFFFFF70]  }
0xcf: {  	v30 =	vbroadcast v4, $0x0  }
0xd0: {  	v31 =	vld [tilespmem:s30+$0xFFFFFF80]  }
0xd1: {  	v32 =	vbroadcast v4, $0x1;
	v5 =	vmul.f32 v5, v30  }
0xd2: {  	v33 =	vld [tilespmem:s30+$0xFFFFFF90]  }
0xd3: {  	v34 =	vbroadcast v4, $0x2;
	v6 =	vmul.f32 v29, v32;
	v5 =	vadd.f32 $0.0e+00, v5  }
0xd4: {  	v35 =	vld [tilespmem:s30+$0xFFFFFFA0]  }
0xd5: {  	v37 =	vbroadcast v4, $0x3;
	v36 =	vmul.f32 v31, v34;
	v5 =	vadd.f32 v6, v5;
	_ =	sdelay $0x1  }
0xd6: {  	v39 =	vbroadcast v4, $0x4;
	v38 =	vmul.f32 v33, v37;
	v5 =	vadd.f32 v36, v5;
	_ =	sdelay $0x1  }
0xd7: {  	v40 =	vmul.f32 v35, v39;
	v5 =	vadd.f32 v38, v5;
	_ =	sdelay $0x1  }
0xd8: {  	v5 =	vadd.f32 v40, v5;
	_ =	sdelay $0x1  }
0xd9: {  	[tilespmem:s1+$0xFFFFFFE0] =	vst v5  }
0xda: {  	v5 =	vld [tilespmem:s30+$0xFFFFFFB0];
	_ =	sdelay $0x1  }
0xdb: {  	v41 =	vld [tilespmem:s30+$0xFFFFFFC0]  }
0xdc: {  	v42 =	vbroadcast v4, $0x8  }
0xdd: {  	v43 =	vld [tilespmem:s30+$0xFFFFFFD0]  }
0xde: {  	v44 =	vbroadcast v4, $0x9;
	v5 =	vmul.f32 v5, v42  }
0xdf: {  	v45 =	vld [tilespmem:s30+$0xFFFFFFE0]  }
0xe0: {  	v46 =	vbroadcast v4, $0xA;
	v6 =	vmul.f32 v41, v44;
	v5 =	vadd.f32 $0.0e+00, v5  }
0xe1: {  	v47 =	vld [tilespmem:s30+$0xFFFFFFF0]  }
0xe2: {  	v49 =	vbroadcast v4, $0xB;
	v48 =	vmul.f32 v43, v46;
	v5 =	vadd.f32 v6, v5;
	_ =	sdelay $0x1  }
0xe3: {  	v4 =	vbroadcast v4, $0xC;
	v50 =	vmul.f32 v45, v49;
	v5 =	vadd.f32 v48, v5;
	_ =	sdelay $0x1  }
0xe4: {  	v4 =	vmul.f32 v47, v4;
	v5 =	vadd.f32 v50, v5;
	_ =	sdelay $0x1  }
0xe5: {  	v4 =	vadd.f32 v4, v5;
	_ =	sdelay $0x1  }
0xe6: {  	[tilespmem:s1+$0xFFFFFFF0] =	vst v4  }
0xe7: {  	v4 =	vld [tilespmem:s30+$0x0];
	_ =	sdelay $0x1  }
0xe8: {  	v51 =	vld [tilespmem:s30+$0x10]  }
0xe9: {  	v52 =	vbroadcast v3, $0x0  }
0xea: {  	v53 =	vld [tilespmem:s30+$0x20]  }
0xeb: {  	v54 =	vbroadcast v3, $0x1;
	v4 =	vmul.f32 v4, v52  }
0xec: {  	v55 =	vld [tilespmem:s30+$0x30]  }
0xed: {  	v56 =	vbroadcast v3, $0x2;
	v5 =	vmul.f32 v51, v54;
	v4 =	vadd.f32 $0.0e+00, v4  }
0xee: {  	v57 =	vld [tilespmem:s30+$0x40]  }
0xef: {  	v59 =	vbroadcast v3, $0x3;
	v58 =	vmul.f32 v53, v56;
	v4 =	vadd.f32 v5, v4;
	_ =	sdelay $0x1  }
0xf0: {  	v61 =	vbroadcast v3, $0x4;
	v60 =	vmul.f32 v55, v59;
	v4 =	vadd.f32 v58, v4;
	_ =	sdelay $0x1  }
0xf1: {  	v62 =	vmul.f32 v57, v61;
	v4 =	vadd.f32 v60, v4;
	_ =	sdelay $0x1  }
0xf2: {  	v4 =	vadd.f32 v62, v4;
	_ =	sdelay $0x1  }
0xf3: {  	[tilespmem:s1+$0x0] =	vst v4  }
0xf4: {  	v4 =	vld [tilespmem:s30+$0x50];
	_ =	sdelay $0x1  }
0xf5: {  	v63 =	vld [tilespmem:s30+$0x60]  }
0xf6: {  	v12 =	vbroadcast v3, $0x8  }
0xf7: {  	v13 =	vld [tilespmem:s30+$0x70]  }
0xf8: {  	v14 =	vbroadcast v3, $0x9;
	v4 =	vmul.f32 v4, v12  }
0xf9: {  	v15 =	vld [tilespmem:s30+$0x80]  }
0xfa: {  	v16 =	vbroadcast v3, $0xA;
	v5 =	vmul.f32 v63, v14;
	v4 =	vadd.f32 $0.0e+00, v4  }
0xfb: {  	v17 =	vld [tilespmem:s30+$0x90]  }
0xfc: {  	v19 =	vbroadcast v3, $0xB;
	v18 =	vmul.f32 v13, v16;
	v4 =	vadd.f32 v5, v4;
	_ =	sdelay $0x1  }
0xfd: {  	v3 =	vbroadcast v3, $0xC;
	v20 =	vmul.f32 v15, v19;
	v4 =	vadd.f32 v18, v4;
	_ =	sdelay $0x1  }
0xfe: {  	v3 =	vmul.f32 v17, v3;
	v4 =	vadd.f32 v20, v4;
	_ =	sdelay $0x1  }
0xff: {  	v3 =	vadd.f32 v3, v4;
	_ =	sdelay $0x1  }
0x100: {  	[tilespmem:s1+$0x10] =	vst v3  }
0x101: {  	v3 =	vld [tilespmem:s30+$0xA0];
	_ =	sdelay $0x1  }
0x102: {  	v21 =	vld [tilespmem:s30+$0xB0]  }
0x103: {  	v22 =	vbroadcast v2, $0x0  }
0x104: {  	v23 =	vld [tilespmem:s30+$0xC0]  }
0x105: {  	v24 =	vbroadcast v2, $0x1;
	v3 =	vmul.f32 v3, v22  }
0x106: {  	v25 =	vld [tilespmem:s30+$0xD0]  }
0x107: {  	v26 =	vbroadcast v2, $0x2;
	v4 =	vmul.f32 v21, v24;
	v3 =	vadd.f32 $0.0e+00, v3  }
0x108: {  	v27 =	vld [tilespmem:s30+$0xE0]  }
0x109: {  	v29 =	vbroadcast v2, $0x3;
	v28 =	vmul.f32 v23, v26;
	v3 =	vadd.f32 v4, v3;
	_ =	sdelay $0x1  }
0x10a: {  	v31 =	vbroadcast v2, $0x4;
	v30 =	vmul.f32 v25, v29;
	v3 =	vadd.f32 v28, v3;
	_ =	sdelay $0x1  }
0x10b: {  	v32 =	vmul.f32 v27, v31;
	v3 =	vadd.f32 v30, v3;
	_ =	sdelay $0x1  }
0x10c: {  	v3 =	vadd.f32 v32, v3;
	_ =	sdelay $0x1  }
0x10d: {  	[tilespmem:s1+$0x20] =	vst v3  }
0x10e: {  	v3 =	vld [tilespmem:s30+$0xF0];
	_ =	sdelay $0x1  }
0x10f: {  	v33 =	vld [tilespmem:s30+$0x100]  }
0x110: {  	v34 =	vbroadcast v2, $0x8  }
0x111: {  	v35 =	vld [tilespmem:s30+$0x110]  }
0x112: {  	v36 =	vbroadcast v2, $0x9;
	v3 =	vmul.f32 v3, v34  }
0x113: {  	v37 =	vld [tilespmem:s30+$0x120]  }
0x114: {  	v38 =	vbroadcast v2, $0xA;
	v4 =	vmul.f32 v33, v36;
	v3 =	vadd.f32 $0.0e+00, v3  }
0x115: {  	v39 =	vld [tilespmem:s30+$0x130]  }
0x116: {  	v41 =	vbroadcast v2, $0xB;
	v40 =	vmul.f32 v35, v38;
	v3 =	vadd.f32 v4, v3;
	_ =	sdelay $0x1  }
0x117: {  	v2 =	vbroadcast v2, $0xC;
	v42 =	vmul.f32 v37, v41;
	v3 =	vadd.f32 v40, v3;
	_ =	sdelay $0x1  }
0x118: {  	v2 =	vmul.f32 v39, v2;
	v3 =	vadd.f32 v42, v3;
	_ =	sdelay $0x1  }
0x119: {  	v2 =	vadd.f32 v2, v3;
	_ =	sdelay $0x1  }
0x11a: {  	[tilespmem:s1+$0x30] =	vst v2  }
0x11b: {  	v2 =	vld [tilespmem:s30+$0x140];
	_ =	sdelay $0x1  }
0x11c: {  	v3 =	vld [tilespmem:s30+$0x150]  }
0x11d: {  	v43 =	vbroadcast v1, $0x0  }
0x11e: {  	v44 =	vld [tilespmem:s30+$0x160]  }
0x11f: {  	v45 =	vbroadcast v1, $0x1;
	v2 =	vmul.f32 v2, v43  }
0x120: {  	v46 =	vld [tilespmem:s30+$0x170]  }
0x121: {  	v47 =	vbroadcast v1, $0x2;
	v3 =	vmul.f32 v3, v45;
	v2 =	vadd.f32 $0.0e+00, v2  }
0x122: {  	v48 =	vld [tilespmem:s30+$0x180]  }
0x123: {  	v49 =	vbroadcast v1, $0x3;
	v2 =	vadd.f32 v3, v2;
	v3 =	vmul.f32 v44, v47;
	_ =	sdelay $0x1  }
0x124: {  	v50 =	vbroadcast v1, $0x4;
	v2 =	vadd.f32 v3, v2;
	v3 =	vmul.f32 v46, v49;
	_ =	sdelay $0x1  }
0x125: {  	v2 =	vadd.f32 v3, v2;
	v3 =	vmul.f32 v48, v50;
	_ =	sdelay $0x1  }
0x126: {  	v2 =	vadd.f32 v3, v2;
	_ =	sdelay $0x1  }
0x127: {  	[tilespmem:s1+$0x40] =	vst v2  }
0x128: {  	v2 =	vld [tilespmem:s30+$0x190];
	_ =	sdelay $0x1  }
0x129: {  	v3 =	vld [tilespmem:s30+$0x1A0]  }
0x12a: {  	v51 =	vbroadcast v1, $0x8  }
0x12b: {  	v52 =	vld [tilespmem:s30+$0x1B0]  }
0x12c: {  	v53 =	vbroadcast v1, $0x9;
	v2 =	vmul.f32 v2, v51  }
0x12d: {  	v54 =	vld [tilespmem:s30+$0x1C0]  }
0x12e: {  	v55 =	vbroadcast v1, $0xA;
	v3 =	vmul.f32 v3, v53;
	v2 =	vadd.f32 $0.0e+00, v2  }
0x12f: {  	v56 =	vld [tilespmem:s30+$0x1D0]  }
0x130: {  	v57 =	vbroadcast v1, $0xB;
	v2 =	vadd.f32 v3, v2;
	v3 =	vmul.f32 v52, v55;
	_ =	sdelay $0x1  }
0x131: {  	v1 =	vbroadcast v1, $0xC;
	v2 =	vadd.f32 v3, v2;
	v3 =	vmul.f32 v54, v57;
	_ =	sdelay $0x1  }
0x132: {  	v1 =	vmul.f32 v56, v1;
	v2 =	vadd.f32 v3, v2;
	_ =	sdelay $0x1  }
0x133: {  	v1 =	vadd.f32 v1, v2;
	_ =	sdelay $0x1  }
0x134: {  	[tilespmem:s1+$0x50] =	vst v1  }
0x135: {  	v1 =	vld [tilespmem:s30+$0x1E0];
	_ =	sdelay $0x1  }
0x136: {  	v2 =	vld [tilespmem:s30+$0x1F0]  }
0x137: {  	v3 =	vbroadcast v0, $0x0  }
0x138: {  	v58 =	vld [tilespmem:s30+$0x200]  }
0x139: {  	v1 =	vmul.f32 v1, v3;
	v3 =	vbroadcast v0, $0x1  }
0x13a: {  	v59 =	vld [tilespmem:s30+$0x210]  }
0x13b: {  	v1 =	vadd.f32 $0.0e+00, v1;
	v2 =	vmul.f32 v2, v3;
	v3 =	vbroadcast v0, $0x2  }
0x13c: {  	v60 =	vld [tilespmem:s30+$0x220]  }
0x13d: {  	v1 =	vadd.f32 v2, v1;
	v2 =	vmul.f32 v58, v3;
	v3 =	vbroadcast v0, $0x3;
	_ =	sdelay $0x1  }
0x13e: {  	v1 =	vadd.f32 v2, v1;
	v2 =	vmul.f32 v59, v3;
	v3 =	vbroadcast v0, $0x4;
	_ =	sdelay $0x1  }
0x13f: {  	v1 =	vadd.f32 v2, v1;
	v2 =	vmul.f32 v60, v3;
	_ =	sdelay $0x1  }
0x140: {  	v1 =	vadd.f32 v2, v1;
	_ =	sdelay $0x1  }
0x141: {  	[tilespmem:s1+$0x60] =	vst v1  }
0x142: {  	v1 =	vld [tilespmem:s30+$0x230];
	_ =	sdelay $0x1  }
0x143: {  	v2 =	vld [tilespmem:s30+$0x240]  }
0x144: {  	v3 =	vbroadcast v0, $0x8  }
0x145: {  	v61 =	vld [tilespmem:s30+$0x250]  }
0x146: {  	v1 =	vmul.f32 v1, v3;
	v3 =	vbroadcast v0, $0x9  }
0x147: {  	v62 =	vld [tilespmem:s30+$0x260]  }
0x148: {  	v1 =	vadd.f32 $0.0e+00, v1;
	v2 =	vmul.f32 v2, v3;
	v3 =	vbroadcast v0, $0xA  }
0x149: {  	v63 =	vld [tilespmem:s30+$0x270]  }
0x14a: {  	v1 =	vadd.f32 v2, v1;
	v2 =	vmul.f32 v61, v3;
	v3 =	vbroadcast v0, $0xB;
	_ =	sdelay $0x1  }
0x14b: {  	v0 =	vbroadcast v0, $0xC;
	v1 =	vadd.f32 v2, v1;
	v2 =	vmul.f32 v62, v3;
	_ =	sdelay $0x1  }
0x14c: {  	v0 =	vmul.f32 v63, v0;
	v1 =	vadd.f32 v2, v1;
	_ =	sdelay $0x1  }
0x14d: {  	s31 =	simm.s32 $0xBB80;
	s0 =	simm.s32 $0x200;
	s9 =	simm.s32 $0x400;
	v0 =	vadd.f32 v0, v1  }
.LBB2_2:
0x14e: {  	s12 =	sshra.s32 s0, $0x2;
	s30 =	sadd.s32 $0x500, s30  }
0x14f: {  	[tilespmem:s1+$0x70] =	vst v0;
	s0 =	smov.u32 s9;
	s11 =	sadd.s32 $0x200, s9;
	s1 =	smov.u32 s31  }
0x150: {  	p0 =	sne.s32 s9, $0x3E00;
	v6 =	vld [tilespmem:s12+$0xAA00];
	_ =	sdelay $0x1  }
0x151: {  	v0 =	vld [tilespmem:s30+$0xFFFFFD80];
	_ =	sdelay $0x1  }
0x152: {  	v1 =	vld [tilespmem:s30+$0xFFFFFD90]  }
0x153: {  	v2 =	vbroadcast v6, $0x0;
	v3 =	vbroadcast v6, $0x1  }
0x154: {  	v5 =	vbroadcast v6, $0x2;
	v7 =	vbroadcast v6, $0x3;
	v4 =	vld [tilespmem:s30+$0xFFFFFDA0]  }
0x155: {  	v8 =	vbroadcast v6, $0x4;
	v0 =	vmul.f32 v0, v2  }
0x156: {  	v2 =	vld [tilespmem:s30+$0xFFFFFDB0]  }
0x157: {  	v0 =	vadd.f32 $0.0e+00, v0;
	v1 =	vmul.f32 v1, v3  }
0x158: {  	v9 =	vld [tilespmem:s30+$0xFFFFFDC0]  }
0x159: {  	v3 =	vadd.f32 v1, v0;
	v4 =	vmul.f32 v4, v5  }
0x15a: {  	v0 =	vld [tilespmem:s12+$0xAA70]  }
0x15b: {  	v1 =	vld [tilespmem:s12+$0xAA60];
	v4 =	vadd.f32 v4, v3;
	v5 =	vmul.f32 v2, v7  }
0x15c: {  	v2 =	vld [tilespmem:s12+$0xAA50]  }
0x15d: {  	v3 =	vld [tilespmem:s12+$0xAA40];
	v7 =	vadd.f32 v5, v4;
	v8 =	vmul.f32 v9, v8  }
0x15e: {  	v4 =	vld [tilespmem:s12+$0xAA30]  }
0x15f: {  	v5 =	vld [tilespmem:s12+$0xAA20];
	v7 =	vadd.f32 v8, v7  }
0x160: {  	v8 =	vld [tilespmem:s12+$0xAA10]  }
0x161: {  	[tilespmem:s31+$0xFFFFFF80] =	vst v7  }
0x162: {  	v7 =	vld [tilespmem:s30+$0xFFFFFDD0];
	_ =	sdelay $0x1  }
0x163: {  	v9 =	vld [tilespmem:s30+$0xFFFFFDE0]  }
0x164: {  	v10 =	vbroadcast v6, $0x8  }
0x165: {  	v11 =	vld [tilespmem:s30+$0xFFFFFDF0]  }
0x166: {  	v7 =	vmul.f32 v7, v10;
	v10 =	vbroadcast v6, $0x9  }
0x167: {  	v12 =	vld [tilespmem:s30+$0xFFFFFE00]  }
0x168: {  	v7 =	vadd.f32 $0.0e+00, v7;
	v9 =	vmul.f32 v9, v10;
	v10 =	vbroadcast v6, $0xA  }
0x169: {  	v13 =	vld [tilespmem:s30+$0xFFFFFE10]  }
0x16a: {  	v7 =	vadd.f32 v9, v7;
	v9 =	vmul.f32 v11, v10;
	v10 =	vbroadcast v6, $0xB;
	_ =	sdelay $0x1  }
0x16b: {  	v6 =	vbroadcast v6, $0xC;
	v7 =	vadd.f32 v9, v7;
	v9 =	vmul.f32 v12, v10;
	_ =	sdelay $0x1  }
0x16c: {  	v7 =	vadd.f32 v9, v7;
	v6 =	vmul.f32 v13, v6;
	_ =	sdelay $0x1  }
0x16d: {  	v6 =	vadd.f32 v6, v7;
	_ =	sdelay $0x1  }
0x16e: {  	[tilespmem:s31+$0xFFFFFF90] =	vst v6  }
0x16f: {  	v6 =	vld [tilespmem:s30+$0xFFFFFE20];
	_ =	sdelay $0x1  }
0x170: {  	v7 =	vld [tilespmem:s30+$0xFFFFFE30]  }
0x171: {  	v9 =	vbroadcast v8, $0x0  }
0x172: {  	v10 =	vld [tilespmem:s30+$0xFFFFFE40]  }
0x173: {  	v6 =	vmul.f32 v6, v9;
	v9 =	vbroadcast v8, $0x1  }
0x174: {  	v11 =	vld [tilespmem:s30+$0xFFFFFE50]  }
0x175: {  	v6 =	vadd.f32 $0.0e+00, v6;
	v7 =	vmul.f32 v7, v9;
	v9 =	vbroadcast v8, $0x2  }
0x176: {  	v12 =	vld [tilespmem:s30+$0xFFFFFE60]  }
0x177: {  	v6 =	vadd.f32 v7, v6;
	v7 =	vmul.f32 v10, v9;
	v9 =	vbroadcast v8, $0x3;
	_ =	sdelay $0x1  }
0x178: {  	v6 =	vadd.f32 v7, v6;
	v7 =	vmul.f32 v11, v9;
	v9 =	vbroadcast v8, $0x4;
	_ =	sdelay $0x1  }
0x179: {  	v6 =	vadd.f32 v7, v6;
	v7 =	vmul.f32 v12, v9;
	_ =	sdelay $0x1  }
0x17a: {  	v6 =	vadd.f32 v7, v6;
	_ =	sdelay $0x1  }
0x17b: {  	[tilespmem:s31+$0xFFFFFFA0] =	vst v6  }
0x17c: {  	v6 =	vld [tilespmem:s30+$0xFFFFFE70];
	_ =	sdelay $0x1  }
0x17d: {  	v7 =	vld [tilespmem:s30+$0xFFFFFE80]  }
0x17e: {  	v9 =	vbroadcast v8, $0x8  }
0x17f: {  	v10 =	vld [tilespmem:s30+$0xFFFFFE90]  }
0x180: {  	v6 =	vmul.f32 v6, v9;
	v9 =	vbroadcast v8, $0x9  }
0x181: {  	v11 =	vld [tilespmem:s30+$0xFFFFFEA0]  }
0x182: {  	v6 =	vadd.f32 $0.0e+00, v6;
	v7 =	vmul.f32 v7, v9;
	v9 =	vbroadcast v8, $0xA  }
0x183: {  	v12 =	vld [tilespmem:s30+$0xFFFFFEB0]  }
0x184: {  	v6 =	vadd.f32 v7, v6;
	v7 =	vmul.f32 v10, v9;
	v9 =	vbroadcast v8, $0xB;
	_ =	sdelay $0x1  }
0x185: {  	v8 =	vbroadcast v8, $0xC;
	v6 =	vadd.f32 v7, v6;
	v7 =	vmul.f32 v11, v9;
	_ =	sdelay $0x1  }
0x186: {  	v6 =	vadd.f32 v7, v6;
	v7 =	vmul.f32 v12, v8;
	_ =	sdelay $0x1  }
0x187: {  	v6 =	vadd.f32 v7, v6;
	_ =	sdelay $0x1  }
0x188: {  	[tilespmem:s31+$0xFFFFFFB0] =	vst v6  }
0x189: {  	v6 =	vld [tilespmem:s30+$0xFFFFFEC0];
	_ =	sdelay $0x1  }
0x18a: {  	v7 =	vld [tilespmem:s30+$0xFFFFFED0]  }
0x18b: {  	v8 =	vbroadcast v5, $0x0  }
0x18c: {  	v9 =	vld [tilespmem:s30+$0xFFFFFEE0]  }
0x18d: {  	v6 =	vmul.f32 v6, v8;
	v8 =	vbroadcast v5, $0x1  }
0x18e: {  	v10 =	vld [tilespmem:s30+$0xFFFFFEF0]  }
0x18f: {  	v6 =	vadd.f32 $0.0e+00, v6;
	v7 =	vmul.f32 v7, v8;
	v8 =	vbroadcast v5, $0x2  }
0x190: {  	v11 =	vld [tilespmem:s30+$0xFFFFFF00]  }
0x191: {  	v6 =	vadd.f32 v7, v6;
	v7 =	vmul.f32 v9, v8;
	v8 =	vbroadcast v5, $0x3;
	_ =	sdelay $0x1  }
0x192: {  	v6 =	vadd.f32 v7, v6;
	v7 =	vmul.f32 v10, v8;
	v8 =	vbroadcast v5, $0x4;
	_ =	sdelay $0x1  }
0x193: {  	v6 =	vadd.f32 v7, v6;
	v7 =	vmul.f32 v11, v8;
	_ =	sdelay $0x1  }
0x194: {  	v6 =	vadd.f32 v7, v6;
	_ =	sdelay $0x1  }
0x195: {  	[tilespmem:s31+$0xFFFFFFC0] =	vst v6  }
0x196: {  	v6 =	vld [tilespmem:s30+$0xFFFFFF10];
	_ =	sdelay $0x1  }
0x197: {  	v7 =	vld [tilespmem:s30+$0xFFFFFF20]  }
0x198: {  	v8 =	vbroadcast v5, $0x8  }
0x199: {  	v9 =	vld [tilespmem:s30+$0xFFFFFF30]  }
0x19a: {  	v6 =	vmul.f32 v6, v8;
	v8 =	vbroadcast v5, $0x9  }
0x19b: {  	v10 =	vld [tilespmem:s30+$0xFFFFFF40]  }
0x19c: {  	v6 =	vadd.f32 $0.0e+00, v6;
	v7 =	vmul.f32 v7, v8;
	v8 =	vbroadcast v5, $0xA  }
0x19d: {  	v11 =	vld [tilespmem:s30+$0xFFFFFF50]  }
0x19e: {  	v6 =	vadd.f32 v7, v6;
	v7 =	vmul.f32 v9, v8;
	v8 =	vbroadcast v5, $0xB;
	_ =	sdelay $0x1  }
0x19f: {  	v5 =	vbroadcast v5, $0xC;
	v6 =	vadd.f32 v7, v6;
	v7 =	vmul.f32 v10, v8;
	_ =	sdelay $0x1  }
0x1a0: {  	v6 =	vadd.f32 v7, v6;
	v5 =	vmul.f32 v11, v5;
	_ =	sdelay $0x1  }
0x1a1: {  	v5 =	vadd.f32 v5, v6;
	_ =	sdelay $0x1  }
0x1a2: {  	[tilespmem:s31+$0xFFFFFFD0] =	vst v5  }
0x1a3: {  	v5 =	vld [tilespmem:s30+$0xFFFFFF60];
	_ =	sdelay $0x1  }
0x1a4: {  	v6 =	vld [tilespmem:s30+$0xFFFFFF70]  }
0x1a5: {  	v7 =	vbroadcast v4, $0x0  }
0x1a6: {  	v8 =	vld [tilespmem:s30+$0xFFFFFF80]  }
0x1a7: {  	v5 =	vmul.f32 v5, v7;
	v7 =	vbroadcast v4, $0x1  }
0x1a8: {  	v9 =	vld [tilespmem:s30+$0xFFFFFF90]  }
0x1a9: {  	v5 =	vadd.f32 $0.0e+00, v5;
	v6 =	vmul.f32 v6, v7;
	v7 =	vbroadcast v4, $0x2  }
0x1aa: {  	v10 =	vld [tilespmem:s30+$0xFFFFFFA0]  }
0x1ab: {  	v5 =	vadd.f32 v6, v5;
	v6 =	vmul.f32 v8, v7;
	v7 =	vbroadcast v4, $0x3;
	_ =	sdelay $0x1  }
0x1ac: {  	v5 =	vadd.f32 v6, v5;
	v6 =	vmul.f32 v9, v7;
	v7 =	vbroadcast v4, $0x4;
	_ =	sdelay $0x1  }
0x1ad: {  	v5 =	vadd.f32 v6, v5;
	v6 =	vmul.f32 v10, v7;
	_ =	sdelay $0x1  }
0x1ae: {  	v5 =	vadd.f32 v6, v5;
	_ =	sdelay $0x1  }
0x1af: {  	[tilespmem:s31+$0xFFFFFFE0] =	vst v5  }
0x1b0: {  	v5 =	vld [tilespmem:s30+$0xFFFFFFB0];
	_ =	sdelay $0x1  }
0x1b1: {  	v6 =	vld [tilespmem:s30+$0xFFFFFFC0]  }
0x1b2: {  	v7 =	vbroadcast v4, $0x8  }
0x1b3: {  	v8 =	vld [tilespmem:s30+$0xFFFFFFD0]  }
0x1b4: {  	v5 =	vmul.f32 v5, v7;
	v7 =	vbroadcast v4, $0x9  }
0x1b5: {  	v9 =	vld [tilespmem:s30+$0xFFFFFFE0]  }
0x1b6: {  	v5 =	vadd.f32 $0.0e+00, v5;
	v6 =	vmul.f32 v6, v7;
	v7 =	vbroadcast v4, $0xA  }
0x1b7: {  	v10 =	vld [tilespmem:s30+$0xFFFFFFF0]  }
0x1b8: {  	v5 =	vadd.f32 v6, v5;
	v6 =	vmul.f32 v8, v7;
	v7 =	vbroadcast v4, $0xB;
	_ =	sdelay $0x1  }
0x1b9: {  	v4 =	vbroadcast v4, $0xC;
	v5 =	vadd.f32 v6, v5;
	v6 =	vmul.f32 v9, v7;
	_ =	sdelay $0x1  }
0x1ba: {  	v5 =	vadd.f32 v6, v5;
	v4 =	vmul.f32 v10, v4;
	_ =	sdelay $0x1  }
0x1bb: {  	v4 =	vadd.f32 v4, v5;
	_ =	sdelay $0x1  }
0x1bc: {  	[tilespmem:s31+$0xFFFFFFF0] =	vst v4  }
0x1bd: {  	v4 =	vld [tilespmem:s30+$0x0];
	_ =	sdelay $0x1  }
0x1be: {  	v5 =	vld [tilespmem:s30+$0x10]  }
0x1bf: {  	v6 =	vbroadcast v3, $0x0  }
0x1c0: {  	v7 =	vld [tilespmem:s30+$0x20]  }
0x1c1: {  	v4 =	vmul.f32 v4, v6;
	v6 =	vbroadcast v3, $0x1  }
0x1c2: {  	v8 =	vld [tilespmem:s30+$0x30]  }
0x1c3: {  	v4 =	vadd.f32 $0.0e+00, v4;
	v5 =	vmul.f32 v5, v6;
	v6 =	vbroadcast v3, $0x2  }
0x1c4: {  	v9 =	vld [tilespmem:s30+$0x40]  }
0x1c5: {  	v4 =	vadd.f32 v5, v4;
	v5 =	vmul.f32 v7, v6;
	v6 =	vbroadcast v3, $0x3;
	_ =	sdelay $0x1  }
0x1c6: {  	v4 =	vadd.f32 v5, v4;
	v5 =	vmul.f32 v8, v6;
	v6 =	vbroadcast v3, $0x4;
	_ =	sdelay $0x1  }
0x1c7: {  	v4 =	vadd.f32 v5, v4;
	v5 =	vmul.f32 v9, v6;
	_ =	sdelay $0x1  }
0x1c8: {  	v4 =	vadd.f32 v5, v4;
	_ =	sdelay $0x1  }
0x1c9: {  	[tilespmem:s31+$0x0] =	vst v4  }
0x1ca: {  	v4 =	vld [tilespmem:s30+$0x50]  }
0x1cb: {  	v5 =	vld [tilespmem:s30+$0x60]  }
0x1cc: {  	v6 =	vld [tilespmem:s30+$0x70]  }
0x1cd: {  	v7 =	vbroadcast v3, $0x8;
	v8 =	vld [tilespmem:s30+$0x80]  }
0x1ce: {  	v9 =	vld [tilespmem:s30+$0x90]  }
0x1cf: {  	v4 =	vmul.f32 v4, v7;
	v7 =	vbroadcast v3, $0x9;
	_ =	sdelay $0x1  }
0x1d0: {  	v4 =	vadd.f32 $0.0e+00, v4;
	v5 =	vmul.f32 v5, v7;
	v7 =	vbroadcast v3, $0xA;
	_ =	sdelay $0x1  }
0x1d1: {  	v4 =	vadd.f32 v5, v4;
	v5 =	vmul.f32 v6, v7;
	v6 =	vbroadcast v3, $0xB;
	_ =	sdelay $0x1  }
0x1d2: {  	v3 =	vbroadcast v3, $0xC;
	v4 =	vadd.f32 v5, v4;
	v5 =	vmul.f32 v8, v6;
	_ =	sdelay $0x1  }
0x1d3: {  	v3 =	vmul.f32 v9, v3;
	v4 =	vadd.f32 v5, v4;
	_ =	sdelay $0x1  }
0x1d4: {  	v3 =	vadd.f32 v3, v4;
	_ =	sdelay $0x1  }
0x1d5: {  	[tilespmem:s31+$0x10] =	vst v3  }
0x1d6: {  	v3 =	vld [tilespmem:s30+$0xA0]  }
0x1d7: {  	v4 =	vld [tilespmem:s30+$0xB0]  }
0x1d8: {  	v5 =	vld [tilespmem:s30+$0xC0]  }
0x1d9: {  	v6 =	vbroadcast v2, $0x0;
	v7 =	vld [tilespmem:s30+$0xD0]  }
0x1da: {  	v8 =	vld [tilespmem:s30+$0xE0]  }
0x1db: {  	v3 =	vmul.f32 v3, v6;
	v6 =	vbroadcast v2, $0x1;
	_ =	sdelay $0x1  }
0x1dc: {  	v3 =	vadd.f32 $0.0e+00, v3;
	v4 =	vmul.f32 v4, v6;
	v6 =	vbroadcast v2, $0x2;
	_ =	sdelay $0x1  }
0x1dd: {  	v3 =	vadd.f32 v4, v3;
	v4 =	vmul.f32 v5, v6;
	v5 =	vbroadcast v2, $0x3;
	_ =	sdelay $0x1  }
0x1de: {  	v3 =	vadd.f32 v4, v3;
	v4 =	vmul.f32 v7, v5;
	v5 =	vbroadcast v2, $0x4;
	_ =	sdelay $0x1  }
0x1df: {  	v3 =	vadd.f32 v4, v3;
	v4 =	vmul.f32 v8, v5;
	_ =	sdelay $0x1  }
0x1e0: {  	v3 =	vadd.f32 v4, v3;
	_ =	sdelay $0x1  }
0x1e1: {  	[tilespmem:s31+$0x20] =	vst v3  }
0x1e2: {  	v3 =	vld [tilespmem:s30+$0xF0]  }
0x1e3: {  	v4 =	vld [tilespmem:s30+$0x100]  }
0x1e4: {  	v5 =	vld [tilespmem:s30+$0x110]  }
0x1e5: {  	v6 =	vbroadcast v2, $0x8;
	v7 =	vld [tilespmem:s30+$0x120]  }
0x1e6: {  	v8 =	vld [tilespmem:s30+$0x130]  }
0x1e7: {  	v3 =	vmul.f32 v3, v6;
	v6 =	vbroadcast v2, $0x9;
	_ =	sdelay $0x1  }
0x1e8: {  	v3 =	vadd.f32 $0.0e+00, v3;
	v4 =	vmul.f32 v4, v6;
	v6 =	vbroadcast v2, $0xA;
	_ =	sdelay $0x1  }
0x1e9: {  	v3 =	vadd.f32 v4, v3;
	v4 =	vmul.f32 v5, v6;
	v5 =	vbroadcast v2, $0xB;
	_ =	sdelay $0x1  }
0x1ea: {  	v2 =	vbroadcast v2, $0xC;
	v3 =	vadd.f32 v4, v3;
	v4 =	vmul.f32 v7, v5;
	_ =	sdelay $0x1  }
0x1eb: {  	v2 =	vmul.f32 v8, v2;
	v3 =	vadd.f32 v4, v3;
	_ =	sdelay $0x1  }
0x1ec: {  	v2 =	vadd.f32 v2, v3;
	_ =	sdelay $0x1  }
0x1ed: {  	[tilespmem:s31+$0x30] =	vst v2  }
0x1ee: {  	v2 =	vld [tilespmem:s30+$0x140]  }
0x1ef: {  	v3 =	vld [tilespmem:s30+$0x150]  }
0x1f0: {  	v4 =	vld [tilespmem:s30+$0x160]  }
0x1f1: {  	v5 =	vbroadcast v1, $0x0;
	v6 =	vld [tilespmem:s30+$0x170]  }
0x1f2: {  	v7 =	vld [tilespmem:s30+$0x180]  }
0x1f3: {  	v2 =	vmul.f32 v2, v5;
	v5 =	vbroadcast v1, $0x1;
	_ =	sdelay $0x1  }
0x1f4: {  	v2 =	vadd.f32 $0.0e+00, v2;
	v3 =	vmul.f32 v3, v5;
	v5 =	vbroadcast v1, $0x2;
	_ =	sdelay $0x1  }
0x1f5: {  	v2 =	vadd.f32 v3, v2;
	v3 =	vmul.f32 v4, v5;
	v4 =	vbroadcast v1, $0x3;
	_ =	sdelay $0x1  }
0x1f6: {  	v2 =	vadd.f32 v3, v2;
	v3 =	vmul.f32 v6, v4;
	v4 =	vbroadcast v1, $0x4;
	_ =	sdelay $0x1  }
0x1f7: {  	v2 =	vadd.f32 v3, v2;
	v3 =	vmul.f32 v7, v4;
	_ =	sdelay $0x1  }
0x1f8: {  	v2 =	vadd.f32 v3, v2;
	_ =	sdelay $0x1  }
0x1f9: {  	[tilespmem:s31+$0x40] =	vst v2  }
0x1fa: {  	v2 =	vld [tilespmem:s30+$0x190]  }
0x1fb: {  	v3 =	vld [tilespmem:s30+$0x1A0]  }
0x1fc: {  	v4 =	vld [tilespmem:s30+$0x1B0]  }
0x1fd: {  	v5 =	vbroadcast v1, $0x8;
	v6 =	vld [tilespmem:s30+$0x1C0]  }
0x1fe: {  	v7 =	vld [tilespmem:s30+$0x1D0]  }
0x1ff: {  	v2 =	vmul.f32 v2, v5;
	v5 =	vbroadcast v1, $0x9;
	_ =	sdelay $0x1  }
0x200: {  	v2 =	vadd.f32 $0.0e+00, v2;
	v3 =	vmul.f32 v3, v5;
	v5 =	vbroadcast v1, $0xA;
	_ =	sdelay $0x1  }
0x201: {  	v2 =	vadd.f32 v3, v2;
	v3 =	vmul.f32 v4, v5;
	v4 =	vbroadcast v1, $0xB;
	_ =	sdelay $0x1  }
0x202: {  	v1 =	vbroadcast v1, $0xC;
	v2 =	vadd.f32 v3, v2;
	v3 =	vmul.f32 v6, v4;
	_ =	sdelay $0x1  }
0x203: {  	v1 =	vmul.f32 v7, v1;
	v2 =	vadd.f32 v3, v2;
	_ =	sdelay $0x1  }
0x204: {  	v1 =	vadd.f32 v1, v2;
	_ =	sdelay $0x1  }
0x205: {  	[tilespmem:s31+$0x50] =	vst v1  }
0x206: {  	v1 =	vld [tilespmem:s30+$0x1E0]  }
0x207: {  	v2 =	vld [tilespmem:s30+$0x1F0]  }
0x208: {  	v3 =	vld [tilespmem:s30+$0x200]  }
0x209: {  	v4 =	vbroadcast v0, $0x0;
	v5 =	vld [tilespmem:s30+$0x210]  }
0x20a: {  	v6 =	vld [tilespmem:s30+$0x220]  }
0x20b: {  	v1 =	vmul.f32 v1, v4;
	v4 =	vbroadcast v0, $0x1;
	_ =	sdelay $0x1  }
0x20c: {  	v1 =	vadd.f32 $0.0e+00, v1;
	v2 =	vmul.f32 v2, v4;
	v4 =	vbroadcast v0, $0x2;
	_ =	sdelay $0x1  }
0x20d: {  	v1 =	vadd.f32 v2, v1;
	v2 =	vmul.f32 v3, v4;
	v3 =	vbroadcast v0, $0x3;
	_ =	sdelay $0x1  }
0x20e: {  	v1 =	vadd.f32 v2, v1;
	v2 =	vmul.f32 v5, v3;
	v3 =	vbroadcast v0, $0x4;
	_ =	sdelay $0x1  }
0x20f: {  	v1 =	vadd.f32 v2, v1;
	v2 =	vmul.f32 v6, v3;
	_ =	sdelay $0x1  }
0x210: {  	v1 =	vadd.f32 v2, v1;
	_ =	sdelay $0x1  }
0x211: {  	[tilespmem:s31+$0x60] =	vst v1  }
0x212: {  	v1 =	vld [tilespmem:s30+$0x230]  }
0x213: {  	v2 =	vld [tilespmem:s30+$0x240]  }
0x214: {  	v3 =	vld [tilespmem:s30+$0x250]  }
0x215: {  	v4 =	vbroadcast v0, $0x8;
	v5 =	vld [tilespmem:s30+$0x260]  }
0x216: {  	v6 =	vld [tilespmem:s30+$0x270]  }
0x217: {  	v1 =	vmul.f32 v1, v4;
	v4 =	vbroadcast v0, $0x9;
	_ =	sdelay $0x1  }
0x218: {  	v1 =	vadd.f32 $0.0e+00, v1;
	v2 =	vmul.f32 v2, v4;
	v4 =	vbroadcast v0, $0xA;
	_ =	sdelay $0x1  }
0x219: {  	v1 =	vadd.f32 v2, v1;
	v2 =	vmul.f32 v3, v4;
	v3 =	vbroadcast v0, $0xB;
	_ =	sdelay $0x1  }
0x21a: {  	v0 =	vbroadcast v0, $0xC;
	v1 =	vadd.f32 v2, v1;
	v2 =	vmul.f32 v5, v3  }
.Ltmp0:
0x21b: {  	(pc) =	sbr.rel @p0 .LBB2_2-.Ltmp0, $3  }
0x21c: {  	v0 =	vmul.f32 v6, v0;
	v1 =	vadd.f32 v2, v1;
	_ =	sdelay $0x1  }
0x21d: {  	v0 =	vadd.f32 v0, v1  }
0x21e: {  	s9 =	smov.u32 s11;
	s31 =	sadd.s32 $0x100, s31  }
0x21f: {  	s9 =	sshra.s32 s0, $0x2;
	[tilespmem:s1+$0x70] =	vst v0  }
0x220: {  	v5 =	vld [tilespmem:s9+$0xAA00]  }
0x221: {  	s30 =	sadd.s32 $0x500, s30  }
0x222: {  	v0 =	vld [tilespmem:s30+$0xFFFFFD80];
	_ =	sdelay $0x1  }
0x223: {  	v1 =	vld [tilespmem:s30+$0xFFFFFD90]  }
0x224: {  	v2 =	vbroadcast v5, $0x0  }
0x225: {  	v3 =	vld [tilespmem:s30+$0xFFFFFDA0]  }
0x226: {  	v4 =	vbroadcast v5, $0x1;
	v0 =	vmul.f32 v0, v2  }
0x227: {  	v56 =	vld [tilespmem:s30+$0xFFFFFDB0]  }
0x228: {  	v6 =	vbroadcast v5, $0x2;
	v1 =	vmul.f32 v1, v4;
	v0 =	vadd.f32 $0.0e+00, v0  }
0x229: {  	v57 =	vld [tilespmem:s30+$0xFFFFFDC0]  }
0x22a: {  	v7 =	vbroadcast v5, $0x3;
	v3 =	vmul.f32 v3, v6;
	v8 =	vadd.f32 v1, v0;
	_ =	sdelay $0x1  }
0x22b: {  	v59 =	vld [tilespmem:s9+$0xAA10];
	v58 =	vbroadcast v5, $0x4;
	v7 =	vmul.f32 v56, v7;
	v8 =	vadd.f32 v3, v8  }
0x22c: {  	v2 =	vld [tilespmem:s9+$0xAA50]  }
0x22d: {  	v6 =	vmul.f32 v57, v58;
	v4 =	vld [tilespmem:s9+$0xAA30];
	v7 =	vadd.f32 v7, v8  }
0x22e: {  	v0 =	vld [tilespmem:s9+$0xAA70]  }
0x22f: {  	v1 =	vld [tilespmem:s9+$0xAA60];
	v6 =	vadd.f32 v6, v7  }
0x230: {  	v3 =	vld [tilespmem:s9+$0xAA40]  }
0x231: {  	v8 =	vld [tilespmem:s9+$0xAA20];
	[tilespmem:s31+$0xFFFFFF80] =	vst v6  }
0x232: {  	v6 =	vld [tilespmem:s30+$0xFFFFFDD0];
	_ =	sdelay $0x1  }
0x233: {  	v9 =	vld [tilespmem:s30+$0xFFFFFDE0]  }
0x234: {  	v10 =	vbroadcast v5, $0x8  }
0x235: {  	v11 =	vld [tilespmem:s30+$0xFFFFFDF0]  }
0x236: {  	v60 =	vbroadcast v5, $0x9;
	v6 =	vmul.f32 v6, v10  }
0x237: {  	v12 =	vld [tilespmem:s30+$0xFFFFFE00]  }
0x238: {  	v61 =	vbroadcast v5, $0xA;
	v9 =	vmul.f32 v9, v60;
	v6 =	vadd.f32 $0.0e+00, v6  }
0x239: {  	v13 =	vld [tilespmem:s30+$0xFFFFFE10]  }
0x23a: {  	v63 =	vbroadcast v5, $0xB;
	v62 =	vmul.f32 v11, v61;
	v6 =	vadd.f32 v9, v6;
	_ =	sdelay $0x1  }
0x23b: {  	v5 =	vbroadcast v5, $0xC;
	v12 =	vmul.f32 v12, v63;
	v6 =	vadd.f32 v62, v6;
	_ =	sdelay $0x1  }
0x23c: {  	v5 =	vmul.f32 v13, v5;
	v6 =	vadd.f32 v12, v6;
	_ =	sdelay $0x1  }
0x23d: {  	v5 =	vadd.f32 v5, v6;
	_ =	sdelay $0x1  }
0x23e: {  	[tilespmem:s31+$0xFFFFFF90] =	vst v5  }
0x23f: {  	v5 =	vld [tilespmem:s30+$0xFFFFFE20];
	_ =	sdelay $0x1  }
0x240: {  	v14 =	vld [tilespmem:s30+$0xFFFFFE30]  }
0x241: {  	v15 =	vbroadcast v59, $0x0  }
0x242: {  	v16 =	vld [tilespmem:s30+$0xFFFFFE40]  }
0x243: {  	v17 =	vbroadcast v59, $0x1;
	v5 =	vmul.f32 v5, v15  }
0x244: {  	v18 =	vld [tilespmem:s30+$0xFFFFFE50]  }
0x245: {  	v19 =	vbroadcast v59, $0x2;
	v6 =	vmul.f32 v14, v17;
	v5 =	vadd.f32 $0.0e+00, v5  }
0x246: {  	v20 =	vld [tilespmem:s30+$0xFFFFFE60]  }
0x247: {  	v22 =	vbroadcast v59, $0x3;
	v21 =	vmul.f32 v16, v19;
	v5 =	vadd.f32 v6, v5;
	_ =	sdelay $0x1  }
0x248: {  	v24 =	vbroadcast v59, $0x4;
	v23 =	vmul.f32 v18, v22;
	v5 =	vadd.f32 v21, v5;
	_ =	sdelay $0x1  }
0x249: {  	v25 =	vmul.f32 v20, v24;
	v5 =	vadd.f32 v23, v5;
	_ =	sdelay $0x1  }
0x24a: {  	v5 =	vadd.f32 v25, v5;
	_ =	sdelay $0x1  }
0x24b: {  	[tilespmem:s31+$0xFFFFFFA0] =	vst v5  }
0x24c: {  	v5 =	vld [tilespmem:s30+$0xFFFFFE70];
	_ =	sdelay $0x1  }
0x24d: {  	v26 =	vld [tilespmem:s30+$0xFFFFFE80]  }
0x24e: {  	v27 =	vbroadcast v59, $0x8  }
0x24f: {  	v28 =	vld [tilespmem:s30+$0xFFFFFE90]  }
0x250: {  	v29 =	vbroadcast v59, $0x9;
	v5 =	vmul.f32 v5, v27  }
0x251: {  	v30 =	vld [tilespmem:s30+$0xFFFFFEA0]  }
0x252: {  	v31 =	vbroadcast v59, $0xA;
	v6 =	vmul.f32 v26, v29;
	v5 =	vadd.f32 $0.0e+00, v5  }
0x253: {  	v32 =	vld [tilespmem:s30+$0xFFFFFEB0]  }
0x254: {  	v34 =	vbroadcast v59, $0xB;
	v33 =	vmul.f32 v28, v31;
	v5 =	vadd.f32 v6, v5;
	_ =	sdelay $0x1  }
0x255: {  	v7 =	vbroadcast v59, $0xC;
	v35 =	vmul.f32 v30, v34;
	v5 =	vadd.f32 v33, v5;
	_ =	sdelay $0x1  }
0x256: {  	v36 =	vmul.f32 v32, v7;
	v5 =	vadd.f32 v35, v5;
	_ =	sdelay $0x1  }
0x257: {  	v5 =	vadd.f32 v36, v5;
	_ =	sdelay $0x1  }
0x258: {  	[tilespmem:s31+$0xFFFFFFB0] =	vst v5  }
0x259: {  	v5 =	vld [tilespmem:s30+$0xFFFFFEC0];
	_ =	sdelay $0x1  }
0x25a: {  	v37 =	vld [tilespmem:s30+$0xFFFFFED0]  }
0x25b: {  	v38 =	vbroadcast v8, $0x0  }
0x25c: {  	v39 =	vld [tilespmem:s30+$0xFFFFFEE0]  }
0x25d: {  	v40 =	vbroadcast v8, $0x1;
	v5 =	vmul.f32 v5, v38  }
0x25e: {  	v41 =	vld [tilespmem:s30+$0xFFFFFEF0]  }
0x25f: {  	v42 =	vbroadcast v8, $0x2;
	v6 =	vmul.f32 v37, v40;
	v5 =	vadd.f32 $0.0e+00, v5  }
0x260: {  	v43 =	vld [tilespmem:s30+$0xFFFFFF00]  }
0x261: {  	v45 =	vbroadcast v8, $0x3;
	v44 =	vmul.f32 v39, v42;
	v5 =	vadd.f32 v6, v5;
	_ =	sdelay $0x1  }
0x262: {  	v47 =	vbroadcast v8, $0x4;
	v46 =	vmul.f32 v41, v45;
	v5 =	vadd.f32 v44, v5;
	_ =	sdelay $0x1  }
0x263: {  	v48 =	vmul.f32 v43, v47;
	v5 =	vadd.f32 v46, v5;
	_ =	sdelay $0x1  }
0x264: {  	v5 =	vadd.f32 v48, v5;
	_ =	sdelay $0x1  }
0x265: {  	[tilespmem:s31+$0xFFFFFFC0] =	vst v5  }
0x266: {  	v5 =	vld [tilespmem:s30+$0xFFFFFF10];
	_ =	sdelay $0x1  }
0x267: {  	v49 =	vld [tilespmem:s30+$0xFFFFFF20]  }
0x268: {  	v50 =	vbroadcast v8, $0x8  }
0x269: {  	v51 =	vld [tilespmem:s30+$0xFFFFFF30]  }
0x26a: {  	v52 =	vbroadcast v8, $0x9;
	v5 =	vmul.f32 v5, v50  }
0x26b: {  	v53 =	vld [tilespmem:s30+$0xFFFFFF40]  }
0x26c: {  	v54 =	vbroadcast v8, $0xA;
	v6 =	vmul.f32 v49, v52;
	v5 =	vadd.f32 $0.0e+00, v5  }
0x26d: {  	v55 =	vld [tilespmem:s30+$0xFFFFFF50]  }
0x26e: {  	v57 =	vbroadcast v8, $0xB;
	v56 =	vmul.f32 v51, v54;
	v5 =	vadd.f32 v6, v5;
	_ =	sdelay $0x1  }
0x26f: {  	v59 =	vbroadcast v8, $0xC;
	v58 =	vmul.f32 v53, v57;
	v5 =	vadd.f32 v56, v5;
	_ =	sdelay $0x1  }
0x270: {  	v60 =	vmul.f32 v55, v59;
	v5 =	vadd.f32 v58, v5;
	_ =	sdelay $0x1  }
0x271: {  	v5 =	vadd.f32 v60, v5;
	_ =	sdelay $0x1  }
0x272: {  	[tilespmem:s31+$0xFFFFFFD0] =	vst v5  }
0x273: {  	v5 =	vld [tilespmem:s30+$0xFFFFFF60];
	_ =	sdelay $0x1  }
0x274: {  	v61 =	vld [tilespmem:s30+$0xFFFFFF70]  }
0x275: {  	v62 =	vbroadcast v4, $0x0  }
0x276: {  	v63 =	vld [tilespmem:s30+$0xFFFFFF80]  }
0x277: {  	v12 =	vbroadcast v4, $0x1;
	v5 =	vmul.f32 v5, v62  }
0x278: {  	v13 =	vld [tilespmem:s30+$0xFFFFFF90]  }
0x279: {  	v14 =	vbroadcast v4, $0x2;
	v6 =	vmul.f32 v61, v12;
	v5 =	vadd.f32 $0.0e+00, v5  }
0x27a: {  	v15 =	vld [tilespmem:s30+$0xFFFFFFA0]  }
0x27b: {  	v17 =	vbroadcast v4, $0x3;
	v16 =	vmul.f32 v63, v14;
	v5 =	vadd.f32 v6, v5;
	_ =	sdelay $0x1  }
0x27c: {  	v19 =	vbroadcast v4, $0x4;
	v18 =	vmul.f32 v13, v17;
	v5 =	vadd.f32 v16, v5;
	_ =	sdelay $0x1  }
0x27d: {  	v20 =	vmul.f32 v15, v19;
	v5 =	vadd.f32 v18, v5;
	_ =	sdelay $0x1  }
0x27e: {  	v5 =	vadd.f32 v20, v5;
	_ =	sdelay $0x1  }
0x27f: {  	[tilespmem:s31+$0xFFFFFFE0] =	vst v5  }
0x280: {  	v5 =	vld [tilespmem:s30+$0xFFFFFFB0];
	_ =	sdelay $0x1  }
0x281: {  	v21 =	vld [tilespmem:s30+$0xFFFFFFC0]  }
0x282: {  	v22 =	vbroadcast v4, $0x8  }
0x283: {  	v23 =	vld [tilespmem:s30+$0xFFFFFFD0]  }
0x284: {  	v24 =	vbroadcast v4, $0x9;
	v5 =	vmul.f32 v5, v22  }
0x285: {  	v25 =	vld [tilespmem:s30+$0xFFFFFFE0]  }
0x286: {  	v26 =	vbroadcast v4, $0xA;
	v6 =	vmul.f32 v21, v24;
	v5 =	vadd.f32 $0.0e+00, v5  }
0x287: {  	v27 =	vld [tilespmem:s30+$0xFFFFFFF0]  }
0x288: {  	v29 =	vbroadcast v4, $0xB;
	v28 =	vmul.f32 v23, v26;
	v5 =	vadd.f32 v6, v5;
	_ =	sdelay $0x1  }
0x289: {  	v4 =	vbroadcast v4, $0xC;
	v30 =	vmul.f32 v25, v29;
	v5 =	vadd.f32 v28, v5;
	_ =	sdelay $0x1  }
0x28a: {  	v4 =	vmul.f32 v27, v4;
	v5 =	vadd.f32 v30, v5;
	_ =	sdelay $0x1  }
0x28b: {  	v4 =	vadd.f32 v4, v5;
	_ =	sdelay $0x1  }
0x28c: {  	[tilespmem:s31+$0xFFFFFFF0] =	vst v4  }
0x28d: {  	v4 =	vld [tilespmem:s30+$0x0];
	_ =	sdelay $0x1  }
0x28e: {  	v31 =	vld [tilespmem:s30+$0x10]  }
0x28f: {  	v32 =	vbroadcast v3, $0x0  }
0x290: {  	v33 =	vld [tilespmem:s30+$0x20]  }
0x291: {  	v34 =	vbroadcast v3, $0x1;
	v4 =	vmul.f32 v4, v32  }
0x292: {  	v35 =	vld [tilespmem:s30+$0x30]  }
0x293: {  	v36 =	vbroadcast v3, $0x2;
	v5 =	vmul.f32 v31, v34;
	v4 =	vadd.f32 $0.0e+00, v4  }
0x294: {  	v37 =	vld [tilespmem:s30+$0x40]  }
0x295: {  	v39 =	vbroadcast v3, $0x3;
	v38 =	vmul.f32 v33, v36;
	v4 =	vadd.f32 v5, v4;
	_ =	sdelay $0x1  }
0x296: {  	v41 =	vbroadcast v3, $0x4;
	v40 =	vmul.f32 v35, v39;
	v4 =	vadd.f32 v38, v4;
	_ =	sdelay $0x1  }
0x297: {  	v42 =	vmul.f32 v37, v41;
	v4 =	vadd.f32 v40, v4;
	_ =	sdelay $0x1  }
0x298: {  	v4 =	vadd.f32 v42, v4;
	_ =	sdelay $0x1  }
0x299: {  	[tilespmem:s31+$0x0] =	vst v4  }
0x29a: {  	v4 =	vld [tilespmem:s30+$0x50];
	_ =	sdelay $0x1  }
0x29b: {  	v43 =	vld [tilespmem:s30+$0x60]  }
0x29c: {  	v44 =	vbroadcast v3, $0x8  }
0x29d: {  	v45 =	vld [tilespmem:s30+$0x70]  }
0x29e: {  	v46 =	vbroadcast v3, $0x9;
	v4 =	vmul.f32 v4, v44  }
0x29f: {  	v47 =	vld [tilespmem:s30+$0x80]  }
0x2a0: {  	v48 =	vbroadcast v3, $0xA;
	v5 =	vmul.f32 v43, v46;
	v4 =	vadd.f32 $0.0e+00, v4  }
0x2a1: {  	v49 =	vld [tilespmem:s30+$0x90]  }
0x2a2: {  	v51 =	vbroadcast v3, $0xB;
	v50 =	vmul.f32 v45, v48;
	v4 =	vadd.f32 v5, v4;
	_ =	sdelay $0x1  }
0x2a3: {  	v3 =	vbroadcast v3, $0xC;
	v52 =	vmul.f32 v47, v51;
	v4 =	vadd.f32 v50, v4;
	_ =	sdelay $0x1  }
0x2a4: {  	v3 =	vmul.f32 v49, v3;
	v4 =	vadd.f32 v52, v4;
	_ =	sdelay $0x1  }
0x2a5: {  	v3 =	vadd.f32 v3, v4;
	_ =	sdelay $0x1  }
0x2a6: {  	[tilespmem:s31+$0x10] =	vst v3  }
0x2a7: {  	v3 =	vld [tilespmem:s30+$0xA0];
	_ =	sdelay $0x1  }
0x2a8: {  	v53 =	vld [tilespmem:s30+$0xB0]  }
0x2a9: {  	v54 =	vbroadcast v2, $0x0  }
0x2aa: {  	v55 =	vld [tilespmem:s30+$0xC0]  }
0x2ab: {  	v56 =	vbroadcast v2, $0x1;
	v3 =	vmul.f32 v3, v54  }
0x2ac: {  	v57 =	vld [tilespmem:s30+$0xD0]  }
0x2ad: {  	v58 =	vbroadcast v2, $0x2;
	v4 =	vmul.f32 v53, v56;
	v3 =	vadd.f32 $0.0e+00, v3  }
0x2ae: {  	v59 =	vld [tilespmem:s30+$0xE0]  }
0x2af: {  	v61 =	vbroadcast v2, $0x3;
	v60 =	vmul.f32 v55, v58;
	v3 =	vadd.f32 v4, v3;
	_ =	sdelay $0x1  }
0x2b0: {  	v63 =	vbroadcast v2, $0x4;
	v62 =	vmul.f32 v57, v61;
	v3 =	vadd.f32 v60, v3;
	_ =	sdelay $0x1  }
0x2b1: {  	v9 =	vmul.f32 v59, v63;
	v3 =	vadd.f32 v62, v3;
	_ =	sdelay $0x1  }
0x2b2: {  	v3 =	vadd.f32 v9, v3;
	_ =	sdelay $0x1  }
0x2b3: {  	[tilespmem:s31+$0x20] =	vst v3  }
0x2b4: {  	v3 =	vld [tilespmem:s30+$0xF0];
	_ =	sdelay $0x1  }
0x2b5: {  	v10 =	vld [tilespmem:s30+$0x100]  }
0x2b6: {  	v11 =	vbroadcast v2, $0x8  }
0x2b7: {  	v12 =	vld [tilespmem:s30+$0x110]  }
0x2b8: {  	v13 =	vbroadcast v2, $0x9;
	v3 =	vmul.f32 v3, v11  }
0x2b9: {  	v14 =	vld [tilespmem:s30+$0x120]  }
0x2ba: {  	v15 =	vbroadcast v2, $0xA;
	v4 =	vmul.f32 v10, v13;
	v3 =	vadd.f32 $0.0e+00, v3  }
0x2bb: {  	v16 =	vld [tilespmem:s30+$0x130]  }
0x2bc: {  	v18 =	vbroadcast v2, $0xB;
	v17 =	vmul.f32 v12, v15;
	v3 =	vadd.f32 v4, v3;
	_ =	sdelay $0x1  }
0x2bd: {  	v2 =	vbroadcast v2, $0xC;
	v19 =	vmul.f32 v14, v18;
	v3 =	vadd.f32 v17, v3;
	_ =	sdelay $0x1  }
0x2be: {  	v2 =	vmul.f32 v16, v2;
	v3 =	vadd.f32 v19, v3;
	_ =	sdelay $0x1  }
0x2bf: {  	v2 =	vadd.f32 v2, v3;
	_ =	sdelay $0x1  }
0x2c0: {  	[tilespmem:s31+$0x30] =	vst v2  }
0x2c1: {  	v2 =	vld [tilespmem:s30+$0x140];
	_ =	sdelay $0x1  }
0x2c2: {  	v20 =	vld [tilespmem:s30+$0x150]  }
0x2c3: {  	v21 =	vbroadcast v1, $0x0  }
0x2c4: {  	v22 =	vld [tilespmem:s30+$0x160]  }
0x2c5: {  	v23 =	vbroadcast v1, $0x1;
	v2 =	vmul.f32 v2, v21  }
0x2c6: {  	v24 =	vld [tilespmem:s30+$0x170]  }
0x2c7: {  	v25 =	vbroadcast v1, $0x2;
	v3 =	vmul.f32 v20, v23;
	v2 =	vadd.f32 $0.0e+00, v2  }
0x2c8: {  	v26 =	vld [tilespmem:s30+$0x180]  }
0x2c9: {  	v28 =	vbroadcast v1, $0x3;
	v27 =	vmul.f32 v22, v25;
	v2 =	vadd.f32 v3, v2;
	_ =	sdelay $0x1  }
0x2ca: {  	v30 =	vbroadcast v1, $0x4;
	v29 =	vmul.f32 v24, v28;
	v2 =	vadd.f32 v27, v2;
	_ =	sdelay $0x1  }
0x2cb: {  	v31 =	vmul.f32 v26, v30;
	v2 =	vadd.f32 v29, v2;
	_ =	sdelay $0x1  }
0x2cc: {  	v2 =	vadd.f32 v31, v2;
	_ =	sdelay $0x1  }
0x2cd: {  	[tilespmem:s31+$0x40] =	vst v2  }
0x2ce: {  	v2 =	vld [tilespmem:s30+$0x190];
	_ =	sdelay $0x1  }
0x2cf: {  	v32 =	vld [tilespmem:s30+$0x1A0]  }
0x2d0: {  	v33 =	vbroadcast v1, $0x8  }
0x2d1: {  	v34 =	vld [tilespmem:s30+$0x1B0]  }
0x2d2: {  	v35 =	vbroadcast v1, $0x9;
	v2 =	vmul.f32 v2, v33  }
0x2d3: {  	v36 =	vld [tilespmem:s30+$0x1C0]  }
0x2d4: {  	v37 =	vbroadcast v1, $0xA;
	v3 =	vmul.f32 v32, v35;
	v2 =	vadd.f32 $0.0e+00, v2  }
0x2d5: {  	v38 =	vld [tilespmem:s30+$0x1D0]  }
0x2d6: {  	v40 =	vbroadcast v1, $0xB;
	v39 =	vmul.f32 v34, v37;
	v2 =	vadd.f32 v3, v2;
	_ =	sdelay $0x1  }
0x2d7: {  	v1 =	vbroadcast v1, $0xC;
	v41 =	vmul.f32 v36, v40;
	v2 =	vadd.f32 v39, v2;
	_ =	sdelay $0x1  }
0x2d8: {  	v1 =	vmul.f32 v38, v1;
	v2 =	vadd.f32 v41, v2;
	_ =	sdelay $0x1  }
0x2d9: {  	v1 =	vadd.f32 v1, v2;
	_ =	sdelay $0x1  }
0x2da: {  	[tilespmem:s31+$0x50] =	vst v1  }
0x2db: {  	v1 =	vld [tilespmem:s30+$0x1E0];
	_ =	sdelay $0x1  }
0x2dc: {  	v42 =	vld [tilespmem:s30+$0x1F0]  }
0x2dd: {  	v43 =	vbroadcast v0, $0x0  }
0x2de: {  	v44 =	vld [tilespmem:s30+$0x200]  }
0x2df: {  	v45 =	vbroadcast v0, $0x1;
	v1 =	vmul.f32 v1, v43  }
0x2e0: {  	v46 =	vld [tilespmem:s30+$0x210]  }
0x2e1: {  	v47 =	vbroadcast v0, $0x2;
	v2 =	vmul.f32 v42, v45;
	v1 =	vadd.f32 $0.0e+00, v1  }
0x2e2: {  	v48 =	vld [tilespmem:s30+$0x220]  }
0x2e3: {  	v50 =	vbroadcast v0, $0x3;
	v49 =	vmul.f32 v44, v47;
	v1 =	vadd.f32 v2, v1;
	_ =	sdelay $0x1  }
0x2e4: {  	v52 =	vbroadcast v0, $0x4;
	v51 =	vmul.f32 v46, v50;
	v1 =	vadd.f32 v49, v1;
	_ =	sdelay $0x1  }
0x2e5: {  	v53 =	vmul.f32 v48, v52;
	v1 =	vadd.f32 v51, v1;
	_ =	sdelay $0x1  }
0x2e6: {  	v1 =	vadd.f32 v53, v1;
	_ =	sdelay $0x1  }
0x2e7: {  	[tilespmem:s31+$0x60] =	vst v1  }
0x2e8: {  	v1 =	vld [tilespmem:s30+$0x230];
	_ =	sdelay $0x1  }
0x2e9: {  	v54 =	vld [tilespmem:s30+$0x240]  }
0x2ea: {  	v55 =	vbroadcast v0, $0x8  }
0x2eb: {  	v56 =	vld [tilespmem:s30+$0x250]  }
0x2ec: {  	v57 =	vbroadcast v0, $0x9;
	v1 =	vmul.f32 v1, v55  }
0x2ed: {  	v58 =	vld [tilespmem:s30+$0x260]  }
0x2ee: {  	v59 =	vbroadcast v0, $0xA;
	v2 =	vmul.f32 v54, v57;
	v1 =	vadd.f32 $0.0e+00, v1  }
0x2ef: {  	v60 =	vld [tilespmem:s30+$0x270]  }
0x2f0: {  	v62 =	vbroadcast v0, $0xB;
	v61 =	vmul.f32 v56, v59;
	v1 =	vadd.f32 v2, v1;
	_ =	sdelay $0x1  }
0x2f1: {  	v0 =	vbroadcast v0, $0xC;
	v63 =	vmul.f32 v58, v62;
	v1 =	vadd.f32 v61, v1;
	_ =	sdelay $0x1  }
0x2f2: {  	v0 =	vmul.f32 v60, v0;
	v1 =	vadd.f32 v63, v1;
	_ =	sdelay $0x1  }
0x2f3: {  	s29 =	sadd.s32 $0x1, s29;
	v0 =	vadd.f32 v0, v1  }
0x2f4: {  	p0 =	sne.s32 s29, s7  }
.Ltmp1:
0x2f5: {  	[tilespmem:s31+$0x70] =	vst v0;
	(pc) =	sbr.rel @p0 .LBB2_1-.Ltmp1, $4  }
0x2f6: {  	[hbm4b:s6+s3] =	stream.linear.scatter [tilespmem:s28], [sflag:$0x2], $0x2000, $0x38;
	[tilespmem:$0xDA00] =	vst v63  }
0x2f7: {  	_ =	swait.ge [sflag:s8], $0x2000  }
0x2f8: {  	[sflag:s8] =	ssyncset.done $0x0  }
0x2f9: {  	[sflag:s8] =	ssyncadd.s32 $0xFFFFE000  }
0x2fa: {  	_ =	sfence.sel $0x180000  }
0x2fb: {  	[bflag:$0x0] =	sbarrier.arrive $0xFFFF  }
0x2fc: {  	_ =	strace $0x90000047  }
0x2fd: {  	s0 =	stileid.u32;
	[bflag:$0x2] =	sbarrier.arrive $0xFFFF  }
0x2fe: {  	p0 =	sne.s32 s0, $0x0;
	s0 =	rddreg [dreg:$0x2]  }
0x2ff: {  	s0 =	sadd.s32 @!p0 $0x100000, s0  }
0x300: {  	[sflag:s0] =	ssyncadd.tile.s32 @!p0 $0x1;
	_ =	shalt  }
.Lfunc_end2:
_tile_overlayer_lowered:
.L_overlay_start_2:
0x301: {  	(tag) =	ssettag $0x2  }
0x302: {  	s0 =	rddreg [dreg:$0x0];
	s2 =	stileid.u32  }
0x303: {  	s1 =	rddreg [dreg:$0x1];
	p0 =	sne.s32 s2, $0x0  }
0x304: {  	s3 =	rddreg [dreg:$0x2];
	[bflag:$0x3] =	sbarrier.arrive $0xFFFF;
	s2 =	simm.s32 @!p0 $0x1C02  }
0x305: {  	[timem:s3], [sflag:s2] =	dma.local @!p0 [hbm:s0], s1  }
0x306: {  	s0 =	simm.s32 @!p0 $0x2  }
0x307: {  	_ =	swait.ge @!p0 [sflag:s0], s1  }
0x308: {  	s1 =	ssub.s32 @!p0 $0x0, s1;
	[sflag:s0] =	ssyncset.done @!p0 $0x0  }
0x309: {  	[sflag:s0] =	ssyncadd.s32 @!p0 s1  }
0x30a: {  	[bflag:$0x3] =	sbarrier.arrive $0xFFFF  }
0x30b: {  	_ =	shalt  }

</sc_bundles>
